<compile_context>
chip_gen: v7x
topology: tpu7x:2x2x1
jax: 0.10.2.dev20260603
libtpu: 0.0.44.dev20260713+nightly
codegen_flags: <defaults>
</compile_context>

<pallas_src>
import functools

import jax
import jax.numpy as jnp
from jax import lax
from jax.experimental import pallas as pl
from jax.experimental.pallas import tpu as pltpu
from jax.experimental.pallas import tpu_sc as plsc

N = 10000
F = 128
E = 320000
NC = 2
NS = 16
NW = NC * NS
B = 128
NCH = 80
EPW = B * NCH
EPAD = NW * EPW
NPAD = 10016
RINIT = 1000
RCOPY = 2000

SZ0 = (40, 40)
SZ1 = (40, 40)
K0 = sum(SZ0)
K1 = sum(SZ1)
KSTMAX = max(SZ0)
C1BASE = NS * K0
TOTCH = C1BASE + NS * K1
CAP_E = TOTCH * B

_mesh = plsc.VectorSubcoreMesh(core_axis_name="c", subcore_axis_name="s")



@functools.partial(
    pl.kernel,
    out_type=jax.ShapeDtypeStruct((NC, N, F), jnp.float32),
    mesh=_mesh,
    scratch_types=[
        pltpu.VMEM((NCH, B), jnp.int32),
        pltpu.VMEM((B, F), jnp.float32),
        pltpu.VMEM_SHARED((NPAD, F), jnp.float32),
    ],
)
def _sc_degree(col3, ones_hbm, zrows_hbm, dout, cidx, onesv, dacc):
    c = lax.axis_index("c")
    s = lax.axis_index("s")
    wid = s * NC + c
    pltpu.sync_copy(col3.at[wid], cidx)
    pltpu.sync_copy(ones_hbm, onesv)

    @pl.when(s < 10)
    def _():
        pltpu.sync_copy(zrows_hbm, dacc.at[pl.ds(s * RINIT, RINIT)])

    plsc.subcore_barrier()

    def body(j, carry):
        pltpu.sync_copy(onesv, dacc.at[cidx.at[j]], add=True)
        return carry

    lax.fori_loop(0, NCH, body, 0)
    plsc.subcore_barrier()

    @pl.when(s < 5)
    def _():
        pltpu.sync_copy(dacc.at[pl.ds(s * RCOPY, RCOPY)],
                        dout.at[c, pl.ds(s * RCOPY, RCOPY)])


@functools.partial(
    pl.kernel,
    out_type=jax.ShapeDtypeStruct((NC, N, F), jnp.float32),
    mesh=_mesh,
    scratch_types=[
        pltpu.VMEM((KSTMAX, B), jnp.int32),
        pltpu.VMEM((KSTMAX, B), jnp.int32),
        pltpu.VMEM((B, F), jnp.float32),
        pltpu.VMEM((B, F), jnp.float32),
        pltpu.VMEM_SHARED((NPAD, F), jnp.float32),
        pltpu.SemaphoreType.DMA,
        pltpu.SemaphoreType.DMA,
        pltpu.SemaphoreType.DMA,
        pltpu.SemaphoreType.DMA,
    ],
)
def _sc_agg(u_hbm, row2, col2, zrows_hbm, zout,
            ridx, cidx, rows0, rows1, acc, gs0, gs1, ss0, ss1):
    c = lax.axis_index("c")
    s = lax.axis_index("s")
    base = jnp.where(c == 0, s * K0, C1BASE + s * K1)

    @pl.when(s < 10)
    def _():
        pltpu.sync_copy(zrows_hbm, acc.at[pl.ds(s * RINIT, RINIT)])

    plsc.subcore_barrier()

    def _gather(j, rows, sem):
        return pltpu.async_copy(u_hbm.at[ridx.at[j]], rows, sem)

    def _gather_wait(j, rows, sem):
        pltpu.make_async_copy(u_hbm.at[ridx.at[j]], rows, sem).wait()

    def _scatter(j, rows, sem):
        return pltpu.async_copy(rows, acc.at[cidx.at[j]], sem, add=True)

    def _scatter_wait(j, rows, sem):
        pltpu.make_async_copy(rows, acc.at[cidx.at[j]], sem).wait()

    off0 = off1 = 0
    for st in range(len(SZ0)):
        start = pl.multiple_of(
            base + jnp.where(c == 0, off0, off1), 8)
        szc = jnp.where(c == 0, SZ0[st], SZ1[st])
        npair = jnp.where(c == 0, SZ0[st] // 2, SZ1[st] // 2)
        off0 += SZ0[st]
        off1 += SZ1[st]

        @pl.when(npair > 0)
        def _():
            pltpu.sync_copy(row2.at[pl.ds(start, KSTMAX)], ridx)
            pltpu.sync_copy(col2.at[pl.ds(start, KSTMAX)], cidx)
            _gather(0, rows0, gs0)
            _gather(1, rows1, gs1)

        def body(jp, carry):
            j0 = 2 * jp
            _gather_wait(j0, rows0, gs0)
            _scatter(j0, rows0, ss0)
            _gather_wait(j0 + 1, rows1, gs1)
            _scatter(j0 + 1, rows1, ss1)

            @pl.when(jp < npair - 1)
            def _():
                _scatter_wait(j0, rows0, ss0)
                _gather(j0 + 2, rows0, gs0)
                _scatter_wait(j0 + 1, rows1, ss1)
                _gather(j0 + 3, rows1, gs1)

            return carry

        lax.fori_loop(0, npair, body, 0)

        @pl.when(npair > 0)
        def _():
            _scatter_wait(szc - 2, rows0, ss0)
            _scatter_wait(szc - 1, rows1, ss1)

    plsc.subcore_barrier()

    @pl.when(s < 5)
    def _():
        pltpu.sync_copy(acc.at[pl.ds(s * RCOPY, RCOPY)],
                        zout.at[c, pl.ds(s * RCOPY, RCOPY)])



_BM = 2000


def _dinv_block(d0_ref, d1_ref):
    deg = d0_ref[:, 0:1] + d1_ref[:, 0:1] + 1.0
    return lax.rsqrt(deg)


def _tc_first_body(x_ref, w_ref, d0_ref, d1_ref, o_ref):
    h = jnp.dot(x_ref[...], w_ref[...], preferred_element_type=jnp.float32)
    o_ref[...] = h * _dinv_block(d0_ref, d1_ref)


def _tc_mid_body(z0_ref, z1_ref, u_ref, d0_ref, d1_ref, b_ref, w_ref, o_ref):
    dinv = _dinv_block(d0_ref, d1_ref)
    t = (z0_ref[...] + z1_ref[...] + u_ref[...]) * dinv + b_ref[...]
    t = jnp.maximum(t, 0.0)
    h = jnp.dot(t, w_ref[...], preferred_element_type=jnp.float32)
    o_ref[...] = h * dinv


def _tc_last_body(z0_ref, z1_ref, u_ref, d0_ref, d1_ref, b_ref, o_ref):
    dinv = _dinv_block(d0_ref, d1_ref)
    o_ref[...] = (z0_ref[...] + z1_ref[...] + u_ref[...]) * dinv + b_ref[...]


_spec_rows = pl.BlockSpec((_BM, F), lambda i: (i, 0))
_spec_deg = pl.BlockSpec((_BM, 16), lambda i: (i, 0))
_spec_w = pl.BlockSpec((F, F), lambda i: (0, 0))
_spec_b = pl.BlockSpec((1, F), lambda i: (0, 0))
_out_rows = jax.ShapeDtypeStruct((N, F), jnp.float32)


def _tc_first(x, W, deg0, deg1):
    return pl.pallas_call(
        _tc_first_body, grid=(N // _BM,),
        in_specs=[_spec_rows, _spec_w, _spec_deg, _spec_deg],
        out_specs=_spec_rows, out_shape=_out_rows,
    )(x, W, deg0, deg1)


def _tc_mid(z0, z1, u, deg0, deg1, b2d, W):
    return pl.pallas_call(
        _tc_mid_body, grid=(N // _BM,),
        in_specs=[_spec_rows, _spec_rows, _spec_rows, _spec_deg, _spec_deg,
                  _spec_b, _spec_w],
        out_specs=_spec_rows, out_shape=_out_rows,
    )(z0, z1, u, deg0, deg1, b2d, W)


def _tc_last(z0, z1, u, deg0, deg1, b2d):
    return pl.pallas_call(
        _tc_last_body, grid=(N // _BM,),
        in_specs=[_spec_rows, _spec_rows, _spec_rows, _spec_deg, _spec_deg,
                  _spec_b],
        out_specs=_spec_rows, out_shape=_out_rows,
    )(z0, z1, u, deg0, deg1, b2d)



def kernel(x, edge_index, W1, b1, W2, b2, W3, b3):
    ei = edge_index.astype(jnp.int32)
    pad = CAP_E - E
    arp = jnp.arange(pad, dtype=jnp.int32)
    rowp = jnp.concatenate([ei[0], arp % N])
    colp = jnp.concatenate([ei[1], N + (arp % (NPAD - N))])
    row2 = rowp.reshape(TOTCH, B)
    col2 = colp.reshape(TOTCH, B)
    pad_deg = NW * NCH * B - E
    ard = jnp.arange(pad_deg, dtype=jnp.int32)
    col3 = jnp.concatenate(
        [ei[1], N + (ard % (NPAD - N))]).reshape(NW, NCH, B)

    onesb = jnp.ones((B, F), jnp.float32)
    zrows = jnp.zeros((RINIT, F), jnp.float32)

    dd = _sc_degree(col3, onesb, zrows)[:, :, :16]
    deg0, deg1 = dd[0], dd[1]
    u = _tc_first(x, W1, deg0, deg1)
    z = _sc_agg(u, row2, col2, zrows)
    u = _tc_mid(z[0], z[1], u, deg0, deg1, b1.reshape(1, F), W2)
    z = _sc_agg(u, row2, col2, zrows)
    u = _tc_mid(z[0], z[1], u, deg0, deg1, b2.reshape(1, F), W3)
    z = _sc_agg(u, row2, col2, zrows)
    return _tc_last(z[0], z[1], u, deg0, deg1, b3.reshape(1, F))

# --- scband reference (transcript-rebuilt; emitter-appended) ---
"""Pipeline reference for scband-multi-layer-gcn-11312943858128 (READ-ONLY COPY).

The authoritative reference and input builder live on the scoring server;
editing this copy changes nothing except your own understanding.
"""

import jax, jax.numpy as jnp
import numpy as np

N_NODES = 10000

def gcn_conv(x, row, col, W, b, num_nodes):
    # h = X W
    h = x @ W
    # symmetric normalization with self-loops already included in row/col
    ones = jnp.ones(row.shape[0], dtype=x.dtype)
    deg = jax.ops.segment_sum(ones, col, num_segments=num_nodes)
    deg_inv_sqrt = jnp.where(deg > 0, jax.lax.rsqrt(jnp.maximum(deg, 1e-12)), 0.0)
    norm = deg_inv_sqrt[row] * deg_inv_sqrt[col]
    # gather messages from source nodes, scale, scatter-add to targets
    msg = h[row] * norm[:, None]
    out = jax.ops.segment_sum(msg, col, num_segments=num_nodes)
    return out + b

def setup_inputs(seed: int = 0) -> dict:
    key = jax.random.key(seed)
    ks = jax.random.split(key, 8)
    x = jax.random.normal(ks[0], (N_NODES, 128), dtype=jnp.float32)
    edge_index = jax.random.randint(ks[1], (2, 320000), 0, N_NODES, dtype=jnp.int64)
    # GCNConv weights: layer1 (128->128), layer2 (128->128), output (128->128)
    W1 = jax.random.normal(ks[2], (128, 128), dtype=jnp.float32) * (1.0 / np.sqrt(128))
    b1 = jnp.zeros((128,), dtype=jnp.float32)
    W2 = jax.random.normal(ks[3], (128, 128), dtype=jnp.float32) * (1.0 / np.sqrt(128))
    b2 = jnp.zeros((128,), dtype=jnp.float32)
    W3 = jax.random.normal(ks[4], (128, 128), dtype=jnp.float32) * (1.0 / np.sqrt(128))
    b3 = jnp.zeros((128,), dtype=jnp.float32)
    return {"x": x, "edge_index": edge_index, "W1": W1, "b1": b1, "W2": W2, "b2": b2, "W3": W3, "b3": b3}

def reference(x, edge_index, W1, b1, W2, b2, W3, b3):
    num_nodes = x.shape[0]
    # add self-loops (PyG GCNConv default add_self_loops=True)
    loop = jnp.arange(num_nodes, dtype=edge_index.dtype)
    row = jnp.concatenate([edge_index[0], loop])
    col = jnp.concatenate([edge_index[1], loop])
    # layer 1 + relu (dropout is identity in eval mode)
    h = gcn_conv(x, row, col, W1, b1, num_nodes)
    h = jax.nn.relu(h)
    # layer 2 + relu
    h = gcn_conv(h, row, col, W2, b2, num_nodes)
    h = jax.nn.relu(h)
    # output layer
    out = gcn_conv(h, row, col, W3, b3, num_nodes)
    return out

if __name__ == "__main__":
    import jax
    _d = setup_inputs()
    print(jax.jit(kernel)(*tuple(_d.values())))

</pallas_src>

<mosaic_0001>
#map = affine_map<(d0, d1) -> (0, 0)>
#map1 = affine_map<(d0, d1) -> (0, 0, 0)>
module attributes {stable_mosaic.version = 14 : i64} {
  func.func @_sc_agg(%arg0: i32, %arg1: i32, %arg2: memref<10000x128xf32, #tpu.memory_space<hbm>>, %arg3: memref<2560x128xi32, #tpu.memory_space<hbm>>, %arg4: memref<2560x128xi32, #tpu.memory_space<hbm>>, %arg5: memref<1000x128xf32, #tpu.memory_space<hbm>>, %arg6: memref<2x10000x128xf32, #tpu.memory_space<hbm>>, %arg7: memref<40x128xi32, #tpu.memory_space<vmem>>, %arg8: memref<40x128xi32, #tpu.memory_space<vmem>>, %arg9: memref<128x128xf32, #tpu.memory_space<vmem>>, %arg10: memref<128x128xf32, #tpu.memory_space<vmem>>, %arg11: memref<10016x128xf32, #tpu.memory_space<vmem_shared>>, %arg12: memref<!tpu.dma_semaphore, #tpu.memory_space<semaphore_mem>>, %arg13: memref<!tpu.dma_semaphore, #tpu.memory_space<semaphore_mem>>, %arg14: memref<!tpu.dma_semaphore, #tpu.memory_space<semaphore_mem>>, %arg15: memref<!tpu.dma_semaphore, #tpu.memory_space<semaphore_mem>>) attributes {dimension_semantics = [#tpu.dimension_semantics<core_parallel>, #tpu.dimension_semantics<subcore_parallel>], iteration_bounds = array<i64: 2, 16>, scalar_prefetch = 0 : i64, scratch_operands = 9 : i64, tpu.core_type = #tpu.core_type<sc_vector_subcore>, window_params = [{transform_indices = #map}, {transform_indices = #map}, {transform_indices = #map}, {transform_indices = #map}, {transform_indices = #map1}]} {
    %eq3A = arith.constant 0 : i32
    %eq3A_0 = arith.cmpi eq, %arg0, %eq3A : i32
    %mul3A = arith.constant 80 : i32
    %mul3A_1 = arith.muli %arg1, %mul3A : i32
    %mul3A_2 = arith.constant 80 : i32
    %mul3A_3 = arith.muli %arg1, %mul3A_2 : i32
    %add3A = arith.constant 1280 : i32
    %add3A_4 = arith.addi %add3A, %mul3A_3 : i32
    %select_n3A = arith.select %eq3A_0, %mul3A_1, %add3A_4 : i32
    %lt3A = arith.constant 10 : i32
    %lt3A_5 = arith.cmpi slt, %arg1, %lt3A : i32
    %convert_element_type3A = arith.extui %lt3A_5 : i1 to i32
    %cond3A = arith.constant 0 : i32
    %cond3A_6 = arith.cmpi ne, %convert_element_type3A, %cond3A : i32
    scf.if %cond3A_6 {
      %mul3A_83 = arith.constant 1000 : i32
      %mul3A_84 = arith.muli %arg1, %mul3A_83 : i32
      "tpu.region"() ({
        %run_scoped3A = tpu.sem_alloc : memref<!tpu.dma_semaphore, #tpu.memory_space<semaphore_mem>>
        %dma_start3A = arith.constant 0 : i32
        %dma_start3A_85 = tpu.memref_slice %arg11[%mul3A_84, %dma_start3A] : memref<10016x128xf32, #tpu.memory_space<vmem_shared>> -> memref<1000x128xf32, #tpu.memory_space<vmem_shared>>
        tpu.enqueue_dma source(%arg5 : memref<1000x128xf32, #tpu.memory_space<hbm>>) target(%dma_start3A_85 : memref<1000x128xf32, #tpu.memory_space<vmem_shared>>) target_semaphore(%run_scoped3A : memref<!tpu.dma_semaphore, #tpu.memory_space<semaphore_mem>>)
        %dma_wait3A = arith.constant 0 : i32
        %dma_wait3A_86 = tpu.memref_slice %arg11[%mul3A_84, %dma_wait3A] : memref<10016x128xf32, #tpu.memory_space<vmem_shared>> -> memref<1000x128xf32, #tpu.memory_space<vmem_shared>>
        tpu.wait_dma2 semaphore(%run_scoped3A : memref<!tpu.dma_semaphore, #tpu.memory_space<semaphore_mem>>) src(%arg5 : memref<1000x128xf32, #tpu.memory_space<hbm>>) dst(%dma_wait3A_86 : memref<1000x128xf32, #tpu.memory_space<vmem_shared>>)
        tpu.yield
      }) : () -> ()
    } else {
    }
    %barrier3A = arith.constant 0 : index
    tpu.barrier barrier_id(%barrier3A)
    %eq3A_7 = arith.constant 0 : i32
    %eq3A_8 = arith.cmpi eq, %arg0, %eq3A_7 : i32
    %jit3A = arith.constant 0 : i32
    %jit3A_9 = arith.constant 0 : i32
    %select_n3A_10 = arith.select %eq3A_8, %jit3A, %jit3A_9 : i32
    %add3A_11 = arith.addi %select_n3A, %select_n3A_10 : i32
    %multiple_of3A = tpu.assume_multiple %add3A_11, 8 : i32
    %eq3A_12 = arith.constant 0 : i32
    %eq3A_13 = arith.cmpi eq, %arg0, %eq3A_12 : i32
    %jit3A_14 = arith.constant 40 : i32
    %jit3A_15 = arith.constant 40 : i32
    %select_n3A_16 = arith.select %eq3A_13, %jit3A_14, %jit3A_15 : i32
    %eq3A_17 = arith.constant 0 : i32
    %eq3A_18 = arith.cmpi eq, %arg0, %eq3A_17 : i32
    %jit3A_19 = arith.constant 20 : i32
    %jit3A_20 = arith.constant 20 : i32
    %select_n3A_21 = arith.select %eq3A_18, %jit3A_19, %jit3A_20 : i32
    %gt3A = arith.constant 0 : i32
    %gt3A_22 = arith.cmpi sgt, %select_n3A_21, %gt3A : i32
    %convert_element_type3A_23 = arith.extui %gt3A_22 : i1 to i32
    %cond3A_24 = arith.constant 0 : i32
    %cond3A_25 = arith.cmpi ne, %convert_element_type3A_23, %cond3A_24 : i32
    scf.if %cond3A_25 {
      "tpu.region"() ({
        %run_scoped3A = tpu.sem_alloc : memref<!tpu.dma_semaphore, #tpu.memory_space<semaphore_mem>>
        %dma_start3A_96 = arith.constant 0 : i32
        %dma_start3A_97 = tpu.memref_slice %arg3[%multiple_of3A, %dma_start3A_96] : memref<2560x128xi32, #tpu.memory_space<hbm>> -> memref<40x128xi32, #tpu.memory_space<hbm>>
        %dma_start3A_98 = arith.constant 0 : i32
        %dma_start3A_99 = tpu.memref_slice %arg3[%multiple_of3A, %dma_start3A_98] : memref<2560x128xi32, #tpu.memory_space<hbm>> -> memref<40x128xi32, #tpu.memory_space<hbm>>
        tpu.enqueue_dma source(%dma_start3A_99 : memref<40x128xi32, #tpu.memory_space<hbm>>) target(%arg7 : memref<40x128xi32, #tpu.memory_space<vmem>>) target_semaphore(%run_scoped3A : memref<!tpu.dma_semaphore, #tpu.memory_space<semaphore_mem>>)
        %dma_wait3A = arith.constant 0 : i32
        %dma_wait3A_100 = tpu.memref_slice %arg3[%multiple_of3A, %dma_wait3A] : memref<2560x128xi32, #tpu.memory_space<hbm>> -> memref<40x128xi32, #tpu.memory_space<hbm>>
        %dma_wait3A_101 = arith.constant 0 : i32
        %dma_wait3A_102 = tpu.memref_slice %arg3[%multiple_of3A, %dma_wait3A_101] : memref<2560x128xi32, #tpu.memory_space<hbm>> -> memref<40x128xi32, #tpu.memory_space<hbm>>
        tpu.wait_dma2 semaphore(%run_scoped3A : memref<!tpu.dma_semaphore, #tpu.memory_space<semaphore_mem>>) src(%dma_wait3A_102 : memref<40x128xi32, #tpu.memory_space<hbm>>) dst(%arg7 : memref<40x128xi32, #tpu.memory_space<vmem>>)
        tpu.yield
      }) : () -> ()
      "tpu.region"() ({
        %run_scoped3A = tpu.sem_alloc : memref<!tpu.dma_semaphore, #tpu.memory_space<semaphore_mem>>
        %dma_start3A_96 = arith.constant 0 : i32
        %dma_start3A_97 = tpu.memref_slice %arg4[%multiple_of3A, %dma_start3A_96] : memref<2560x128xi32, #tpu.memory_space<hbm>> -> memref<40x128xi32, #tpu.memory_space<hbm>>
        %dma_start3A_98 = arith.constant 0 : i32
        %dma_start3A_99 = tpu.memref_slice %arg4[%multiple_of3A, %dma_start3A_98] : memref<2560x128xi32, #tpu.memory_space<hbm>> -> memref<40x128xi32, #tpu.memory_space<hbm>>
        tpu.enqueue_dma source(%dma_start3A_99 : memref<40x128xi32, #tpu.memory_space<hbm>>) target(%arg8 : memref<40x128xi32, #tpu.memory_space<vmem>>) target_semaphore(%run_scoped3A : memref<!tpu.dma_semaphore, #tpu.memory_space<semaphore_mem>>)
        %dma_wait3A = arith.constant 0 : i32
        %dma_wait3A_100 = tpu.memref_slice %arg4[%multiple_of3A, %dma_wait3A] : memref<2560x128xi32, #tpu.memory_space<hbm>> -> memref<40x128xi32, #tpu.memory_space<hbm>>
        %dma_wait3A_101 = arith.constant 0 : i32
        %dma_wait3A_102 = tpu.memref_slice %arg4[%multiple_of3A, %dma_wait3A_101] : memref<2560x128xi32, #tpu.memory_space<hbm>> -> memref<40x128xi32, #tpu.memory_space<hbm>>
        tpu.wait_dma2 semaphore(%run_scoped3A : memref<!tpu.dma_semaphore, #tpu.memory_space<semaphore_mem>>) src(%dma_wait3A_102 : memref<40x128xi32, #tpu.memory_space<hbm>>) dst(%arg8 : memref<40x128xi32, #tpu.memory_space<vmem>>)
        tpu.yield
      }) : () -> ()
      %dma_start3A = arith.constant 0 : i32
      %dma_start3A_83 = arith.constant 0 : i32
      %dma_start3A_84 = tpu.memref_slice %arg7[%dma_start3A, %dma_start3A_83] : memref<40x128xi32, #tpu.memory_space<vmem>> -> memref<1x128xi32, #tpu.memory_space<vmem>>
      %dma_start3A_85 = tpu.memref_squeeze %dma_start3A_84 : memref<1x128xi32, #tpu.memory_space<vmem>> -> memref<128xi32, #tpu.memory_space<vmem>>
      %dma_start3A_86 = arith.constant 0 : i32
      %dma_start3A_87 = arith.constant 0 : i32
      %dma_start3A_88 = tpu.memref_slice %arg2[%dma_start3A_86, %dma_start3A_87] : memref<10000x128xf32, #tpu.memory_space<hbm>> -> memref<10000x128xf32, #tpu.memory_space<hbm>>
      tpu.enqueue_indirect_dma source(%dma_start3A_88 : memref<10000x128xf32, #tpu.memory_space<hbm>>) target(%arg9 : memref<128x128xf32, #tpu.memory_space<vmem>>) offsets(%dma_start3A_85 : memref<128xi32, #tpu.memory_space<vmem>>) semaphore(%arg12 : memref<!tpu.dma_semaphore, #tpu.memory_space<semaphore_mem>>)
      %dma_start3A_89 = arith.constant 1 : i32
      %dma_start3A_90 = arith.constant 0 : i32
      %dma_start3A_91 = tpu.memref_slice %arg7[%dma_start3A_89, %dma_start3A_90] : memref<40x128xi32, #tpu.memory_space<vmem>> -> memref<1x128xi32, #tpu.memory_space<vmem>>
      %dma_start3A_92 = tpu.memref_squeeze %dma_start3A_91 : memref<1x128xi32, #tpu.memory_space<vmem>> -> memref<128xi32, #tpu.memory_space<vmem>>
      %dma_start3A_93 = arith.constant 0 : i32
      %dma_start3A_94 = arith.constant 0 : i32
      %dma_start3A_95 = tpu.memref_slice %arg2[%dma_start3A_93, %dma_start3A_94] : memref<10000x128xf32, #tpu.memory_space<hbm>> -> memref<10000x128xf32, #tpu.memory_space<hbm>>
      tpu.enqueue_indirect_dma source(%dma_start3A_95 : memref<10000x128xf32, #tpu.memory_space<hbm>>) target(%arg10 : memref<128x128xf32, #tpu.memory_space<vmem>>) offsets(%dma_start3A_92 : memref<128xi32, #tpu.memory_space<vmem>>) semaphore(%arg13 : memref<!tpu.dma_semaphore, #tpu.memory_space<semaphore_mem>>)
    } else {
    }
    %while3A = arith.constant 0 : i32
    %while3A_26 = arith.constant 0 : i32
    %while3A_27 = arith.subi %select_n3A_21, %while3A_26 : i32
    %while3A_28 = arith.addi %while3A_26, %while3A_27 : i32
    %while3A_29 = arith.constant 1 : i32
    %while3A_30 = arith.divsi %while3A_27, %while3A_29 : i32
    %while3A_31 = arith.muli %while3A_30, %while3A_29 : i32
    %while3A_32 = arith.addi %while3A_26, %while3A_31 : i32
    %while3A_33 = arith.constant 1 : i32
    scf.for %while3A_83 = %while3A_26 to %while3A_32 step %while3A_33  : i32 {
      %mul3A_84 = arith.constant 2 : i32
      %mul3A_85 = arith.muli %mul3A_84, %while3A_83 : i32
      %dma_wait3A = arith.constant 0 : i32
      %dma_wait3A_86 = tpu.memref_slice %arg7[%mul3A_85, %dma_wait3A] : memref<40x128xi32, #tpu.memory_space<vmem>> -> memref<1x128xi32, #tpu.memory_space<vmem>>
      %dma_wait3A_87 = tpu.memref_squeeze %dma_wait3A_86 : memref<1x128xi32, #tpu.memory_space<vmem>> -> memref<128xi32, #tpu.memory_space<vmem>>
      %dma_wait3A_88 = arith.constant 0 : i32
      %dma_wait3A_89 = arith.constant 0 : i32
      %dma_wait3A_90 = tpu.memref_slice %arg2[%dma_wait3A_88, %dma_wait3A_89] : memref<10000x128xf32, #tpu.memory_space<hbm>> -> memref<10000x128xf32, #tpu.memory_space<hbm>>
      tpu.wait_indirect_dma semaphore(%arg12 : memref<!tpu.dma_semaphore, #tpu.memory_space<semaphore_mem>>) src(%dma_wait3A_90 : memref<10000x128xf32, #tpu.memory_space<hbm>>) dst(%arg9 : memref<128x128xf32, #tpu.memory_space<vmem>>)
      %dma_start3A = arith.constant 0 : i32
      %dma_start3A_91 = tpu.memref_slice %arg8[%mul3A_85, %dma_start3A] : memref<40x128xi32, #tpu.memory_space<vmem>> -> memref<1x128xi32, #tpu.memory_space<vmem>>
      %dma_start3A_92 = tpu.memref_squeeze %dma_start3A_91 : memref<1x128xi32, #tpu.memory_space<vmem>> -> memref<128xi32, #tpu.memory_space<vmem>>
      %dma_start3A_93 = arith.constant 0 : i32
      %dma_start3A_94 = arith.constant 0 : i32
      %dma_start3A_95 = tpu.memref_slice %arg11[%dma_start3A_93, %dma_start3A_94] : memref<10016x128xf32, #tpu.memory_space<vmem_shared>> -> memref<10016x128xf32, #tpu.memory_space<vmem_shared>>
      tpu.enqueue_indirect_dma source(%arg9 : memref<128x128xf32, #tpu.memory_space<vmem>>) target(%dma_start3A_95 : memref<10016x128xf32, #tpu.memory_space<vmem_shared>>) offsets(%dma_start3A_92 : memref<128xi32, #tpu.memory_space<vmem>>) semaphore(%arg14 : memref<!tpu.dma_semaphore, #tpu.memory_space<semaphore_mem>>) {add = true}
      %add3A_96 = arith.constant 1 : i32
      %add3A_97 = arith.addi %mul3A_85, %add3A_96 : i32
      %dma_wait3A_98 = arith.constant 0 : i32
      %dma_wait3A_99 = tpu.memref_slice %arg7[%add3A_97, %dma_wait3A_98] : memref<40x128xi32, #tpu.memory_space<vmem>> -> memref<1x128xi32, #tpu.memory_space<vmem>>
      %dma_wait3A_100 = tpu.memref_squeeze %dma_wait3A_99 : memref<1x128xi32, #tpu.memory_space<vmem>> -> memref<128xi32, #tpu.memory_space<vmem>>
      %dma_wait3A_101 = arith.constant 0 : i32
      %dma_wait3A_102 = arith.constant 0 : i32
      %dma_wait3A_103 = tpu.memref_slice %arg2[%dma_wait3A_101, %dma_wait3A_102] : memref<10000x128xf32, #tpu.memory_space<hbm>> -> memref<10000x128xf32, #tpu.memory_space<hbm>>
      tpu.wait_indirect_dma semaphore(%arg13 : memref<!tpu.dma_semaphore, #tpu.memory_space<semaphore_mem>>) src(%dma_wait3A_103 : memref<10000x128xf32, #tpu.memory_space<hbm>>) dst(%arg10 : memref<128x128xf32, #tpu.memory_space<vmem>>)
      %add3A_104 = arith.constant 1 : i32
      %add3A_105 = arith.addi %mul3A_85, %add3A_104 : i32
      %dma_start3A_106 = arith.constant 0 : i32
      %dma_start3A_107 = tpu.memref_slice %arg8[%add3A_105, %dma_start3A_106] : memref<40x128xi32, #tpu.memory_space<vmem>> -> memref<1x128xi32, #tpu.memory_space<vmem>>
      %dma_start3A_108 = tpu.memref_squeeze %dma_start3A_107 : memref<1x128xi32, #tpu.memory_space<vmem>> -> memref<128xi32, #tpu.memory_space<vmem>>
      %dma_start3A_109 = arith.constant 0 : i32
      %dma_start3A_110 = arith.constant 0 : i32
      %dma_start3A_111 = tpu.memref_slice %arg11[%dma_start3A_109, %dma_start3A_110] : memref<10016x128xf32, #tpu.memory_space<vmem_shared>> -> memref<10016x128xf32, #tpu.memory_space<vmem_shared>>
      tpu.enqueue_indirect_dma source(%arg10 : memref<128x128xf32, #tpu.memory_space<vmem>>) target(%dma_start3A_111 : memref<10016x128xf32, #tpu.memory_space<vmem_shared>>) offsets(%dma_start3A_108 : memref<128xi32, #tpu.memory_space<vmem>>) semaphore(%arg15 : memref<!tpu.dma_semaphore, #tpu.memory_space<semaphore_mem>>) {add = true}
      %sub3A = arith.constant 1 : i32
      %sub3A_112 = arith.subi %select_n3A_21, %sub3A : i32
      %lt3A_113 = arith.cmpi slt, %while3A_83, %sub3A_112 : i32
      %convert_element_type3A_114 = arith.extui %lt3A_113 : i1 to i32
      %cond3A_115 = arith.constant 0 : i32
      %cond3A_116 = arith.cmpi ne, %convert_element_type3A_114, %cond3A_115 : i32
      scf.if %cond3A_116 {
        %dma_wait3A_117 = arith.constant 0 : i32
        %dma_wait3A_118 = tpu.memref_slice %arg8[%mul3A_85, %dma_wait3A_117] : memref<40x128xi32, #tpu.memory_space<vmem>> -> memref<1x128xi32, #tpu.memory_space<vmem>>
        %dma_wait3A_119 = tpu.memref_squeeze %dma_wait3A_118 : memref<1x128xi32, #tpu.memory_space<vmem>> -> memref<128xi32, #tpu.memory_space<vmem>>
        %dma_wait3A_120 = arith.constant 0 : i32
        %dma_wait3A_121 = arith.constant 0 : i32
        %dma_wait3A_122 = tpu.memref_slice %arg11[%dma_wait3A_120, %dma_wait3A_121] : memref<10016x128xf32, #tpu.memory_space<vmem_shared>> -> memref<10016x128xf32, #tpu.memory_space<vmem_shared>>
        tpu.wait_indirect_dma semaphore(%arg14 : memref<!tpu.dma_semaphore, #tpu.memory_space<semaphore_mem>>) src(%arg9 : memref<128x128xf32, #tpu.memory_space<vmem>>) dst(%dma_wait3A_122 : memref<10016x128xf32, #tpu.memory_space<vmem_shared>>)
        %add3A_123 = arith.constant 2 : i32
        %add3A_124 = arith.addi %mul3A_85, %add3A_123 : i32
        %dma_start3A_125 = arith.constant 0 : i32
        %dma_start3A_126 = tpu.memref_slice %arg7[%add3A_124, %dma_start3A_125] : memref<40x128xi32, #tpu.memory_space<vmem>> -> memref<1x128xi32, #tpu.memory_space<vmem>>
        %dma_start3A_127 = tpu.memref_squeeze %dma_start3A_126 : memref<1x128xi32, #tpu.memory_space<vmem>> -> memref<128xi32, #tpu.memory_space<vmem>>
        %dma_start3A_128 = arith.constant 0 : i32
        %dma_start3A_129 = arith.constant 0 : i32
        %dma_start3A_130 = tpu.memref_slice %arg2[%dma_start3A_128, %dma_start3A_129] : memref<10000x128xf32, #tpu.memory_space<hbm>> -> memref<10000x128xf32, #tpu.memory_space<hbm>>
        tpu.enqueue_indirect_dma source(%dma_start3A_130 : memref<10000x128xf32, #tpu.memory_space<hbm>>) target(%arg9 : memref<128x128xf32, #tpu.memory_space<vmem>>) offsets(%dma_start3A_127 : memref<128xi32, #tpu.memory_space<vmem>>) semaphore(%arg12 : memref<!tpu.dma_semaphore, #tpu.memory_space<semaphore_mem>>)
        %add3A_131 = arith.constant 1 : i32
        %add3A_132 = arith.addi %mul3A_85, %add3A_131 : i32
        %dma_wait3A_133 = arith.constant 0 : i32
        %dma_wait3A_134 = tpu.memref_slice %arg8[%add3A_132, %dma_wait3A_133] : memref<40x128xi32, #tpu.memory_space<vmem>> -> memref<1x128xi32, #tpu.memory_space<vmem>>
        %dma_wait3A_135 = tpu.memref_squeeze %dma_wait3A_134 : memref<1x128xi32, #tpu.memory_space<vmem>> -> memref<128xi32, #tpu.memory_space<vmem>>
        %dma_wait3A_136 = arith.constant 0 : i32
        %dma_wait3A_137 = arith.constant 0 : i32
        %dma_wait3A_138 = tpu.memref_slice %arg11[%dma_wait3A_136, %dma_wait3A_137] : memref<10016x128xf32, #tpu.memory_space<vmem_shared>> -> memref<10016x128xf32, #tpu.memory_space<vmem_shared>>
        tpu.wait_indirect_dma semaphore(%arg15 : memref<!tpu.dma_semaphore, #tpu.memory_space<semaphore_mem>>) src(%arg10 : memref<128x128xf32, #tpu.memory_space<vmem>>) dst(%dma_wait3A_138 : memref<10016x128xf32, #tpu.memory_space<vmem_shared>>)
        %add3A_139 = arith.constant 3 : i32
        %add3A_140 = arith.addi %mul3A_85, %add3A_139 : i32
        %dma_start3A_141 = arith.constant 0 : i32
        %dma_start3A_142 = tpu.memref_slice %arg7[%add3A_140, %dma_start3A_141] : memref<40x128xi32, #tpu.memory_space<vmem>> -> memref<1x128xi32, #tpu.memory_space<vmem>>
        %dma_start3A_143 = tpu.memref_squeeze %dma_start3A_142 : memref<1x128xi32, #tpu.memory_space<vmem>> -> memref<128xi32, #tpu.memory_space<vmem>>
        %dma_start3A_144 = arith.constant 0 : i32
        %dma_start3A_145 = arith.constant 0 : i32
        %dma_start3A_146 = tpu.memref_slice %arg2[%dma_start3A_144, %dma_start3A_145] : memref<10000x128xf32, #tpu.memory_space<hbm>> -> memref<10000x128xf32, #tpu.memory_space<hbm>>
        tpu.enqueue_indirect_dma source(%dma_start3A_146 : memref<10000x128xf32, #tpu.memory_space<hbm>>) target(%arg10 : memref<128x128xf32, #tpu.memory_space<vmem>>) offsets(%dma_start3A_143 : memref<128xi32, #tpu.memory_space<vmem>>) semaphore(%arg13 : memref<!tpu.dma_semaphore, #tpu.memory_space<semaphore_mem>>)
      } else {
      }
    }
    %while3A_34 = arith.constant 1 : i32
    scf.for %while3A_83 = %while3A_32 to %while3A_28 step %while3A_34  : i32 {
      %mul3A_84 = arith.constant 2 : i32
      %mul3A_85 = arith.muli %mul3A_84, %while3A_83 : i32
      %dma_wait3A = arith.constant 0 : i32
      %dma_wait3A_86 = tpu.memref_slice %arg7[%mul3A_85, %dma_wait3A] : memref<40x128xi32, #tpu.memory_space<vmem>> -> memref<1x128xi32, #tpu.memory_space<vmem>>
      %dma_wait3A_87 = tpu.memref_squeeze %dma_wait3A_86 : memref<1x128xi32, #tpu.memory_space<vmem>> -> memref<128xi32, #tpu.memory_space<vmem>>
      %dma_wait3A_88 = arith.constant 0 : i32
      %dma_wait3A_89 = arith.constant 0 : i32
      %dma_wait3A_90 = tpu.memref_slice %arg2[%dma_wait3A_88, %dma_wait3A_89] : memref<10000x128xf32, #tpu.memory_space<hbm>> -> memref<10000x128xf32, #tpu.memory_space<hbm>>
      tpu.wait_indirect_dma semaphore(%arg12 : memref<!tpu.dma_semaphore, #tpu.memory_space<semaphore_mem>>) src(%dma_wait3A_90 : memref<10000x128xf32, #tpu.memory_space<hbm>>) dst(%arg9 : memref<128x128xf32, #tpu.memory_space<vmem>>)
      %dma_start3A = arith.constant 0 : i32
      %dma_start3A_91 = tpu.memref_slice %arg8[%mul3A_85, %dma_start3A] : memref<40x128xi32, #tpu.memory_space<vmem>> -> memref<1x128xi32, #tpu.memory_space<vmem>>
      %dma_start3A_92 = tpu.memref_squeeze %dma_start3A_91 : memref<1x128xi32, #tpu.memory_space<vmem>> -> memref<128xi32, #tpu.memory_space<vmem>>
      %dma_start3A_93 = arith.constant 0 : i32
      %dma_start3A_94 = arith.constant 0 : i32
      %dma_start3A_95 = tpu.memref_slice %arg11[%dma_start3A_93, %dma_start3A_94] : memref<10016x128xf32, #tpu.memory_space<vmem_shared>> -> memref<10016x128xf32, #tpu.memory_space<vmem_shared>>
      tpu.enqueue_indirect_dma source(%arg9 : memref<128x128xf32, #tpu.memory_space<vmem>>) target(%dma_start3A_95 : memref<10016x128xf32, #tpu.memory_space<vmem_shared>>) offsets(%dma_start3A_92 : memref<128xi32, #tpu.memory_space<vmem>>) semaphore(%arg14 : memref<!tpu.dma_semaphore, #tpu.memory_space<semaphore_mem>>) {add = true}
      %add3A_96 = arith.constant 1 : i32
      %add3A_97 = arith.addi %mul3A_85, %add3A_96 : i32
      %dma_wait3A_98 = arith.constant 0 : i32
      %dma_wait3A_99 = tpu.memref_slice %arg7[%add3A_97, %dma_wait3A_98] : memref<40x128xi32, #tpu.memory_space<vmem>> -> memref<1x128xi32, #tpu.memory_space<vmem>>
      %dma_wait3A_100 = tpu.memref_squeeze %dma_wait3A_99 : memref<1x128xi32, #tpu.memory_space<vmem>> -> memref<128xi32, #tpu.memory_space<vmem>>
      %dma_wait3A_101 = arith.constant 0 : i32
      %dma_wait3A_102 = arith.constant 0 : i32
      %dma_wait3A_103 = tpu.memref_slice %arg2[%dma_wait3A_101, %dma_wait3A_102] : memref<10000x128xf32, #tpu.memory_space<hbm>> -> memref<10000x128xf32, #tpu.memory_space<hbm>>
      tpu.wait_indirect_dma semaphore(%arg13 : memref<!tpu.dma_semaphore, #tpu.memory_space<semaphore_mem>>) src(%dma_wait3A_103 : memref<10000x128xf32, #tpu.memory_space<hbm>>) dst(%arg10 : memref<128x128xf32, #tpu.memory_space<vmem>>)
      %add3A_104 = arith.constant 1 : i32
      %add3A_105 = arith.addi %mul3A_85, %add3A_104 : i32
      %dma_start3A_106 = arith.constant 0 : i32
      %dma_start3A_107 = tpu.memref_slice %arg8[%add3A_105, %dma_start3A_106] : memref<40x128xi32, #tpu.memory_space<vmem>> -> memref<1x128xi32, #tpu.memory_space<vmem>>
      %dma_start3A_108 = tpu.memref_squeeze %dma_start3A_107 : memref<1x128xi32, #tpu.memory_space<vmem>> -> memref<128xi32, #tpu.memory_space<vmem>>
      %dma_start3A_109 = arith.constant 0 : i32
      %dma_start3A_110 = arith.constant 0 : i32
      %dma_start3A_111 = tpu.memref_slice %arg11[%dma_start3A_109, %dma_start3A_110] : memref<10016x128xf32, #tpu.memory_space<vmem_shared>> -> memref<10016x128xf32, #tpu.memory_space<vmem_shared>>
      tpu.enqueue_indirect_dma source(%arg10 : memref<128x128xf32, #tpu.memory_space<vmem>>) target(%dma_start3A_111 : memref<10016x128xf32, #tpu.memory_space<vmem_shared>>) offsets(%dma_start3A_108 : memref<128xi32, #tpu.memory_space<vmem>>) semaphore(%arg15 : memref<!tpu.dma_semaphore, #tpu.memory_space<semaphore_mem>>) {add = true}
      %sub3A = arith.constant 1 : i32
      %sub3A_112 = arith.subi %select_n3A_21, %sub3A : i32
      %lt3A_113 = arith.cmpi slt, %while3A_83, %sub3A_112 : i32
      %convert_element_type3A_114 = arith.extui %lt3A_113 : i1 to i32
      %cond3A_115 = arith.constant 0 : i32
      %cond3A_116 = arith.cmpi ne, %convert_element_type3A_114, %cond3A_115 : i32
      scf.if %cond3A_116 {
        %dma_wait3A_117 = arith.constant 0 : i32
        %dma_wait3A_118 = tpu.memref_slice %arg8[%mul3A_85, %dma_wait3A_117] : memref<40x128xi32, #tpu.memory_space<vmem>> -> memref<1x128xi32, #tpu.memory_space<vmem>>
        %dma_wait3A_119 = tpu.memref_squeeze %dma_wait3A_118 : memref<1x128xi32, #tpu.memory_space<vmem>> -> memref<128xi32, #tpu.memory_space<vmem>>
        %dma_wait3A_120 = arith.constant 0 : i32
        %dma_wait3A_121 = arith.constant 0 : i32
        %dma_wait3A_122 = tpu.memref_slice %arg11[%dma_wait3A_120, %dma_wait3A_121] : memref<10016x128xf32, #tpu.memory_space<vmem_shared>> -> memref<10016x128xf32, #tpu.memory_space<vmem_shared>>
        tpu.wait_indirect_dma semaphore(%arg14 : memref<!tpu.dma_semaphore, #tpu.memory_space<semaphore_mem>>) src(%arg9 : memref<128x128xf32, #tpu.memory_space<vmem>>) dst(%dma_wait3A_122 : memref<10016x128xf32, #tpu.memory_space<vmem_shared>>)
        %add3A_123 = arith.constant 2 : i32
        %add3A_124 = arith.addi %mul3A_85, %add3A_123 : i32
        %dma_start3A_125 = arith.constant 0 : i32
        %dma_start3A_126 = tpu.memref_slice %arg7[%add3A_124, %dma_start3A_125] : memref<40x128xi32, #tpu.memory_space<vmem>> -> memref<1x128xi32, #tpu.memory_space<vmem>>
        %dma_start3A_127 = tpu.memref_squeeze %dma_start3A_126 : memref<1x128xi32, #tpu.memory_space<vmem>> -> memref<128xi32, #tpu.memory_space<vmem>>
        %dma_start3A_128 = arith.constant 0 : i32
        %dma_start3A_129 = arith.constant 0 : i32
        %dma_start3A_130 = tpu.memref_slice %arg2[%dma_start3A_128, %dma_start3A_129] : memref<10000x128xf32, #tpu.memory_space<hbm>> -> memref<10000x128xf32, #tpu.memory_space<hbm>>
        tpu.enqueue_indirect_dma source(%dma_start3A_130 : memref<10000x128xf32, #tpu.memory_space<hbm>>) target(%arg9 : memref<128x128xf32, #tpu.memory_space<vmem>>) offsets(%dma_start3A_127 : memref<128xi32, #tpu.memory_space<vmem>>) semaphore(%arg12 : memref<!tpu.dma_semaphore, #tpu.memory_space<semaphore_mem>>)
        %add3A_131 = arith.constant 1 : i32
        %add3A_132 = arith.addi %mul3A_85, %add3A_131 : i32
        %dma_wait3A_133 = arith.constant 0 : i32
        %dma_wait3A_134 = tpu.memref_slice %arg8[%add3A_132, %dma_wait3A_133] : memref<40x128xi32, #tpu.memory_space<vmem>> -> memref<1x128xi32, #tpu.memory_space<vmem>>
        %dma_wait3A_135 = tpu.memref_squeeze %dma_wait3A_134 : memref<1x128xi32, #tpu.memory_space<vmem>> -> memref<128xi32, #tpu.memory_space<vmem>>
        %dma_wait3A_136 = arith.constant 0 : i32
        %dma_wait3A_137 = arith.constant 0 : i32
        %dma_wait3A_138 = tpu.memref_slice %arg11[%dma_wait3A_136, %dma_wait3A_137] : memref<10016x128xf32, #tpu.memory_space<vmem_shared>> -> memref<10016x128xf32, #tpu.memory_space<vmem_shared>>
        tpu.wait_indirect_dma semaphore(%arg15 : memref<!tpu.dma_semaphore, #tpu.memory_space<semaphore_mem>>) src(%arg10 : memref<128x128xf32, #tpu.memory_space<vmem>>) dst(%dma_wait3A_138 : memref<10016x128xf32, #tpu.memory_space<vmem_shared>>)
        %add3A_139 = arith.constant 3 : i32
        %add3A_140 = arith.addi %mul3A_85, %add3A_139 : i32
        %dma_start3A_141 = arith.constant 0 : i32
        %dma_start3A_142 = tpu.memref_slice %arg7[%add3A_140, %dma_start3A_141] : memref<40x128xi32, #tpu.memory_space<vmem>> -> memref<1x128xi32, #tpu.memory_space<vmem>>
        %dma_start3A_143 = tpu.memref_squeeze %dma_start3A_142 : memref<1x128xi32, #tpu.memory_space<vmem>> -> memref<128xi32, #tpu.memory_space<vmem>>
        %dma_start3A_144 = arith.constant 0 : i32
        %dma_start3A_145 = arith.constant 0 : i32
        %dma_start3A_146 = tpu.memref_slice %arg2[%dma_start3A_144, %dma_start3A_145] : memref<10000x128xf32, #tpu.memory_space<hbm>> -> memref<10000x128xf32, #tpu.memory_space<hbm>>
        tpu.enqueue_indirect_dma source(%dma_start3A_146 : memref<10000x128xf32, #tpu.memory_space<hbm>>) target(%arg10 : memref<128x128xf32, #tpu.memory_space<vmem>>) offsets(%dma_start3A_143 : memref<128xi32, #tpu.memory_space<vmem>>) semaphore(%arg13 : memref<!tpu.dma_semaphore, #tpu.memory_space<semaphore_mem>>)
      } else {
      }
    }
    %gt3A_35 = arith.constant 0 : i32
    %gt3A_36 = arith.cmpi sgt, %select_n3A_21, %gt3A_35 : i32
    %convert_element_type3A_37 = arith.extui %gt3A_36 : i1 to i32
    %cond3A_38 = arith.constant 0 : i32
    %cond3A_39 = arith.cmpi ne, %convert_element_type3A_37, %cond3A_38 : i32
    scf.if %cond3A_39 {
      %sub3A = arith.constant 2 : i32
      %sub3A_83 = arith.subi %select_n3A_16, %sub3A : i32
      %dma_wait3A = arith.constant 0 : i32
      %dma_wait3A_84 = tpu.memref_slice %arg8[%sub3A_83, %dma_wait3A] : memref<40x128xi32, #tpu.memory_space<vmem>> -> memref<1x128xi32, #tpu.memory_space<vmem>>
      %dma_wait3A_85 = tpu.memref_squeeze %dma_wait3A_84 : memref<1x128xi32, #tpu.memory_space<vmem>> -> memref<128xi32, #tpu.memory_space<vmem>>
      %dma_wait3A_86 = arith.constant 0 : i32
      %dma_wait3A_87 = arith.constant 0 : i32
      %dma_wait3A_88 = tpu.memref_slice %arg11[%dma_wait3A_86, %dma_wait3A_87] : memref<10016x128xf32, #tpu.memory_space<vmem_shared>> -> memref<10016x128xf32, #tpu.memory_space<vmem_shared>>
      tpu.wait_indirect_dma semaphore(%arg14 : memref<!tpu.dma_semaphore, #tpu.memory_space<semaphore_mem>>) src(%arg9 : memref<128x128xf32, #tpu.memory_space<vmem>>) dst(%dma_wait3A_88 : memref<10016x128xf32, #tpu.memory_space<vmem_shared>>)
      %sub3A_89 = arith.constant 1 : i32
      %sub3A_90 = arith.subi %select_n3A_16, %sub3A_89 : i32
      %dma_wait3A_91 = arith.constant 0 : i32
      %dma_wait3A_92 = tpu.memref_slice %arg8[%sub3A_90, %dma_wait3A_91] : memref<40x128xi32, #tpu.memory_space<vmem>> -> memref<1x128xi32, #tpu.memory_space<vmem>>
      %dma_wait3A_93 = tpu.memref_squeeze %dma_wait3A_92 : memref<1x128xi32, #tpu.memory_space<vmem>> -> memref<128xi32, #tpu.memory_space<vmem>>
      %dma_wait3A_94 = arith.constant 0 : i32
      %dma_wait3A_95 = arith.constant 0 : i32
      %dma_wait3A_96 = tpu.memref_slice %arg11[%dma_wait3A_94, %dma_wait3A_95] : memref<10016x128xf32, #tpu.memory_space<vmem_shared>> -> memref<10016x128xf32, #tpu.memory_space<vmem_shared>>
      tpu.wait_indirect_dma semaphore(%arg15 : memref<!tpu.dma_semaphore, #tpu.memory_space<semaphore_mem>>) src(%arg10 : memref<128x128xf32, #tpu.memory_space<vmem>>) dst(%dma_wait3A_96 : memref<10016x128xf32, #tpu.memory_space<vmem_shared>>)
    } else {
    }
    %eq3A_40 = arith.constant 0 : i32
    %eq3A_41 = arith.cmpi eq, %arg0, %eq3A_40 : i32
    %jit3A_42 = arith.constant 40 : i32
    %jit3A_43 = arith.constant 40 : i32
    %select_n3A_44 = arith.select %eq3A_41, %jit3A_42, %jit3A_43 : i32
    %add3A_45 = arith.addi %select_n3A, %select_n3A_44 : i32
    %multiple_of3A_46 = tpu.assume_multiple %add3A_45, 8 : i32
    %eq3A_47 = arith.constant 0 : i32
    %eq3A_48 = arith.cmpi eq, %arg0, %eq3A_47 : i32
    %jit3A_49 = arith.constant 40 : i32
    %jit3A_50 = arith.constant 40 : i32
    %select_n3A_51 = arith.select %eq3A_48, %jit3A_49, %jit3A_50 : i32
    %eq3A_52 = arith.constant 0 : i32
    %eq3A_53 = arith.cmpi eq, %arg0, %eq3A_52 : i32
    %jit3A_54 = arith.constant 20 : i32
    %jit3A_55 = arith.constant 20 : i32
    %select_n3A_56 = arith.select %eq3A_53, %jit3A_54, %jit3A_55 : i32
    %gt3A_57 = arith.constant 0 : i32
    %gt3A_58 = arith.cmpi sgt, %select_n3A_56, %gt3A_57 : i32
    %convert_element_type3A_59 = arith.extui %gt3A_58 : i1 to i32
    %cond3A_60 = arith.constant 0 : i32
    %cond3A_61 = arith.cmpi ne, %convert_element_type3A_59, %cond3A_60 : i32
    scf.if %cond3A_61 {
      "tpu.region"() ({
        %run_scoped3A = tpu.sem_alloc : memref<!tpu.dma_semaphore, #tpu.memory_space<semaphore_mem>>
        %dma_start3A_96 = arith.constant 0 : i32
        %dma_start3A_97 = tpu.memref_slice %arg3[%multiple_of3A_46, %dma_start3A_96] : memref<2560x128xi32, #tpu.memory_space<hbm>> -> memref<40x128xi32, #tpu.memory_space<hbm>>
        %dma_start3A_98 = arith.constant 0 : i32
        %dma_start3A_99 = tpu.memref_slice %arg3[%multiple_of3A_46, %dma_start3A_98] : memref<2560x128xi32, #tpu.memory_space<hbm>> -> memref<40x128xi32, #tpu.memory_space<hbm>>
        tpu.enqueue_dma source(%dma_start3A_99 : memref<40x128xi32, #tpu.memory_space<hbm>>) target(%arg7 : memref<40x128xi32, #tpu.memory_space<vmem>>) target_semaphore(%run_scoped3A : memref<!tpu.dma_semaphore, #tpu.memory_space<semaphore_mem>>)
        %dma_wait3A = arith.constant 0 : i32
        %dma_wait3A_100 = tpu.memref_slice %arg3[%multiple_of3A_46, %dma_wait3A] : memref<2560x128xi32, #tpu.memory_space<hbm>> -> memref<40x128xi32, #tpu.memory_space<hbm>>
        %dma_wait3A_101 = arith.constant 0 : i32
        %dma_wait3A_102 = tpu.memref_slice %arg3[%multiple_of3A_46, %dma_wait3A_101] : memref<2560x128xi32, #tpu.memory_space<hbm>> -> memref<40x128xi32, #tpu.memory_space<hbm>>
        tpu.wait_dma2 semaphore(%run_scoped3A : memref<!tpu.dma_semaphore, #tpu.memory_space<semaphore_mem>>) src(%dma_wait3A_102 : memref<40x128xi32, #tpu.memory_space<hbm>>) dst(%arg7 : memref<40x128xi32, #tpu.memory_space<vmem>>)
        tpu.yield
      }) : () -> ()
      "tpu.region"() ({
        %run_scoped3A = tpu.sem_alloc : memref<!tpu.dma_semaphore, #tpu.memory_space<semaphore_mem>>
        %dma_start3A_96 = arith.constant 0 : i32
        %dma_start3A_97 = tpu.memref_slice %arg4[%multiple_of3A_46, %dma_start3A_96] : memref<2560x128xi32, #tpu.memory_space<hbm>> -> memref<40x128xi32, #tpu.memory_space<hbm>>
        %dma_start3A_98 = arith.constant 0 : i32
        %dma_start3A_99 = tpu.memref_slice %arg4[%multiple_of3A_46, %dma_start3A_98] : memref<2560x128xi32, #tpu.memory_space<hbm>> -> memref<40x128xi32, #tpu.memory_space<hbm>>
        tpu.enqueue_dma source(%dma_start3A_99 : memref<40x128xi32, #tpu.memory_space<hbm>>) target(%arg8 : memref<40x128xi32, #tpu.memory_space<vmem>>) target_semaphore(%run_scoped3A : memref<!tpu.dma_semaphore, #tpu.memory_space<semaphore_mem>>)
        %dma_wait3A = arith.constant 0 : i32
        %dma_wait3A_100 = tpu.memref_slice %arg4[%multiple_of3A_46, %dma_wait3A] : memref<2560x128xi32, #tpu.memory_space<hbm>> -> memref<40x128xi32, #tpu.memory_space<hbm>>
        %dma_wait3A_101 = arith.constant 0 : i32
        %dma_wait3A_102 = tpu.memref_slice %arg4[%multiple_of3A_46, %dma_wait3A_101] : memref<2560x128xi32, #tpu.memory_space<hbm>> -> memref<40x128xi32, #tpu.memory_space<hbm>>
        tpu.wait_dma2 semaphore(%run_scoped3A : memref<!tpu.dma_semaphore, #tpu.memory_space<semaphore_mem>>) src(%dma_wait3A_102 : memref<40x128xi32, #tpu.memory_space<hbm>>) dst(%arg8 : memref<40x128xi32, #tpu.memory_space<vmem>>)
        tpu.yield
      }) : () -> ()
      %dma_start3A = arith.constant 0 : i32
      %dma_start3A_83 = arith.constant 0 : i32
      %dma_start3A_84 = tpu.memref_slice %arg7[%dma_start3A, %dma_start3A_83] : memref<40x128xi32, #tpu.memory_space<vmem>> -> memref<1x128xi32, #tpu.memory_space<vmem>>
      %dma_start3A_85 = tpu.memref_squeeze %dma_start3A_84 : memref<1x128xi32, #tpu.memory_space<vmem>> -> memref<128xi32, #tpu.memory_space<vmem>>
      %dma_start3A_86 = arith.constant 0 : i32
      %dma_start3A_87 = arith.constant 0 : i32
      %dma_start3A_88 = tpu.memref_slice %arg2[%dma_start3A_86, %dma_start3A_87] : memref<10000x128xf32, #tpu.memory_space<hbm>> -> memref<10000x128xf32, #tpu.memory_space<hbm>>
      tpu.enqueue_indirect_dma source(%dma_start3A_88 : memref<10000x128xf32, #tpu.memory_space<hbm>>) target(%arg9 : memref<128x128xf32, #tpu.memory_space<vmem>>) offsets(%dma_start3A_85 : memref<128xi32, #tpu.memory_space<vmem>>) semaphore(%arg12 : memref<!tpu.dma_semaphore, #tpu.memory_space<semaphore_mem>>)
      %dma_start3A_89 = arith.constant 1 : i32
      %dma_start3A_90 = arith.constant 0 : i32
      %dma_start3A_91 = tpu.memref_slice %arg7[%dma_start3A_89, %dma_start3A_90] : memref<40x128xi32, #tpu.memory_space<vmem>> -> memref<1x128xi32, #tpu.memory_space<vmem>>
      %dma_start3A_92 = tpu.memref_squeeze %dma_start3A_91 : memref<1x128xi32, #tpu.memory_space<vmem>> -> memref<128xi32, #tpu.memory_space<vmem>>
      %dma_start3A_93 = arith.constant 0 : i32
      %dma_start3A_94 = arith.constant 0 : i32
      %dma_start3A_95 = tpu.memref_slice %arg2[%dma_start3A_93, %dma_start3A_94] : memref<10000x128xf32, #tpu.memory_space<hbm>> -> memref<10000x128xf32, #tpu.memory_space<hbm>>
      tpu.enqueue_indirect_dma source(%dma_start3A_95 : memref<10000x128xf32, #tpu.memory_space<hbm>>) target(%arg10 : memref<128x128xf32, #tpu.memory_space<vmem>>) offsets(%dma_start3A_92 : memref<128xi32, #tpu.memory_space<vmem>>) semaphore(%arg13 : memref<!tpu.dma_semaphore, #tpu.memory_space<semaphore_mem>>)
    } else {
    }
    %while3A_62 = arith.constant 0 : i32
    %while3A_63 = arith.constant 0 : i32
    %while3A_64 = arith.subi %select_n3A_56, %while3A_63 : i32
    %while3A_65 = arith.addi %while3A_63, %while3A_64 : i32
    %while3A_66 = arith.constant 1 : i32
    %while3A_67 = arith.divsi %while3A_64, %while3A_66 : i32
    %while3A_68 = arith.muli %while3A_67, %while3A_66 : i32
    %while3A_69 = arith.addi %while3A_63, %while3A_68 : i32
    %while3A_70 = arith.constant 1 : i32
    scf.for %while3A_83 = %while3A_63 to %while3A_69 step %while3A_70  : i32 {
      %mul3A_84 = arith.constant 2 : i32
      %mul3A_85 = arith.muli %mul3A_84, %while3A_83 : i32
      %dma_wait3A = arith.constant 0 : i32
      %dma_wait3A_86 = tpu.memref_slice %arg7[%mul3A_85, %dma_wait3A] : memref<40x128xi32, #tpu.memory_space<vmem>> -> memref<1x128xi32, #tpu.memory_space<vmem>>
      %dma_wait3A_87 = tpu.memref_squeeze %dma_wait3A_86 : memref<1x128xi32, #tpu.memory_space<vmem>> -> memref<128xi32, #tpu.memory_space<vmem>>
      %dma_wait3A_88 = arith.constant 0 : i32
      %dma_wait3A_89 = arith.constant 0 : i32
      %dma_wait3A_90 = tpu.memref_slice %arg2[%dma_wait3A_88, %dma_wait3A_89] : memref<10000x128xf32, #tpu.memory_space<hbm>> -> memref<10000x128xf32, #tpu.memory_space<hbm>>
      tpu.wait_indirect_dma semaphore(%arg12 : memref<!tpu.dma_semaphore, #tpu.memory_space<semaphore_mem>>) src(%dma_wait3A_90 : memref<10000x128xf32, #tpu.memory_space<hbm>>) dst(%arg9 : memref<128x128xf32, #tpu.memory_space<vmem>>)
      %dma_start3A = arith.constant 0 : i32
      %dma_start3A_91 = tpu.memref_slice %arg8[%mul3A_85, %dma_start3A] : memref<40x128xi32, #tpu.memory_space<vmem>> -> memref<1x128xi32, #tpu.memory_space<vmem>>
      %dma_start3A_92 = tpu.memref_squeeze %dma_start3A_91 : memref<1x128xi32, #tpu.memory_space<vmem>> -> memref<128xi32, #tpu.memory_space<vmem>>
      %dma_start3A_93 = arith.constant 0 : i32
      %dma_start3A_94 = arith.constant 0 : i32
      %dma_start3A_95 = tpu.memref_slice %arg11[%dma_start3A_93, %dma_start3A_94] : memref<10016x128xf32, #tpu.memory_space<vmem_shared>> -> memref<10016x128xf32, #tpu.memory_space<vmem_shared>>
      tpu.enqueue_indirect_dma source(%arg9 : memref<128x128xf32, #tpu.memory_space<vmem>>) target(%dma_start3A_95 : memref<10016x128xf32, #tpu.memory_space<vmem_shared>>) offsets(%dma_start3A_92 : memref<128xi32, #tpu.memory_space<vmem>>) semaphore(%arg14 : memref<!tpu.dma_semaphore, #tpu.memory_space<semaphore_mem>>) {add = true}
      %add3A_96 = arith.constant 1 : i32
      %add3A_97 = arith.addi %mul3A_85, %add3A_96 : i32
      %dma_wait3A_98 = arith.constant 0 : i32
      %dma_wait3A_99 = tpu.memref_slice %arg7[%add3A_97, %dma_wait3A_98] : memref<40x128xi32, #tpu.memory_space<vmem>> -> memref<1x128xi32, #tpu.memory_space<vmem>>
      %dma_wait3A_100 = tpu.memref_squeeze %dma_wait3A_99 : memref<1x128xi32, #tpu.memory_space<vmem>> -> memref<128xi32, #tpu.memory_space<vmem>>
      %dma_wait3A_101 = arith.constant 0 : i32
      %dma_wait3A_102 = arith.constant 0 : i32
      %dma_wait3A_103 = tpu.memref_slice %arg2[%dma_wait3A_101, %dma_wait3A_102] : memref<10000x128xf32, #tpu.memory_space<hbm>> -> memref<10000x128xf32, #tpu.memory_space<hbm>>
      tpu.wait_indirect_dma semaphore(%arg13 : memref<!tpu.dma_semaphore, #tpu.memory_space<semaphore_mem>>) src(%dma_wait3A_103 : memref<10000x128xf32, #tpu.memory_space<hbm>>) dst(%arg10 : memref<128x128xf32, #tpu.memory_space<vmem>>)
      %add3A_104 = arith.constant 1 : i32
      %add3A_105 = arith.addi %mul3A_85, %add3A_104 : i32
      %dma_start3A_106 = arith.constant 0 : i32
      %dma_start3A_107 = tpu.memref_slice %arg8[%add3A_105, %dma_start3A_106] : memref<40x128xi32, #tpu.memory_space<vmem>> -> memref<1x128xi32, #tpu.memory_space<vmem>>
      %dma_start3A_108 = tpu.memref_squeeze %dma_start3A_107 : memref<1x128xi32, #tpu.memory_space<vmem>> -> memref<128xi32, #tpu.memory_space<vmem>>
      %dma_start3A_109 = arith.constant 0 : i32
      %dma_start3A_110 = arith.constant 0 : i32
      %dma_start3A_111 = tpu.memref_slice %arg11[%dma_start3A_109, %dma_start3A_110] : memref<10016x128xf32, #tpu.memory_space<vmem_shared>> -> memref<10016x128xf32, #tpu.memory_space<vmem_shared>>
      tpu.enqueue_indirect_dma source(%arg10 : memref<128x128xf32, #tpu.memory_space<vmem>>) target(%dma_start3A_111 : memref<10016x128xf32, #tpu.memory_space<vmem_shared>>) offsets(%dma_start3A_108 : memref<128xi32, #tpu.memory_space<vmem>>) semaphore(%arg15 : memref<!tpu.dma_semaphore, #tpu.memory_space<semaphore_mem>>) {add = true}
      %sub3A = arith.constant 1 : i32
      %sub3A_112 = arith.subi %select_n3A_56, %sub3A : i32
      %lt3A_113 = arith.cmpi slt, %while3A_83, %sub3A_112 : i32
      %convert_element_type3A_114 = arith.extui %lt3A_113 : i1 to i32
      %cond3A_115 = arith.constant 0 : i32
      %cond3A_116 = arith.cmpi ne, %convert_element_type3A_114, %cond3A_115 : i32
      scf.if %cond3A_116 {
        %dma_wait3A_117 = arith.constant 0 : i32
        %dma_wait3A_118 = tpu.memref_slice %arg8[%mul3A_85, %dma_wait3A_117] : memref<40x128xi32, #tpu.memory_space<vmem>> -> memref<1x128xi32, #tpu.memory_space<vmem>>
        %dma_wait3A_119 = tpu.memref_squeeze %dma_wait3A_118 : memref<1x128xi32, #tpu.memory_space<vmem>> -> memref<128xi32, #tpu.memory_space<vmem>>
        %dma_wait3A_120 = arith.constant 0 : i32
        %dma_wait3A_121 = arith.constant 0 : i32
        %dma_wait3A_122 = tpu.memref_slice %arg11[%dma_wait3A_120, %dma_wait3A_121] : memref<10016x128xf32, #tpu.memory_space<vmem_shared>> -> memref<10016x128xf32, #tpu.memory_space<vmem_shared>>
        tpu.wait_indirect_dma semaphore(%arg14 : memref<!tpu.dma_semaphore, #tpu.memory_space<semaphore_mem>>) src(%arg9 : memref<128x128xf32, #tpu.memory_space<vmem>>) dst(%dma_wait3A_122 : memref<10016x128xf32, #tpu.memory_space<vmem_shared>>)
        %add3A_123 = arith.constant 2 : i32
        %add3A_124 = arith.addi %mul3A_85, %add3A_123 : i32
        %dma_start3A_125 = arith.constant 0 : i32
        %dma_start3A_126 = tpu.memref_slice %arg7[%add3A_124, %dma_start3A_125] : memref<40x128xi32, #tpu.memory_space<vmem>> -> memref<1x128xi32, #tpu.memory_space<vmem>>
        %dma_start3A_127 = tpu.memref_squeeze %dma_start3A_126 : memref<1x128xi32, #tpu.memory_space<vmem>> -> memref<128xi32, #tpu.memory_space<vmem>>
        %dma_start3A_128 = arith.constant 0 : i32
        %dma_start3A_129 = arith.constant 0 : i32
        %dma_start3A_130 = tpu.memref_slice %arg2[%dma_start3A_128, %dma_start3A_129] : memref<10000x128xf32, #tpu.memory_space<hbm>> -> memref<10000x128xf32, #tpu.memory_space<hbm>>
        tpu.enqueue_indirect_dma source(%dma_start3A_130 : memref<10000x128xf32, #tpu.memory_space<hbm>>) target(%arg9 : memref<128x128xf32, #tpu.memory_space<vmem>>) offsets(%dma_start3A_127 : memref<128xi32, #tpu.memory_space<vmem>>) semaphore(%arg12 : memref<!tpu.dma_semaphore, #tpu.memory_space<semaphore_mem>>)
        %add3A_131 = arith.constant 1 : i32
        %add3A_132 = arith.addi %mul3A_85, %add3A_131 : i32
        %dma_wait3A_133 = arith.constant 0 : i32
        %dma_wait3A_134 = tpu.memref_slice %arg8[%add3A_132, %dma_wait3A_133] : memref<40x128xi32, #tpu.memory_space<vmem>> -> memref<1x128xi32, #tpu.memory_space<vmem>>
        %dma_wait3A_135 = tpu.memref_squeeze %dma_wait3A_134 : memref<1x128xi32, #tpu.memory_space<vmem>> -> memref<128xi32, #tpu.memory_space<vmem>>
        %dma_wait3A_136 = arith.constant 0 : i32
        %dma_wait3A_137 = arith.constant 0 : i32
        %dma_wait3A_138 = tpu.memref_slice %arg11[%dma_wait3A_136, %dma_wait3A_137] : memref<10016x128xf32, #tpu.memory_space<vmem_shared>> -> memref<10016x128xf32, #tpu.memory_space<vmem_shared>>
        tpu.wait_indirect_dma semaphore(%arg15 : memref<!tpu.dma_semaphore, #tpu.memory_space<semaphore_mem>>) src(%arg10 : memref<128x128xf32, #tpu.memory_space<vmem>>) dst(%dma_wait3A_138 : memref<10016x128xf32, #tpu.memory_space<vmem_shared>>)
        %add3A_139 = arith.constant 3 : i32
        %add3A_140 = arith.addi %mul3A_85, %add3A_139 : i32
        %dma_start3A_141 = arith.constant 0 : i32
        %dma_start3A_142 = tpu.memref_slice %arg7[%add3A_140, %dma_start3A_141] : memref<40x128xi32, #tpu.memory_space<vmem>> -> memref<1x128xi32, #tpu.memory_space<vmem>>
        %dma_start3A_143 = tpu.memref_squeeze %dma_start3A_142 : memref<1x128xi32, #tpu.memory_space<vmem>> -> memref<128xi32, #tpu.memory_space<vmem>>
        %dma_start3A_144 = arith.constant 0 : i32
        %dma_start3A_145 = arith.constant 0 : i32
        %dma_start3A_146 = tpu.memref_slice %arg2[%dma_start3A_144, %dma_start3A_145] : memref<10000x128xf32, #tpu.memory_space<hbm>> -> memref<10000x128xf32, #tpu.memory_space<hbm>>
        tpu.enqueue_indirect_dma source(%dma_start3A_146 : memref<10000x128xf32, #tpu.memory_space<hbm>>) target(%arg10 : memref<128x128xf32, #tpu.memory_space<vmem>>) offsets(%dma_start3A_143 : memref<128xi32, #tpu.memory_space<vmem>>) semaphore(%arg13 : memref<!tpu.dma_semaphore, #tpu.memory_space<semaphore_mem>>)
      } else {
      }
    }
    %while3A_71 = arith.constant 1 : i32
    scf.for %while3A_83 = %while3A_69 to %while3A_65 step %while3A_71  : i32 {
      %mul3A_84 = arith.constant 2 : i32
      %mul3A_85 = arith.muli %mul3A_84, %while3A_83 : i32
      %dma_wait3A = arith.constant 0 : i32
      %dma_wait3A_86 = tpu.memref_slice %arg7[%mul3A_85, %dma_wait3A] : memref<40x128xi32, #tpu.memory_space<vmem>> -> memref<1x128xi32, #tpu.memory_space<vmem>>
      %dma_wait3A_87 = tpu.memref_squeeze %dma_wait3A_86 : memref<1x128xi32, #tpu.memory_space<vmem>> -> memref<128xi32, #tpu.memory_space<vmem>>
      %dma_wait3A_88 = arith.constant 0 : i32
      %dma_wait3A_89 = arith.constant 0 : i32
      %dma_wait3A_90 = tpu.memref_slice %arg2[%dma_wait3A_88, %dma_wait3A_89] : memref<10000x128xf32, #tpu.memory_space<hbm>> -> memref<10000x128xf32, #tpu.memory_space<hbm>>
      tpu.wait_indirect_dma semaphore(%arg12 : memref<!tpu.dma_semaphore, #tpu.memory_space<semaphore_mem>>) src(%dma_wait3A_90 : memref<10000x128xf32, #tpu.memory_space<hbm>>) dst(%arg9 : memref<128x128xf32, #tpu.memory_space<vmem>>)
      %dma_start3A = arith.constant 0 : i32
      %dma_start3A_91 = tpu.memref_slice %arg8[%mul3A_85, %dma_start3A] : memref<40x128xi32, #tpu.memory_space<vmem>> -> memref<1x128xi32, #tpu.memory_space<vmem>>
      %dma_start3A_92 = tpu.memref_squeeze %dma_start3A_91 : memref<1x128xi32, #tpu.memory_space<vmem>> -> memref<128xi32, #tpu.memory_space<vmem>>
      %dma_start3A_93 = arith.constant 0 : i32
      %dma_start3A_94 = arith.constant 0 : i32
      %dma_start3A_95 = tpu.memref_slice %arg11[%dma_start3A_93, %dma_start3A_94] : memref<10016x128xf32, #tpu.memory_space<vmem_shared>> -> memref<10016x128xf32, #tpu.memory_space<vmem_shared>>
      tpu.enqueue_indirect_dma source(%arg9 : memref<128x128xf32, #tpu.memory_space<vmem>>) target(%dma_start3A_95 : memref<10016x128xf32, #tpu.memory_space<vmem_shared>>) offsets(%dma_start3A_92 : memref<128xi32, #tpu.memory_space<vmem>>) semaphore(%arg14 : memref<!tpu.dma_semaphore, #tpu.memory_space<semaphore_mem>>) {add = true}
      %add3A_96 = arith.constant 1 : i32
      %add3A_97 = arith.addi %mul3A_85, %add3A_96 : i32
      %dma_wait3A_98 = arith.constant 0 : i32
      %dma_wait3A_99 = tpu.memref_slice %arg7[%add3A_97, %dma_wait3A_98] : memref<40x128xi32, #tpu.memory_space<vmem>> -> memref<1x128xi32, #tpu.memory_space<vmem>>
      %dma_wait3A_100 = tpu.memref_squeeze %dma_wait3A_99 : memref<1x128xi32, #tpu.memory_space<vmem>> -> memref<128xi32, #tpu.memory_space<vmem>>
      %dma_wait3A_101 = arith.constant 0 : i32
      %dma_wait3A_102 = arith.constant 0 : i32
      %dma_wait3A_103 = tpu.memref_slice %arg2[%dma_wait3A_101, %dma_wait3A_102] : memref<10000x128xf32, #tpu.memory_space<hbm>> -> memref<10000x128xf32, #tpu.memory_space<hbm>>
      tpu.wait_indirect_dma semaphore(%arg13 : memref<!tpu.dma_semaphore, #tpu.memory_space<semaphore_mem>>) src(%dma_wait3A_103 : memref<10000x128xf32, #tpu.memory_space<hbm>>) dst(%arg10 : memref<128x128xf32, #tpu.memory_space<vmem>>)
      %add3A_104 = arith.constant 1 : i32
      %add3A_105 = arith.addi %mul3A_85, %add3A_104 : i32
      %dma_start3A_106 = arith.constant 0 : i32
      %dma_start3A_107 = tpu.memref_slice %arg8[%add3A_105, %dma_start3A_106] : memref<40x128xi32, #tpu.memory_space<vmem>> -> memref<1x128xi32, #tpu.memory_space<vmem>>
      %dma_start3A_108 = tpu.memref_squeeze %dma_start3A_107 : memref<1x128xi32, #tpu.memory_space<vmem>> -> memref<128xi32, #tpu.memory_space<vmem>>
      %dma_start3A_109 = arith.constant 0 : i32
      %dma_start3A_110 = arith.constant 0 : i32
      %dma_start3A_111 = tpu.memref_slice %arg11[%dma_start3A_109, %dma_start3A_110] : memref<10016x128xf32, #tpu.memory_space<vmem_shared>> -> memref<10016x128xf32, #tpu.memory_space<vmem_shared>>
      tpu.enqueue_indirect_dma source(%arg10 : memref<128x128xf32, #tpu.memory_space<vmem>>) target(%dma_start3A_111 : memref<10016x128xf32, #tpu.memory_space<vmem_shared>>) offsets(%dma_start3A_108 : memref<128xi32, #tpu.memory_space<vmem>>) semaphore(%arg15 : memref<!tpu.dma_semaphore, #tpu.memory_space<semaphore_mem>>) {add = true}
      %sub3A = arith.constant 1 : i32
      %sub3A_112 = arith.subi %select_n3A_56, %sub3A : i32
      %lt3A_113 = arith.cmpi slt, %while3A_83, %sub3A_112 : i32
      %convert_element_type3A_114 = arith.extui %lt3A_113 : i1 to i32
      %cond3A_115 = arith.constant 0 : i32
      %cond3A_116 = arith.cmpi ne, %convert_element_type3A_114, %cond3A_115 : i32
      scf.if %cond3A_116 {
        %dma_wait3A_117 = arith.constant 0 : i32
        %dma_wait3A_118 = tpu.memref_slice %arg8[%mul3A_85, %dma_wait3A_117] : memref<40x128xi32, #tpu.memory_space<vmem>> -> memref<1x128xi32, #tpu.memory_space<vmem>>
        %dma_wait3A_119 = tpu.memref_squeeze %dma_wait3A_118 : memref<1x128xi32, #tpu.memory_space<vmem>> -> memref<128xi32, #tpu.memory_space<vmem>>
        %dma_wait3A_120 = arith.constant 0 : i32
        %dma_wait3A_121 = arith.constant 0 : i32
        %dma_wait3A_122 = tpu.memref_slice %arg11[%dma_wait3A_120, %dma_wait3A_121] : memref<10016x128xf32, #tpu.memory_space<vmem_shared>> -> memref<10016x128xf32, #tpu.memory_space<vmem_shared>>
        tpu.wait_indirect_dma semaphore(%arg14 : memref<!tpu.dma_semaphore, #tpu.memory_space<semaphore_mem>>) src(%arg9 : memref<128x128xf32, #tpu.memory_space<vmem>>) dst(%dma_wait3A_122 : memref<10016x128xf32, #tpu.memory_space<vmem_shared>>)
        %add3A_123 = arith.constant 2 : i32
        %add3A_124 = arith.addi %mul3A_85, %add3A_123 : i32
        %dma_start3A_125 = arith.constant 0 : i32
        %dma_start3A_126 = tpu.memref_slice %arg7[%add3A_124, %dma_start3A_125] : memref<40x128xi32, #tpu.memory_space<vmem>> -> memref<1x128xi32, #tpu.memory_space<vmem>>
        %dma_start3A_127 = tpu.memref_squeeze %dma_start3A_126 : memref<1x128xi32, #tpu.memory_space<vmem>> -> memref<128xi32, #tpu.memory_space<vmem>>
        %dma_start3A_128 = arith.constant 0 : i32
        %dma_start3A_129 = arith.constant 0 : i32
        %dma_start3A_130 = tpu.memref_slice %arg2[%dma_start3A_128, %dma_start3A_129] : memref<10000x128xf32, #tpu.memory_space<hbm>> -> memref<10000x128xf32, #tpu.memory_space<hbm>>
        tpu.enqueue_indirect_dma source(%dma_start3A_130 : memref<10000x128xf32, #tpu.memory_space<hbm>>) target(%arg9 : memref<128x128xf32, #tpu.memory_space<vmem>>) offsets(%dma_start3A_127 : memref<128xi32, #tpu.memory_space<vmem>>) semaphore(%arg12 : memref<!tpu.dma_semaphore, #tpu.memory_space<semaphore_mem>>)
        %add3A_131 = arith.constant 1 : i32
        %add3A_132 = arith.addi %mul3A_85, %add3A_131 : i32
        %dma_wait3A_133 = arith.constant 0 : i32
        %dma_wait3A_134 = tpu.memref_slice %arg8[%add3A_132, %dma_wait3A_133] : memref<40x128xi32, #tpu.memory_space<vmem>> -> memref<1x128xi32, #tpu.memory_space<vmem>>
        %dma_wait3A_135 = tpu.memref_squeeze %dma_wait3A_134 : memref<1x128xi32, #tpu.memory_space<vmem>> -> memref<128xi32, #tpu.memory_space<vmem>>
        %dma_wait3A_136 = arith.constant 0 : i32
        %dma_wait3A_137 = arith.constant 0 : i32
        %dma_wait3A_138 = tpu.memref_slice %arg11[%dma_wait3A_136, %dma_wait3A_137] : memref<10016x128xf32, #tpu.memory_space<vmem_shared>> -> memref<10016x128xf32, #tpu.memory_space<vmem_shared>>
        tpu.wait_indirect_dma semaphore(%arg15 : memref<!tpu.dma_semaphore, #tpu.memory_space<semaphore_mem>>) src(%arg10 : memref<128x128xf32, #tpu.memory_space<vmem>>) dst(%dma_wait3A_138 : memref<10016x128xf32, #tpu.memory_space<vmem_shared>>)
        %add3A_139 = arith.constant 3 : i32
        %add3A_140 = arith.addi %mul3A_85, %add3A_139 : i32
        %dma_start3A_141 = arith.constant 0 : i32
        %dma_start3A_142 = tpu.memref_slice %arg7[%add3A_140, %dma_start3A_141] : memref<40x128xi32, #tpu.memory_space<vmem>> -> memref<1x128xi32, #tpu.memory_space<vmem>>
        %dma_start3A_143 = tpu.memref_squeeze %dma_start3A_142 : memref<1x128xi32, #tpu.memory_space<vmem>> -> memref<128xi32, #tpu.memory_space<vmem>>
        %dma_start3A_144 = arith.constant 0 : i32
        %dma_start3A_145 = arith.constant 0 : i32
        %dma_start3A_146 = tpu.memref_slice %arg2[%dma_start3A_144, %dma_start3A_145] : memref<10000x128xf32, #tpu.memory_space<hbm>> -> memref<10000x128xf32, #tpu.memory_space<hbm>>
        tpu.enqueue_indirect_dma source(%dma_start3A_146 : memref<10000x128xf32, #tpu.memory_space<hbm>>) target(%arg10 : memref<128x128xf32, #tpu.memory_space<vmem>>) offsets(%dma_start3A_143 : memref<128xi32, #tpu.memory_space<vmem>>) semaphore(%arg13 : memref<!tpu.dma_semaphore, #tpu.memory_space<semaphore_mem>>)
      } else {
      }
    }
    %gt3A_72 = arith.constant 0 : i32
    %gt3A_73 = arith.cmpi sgt, %select_n3A_56, %gt3A_72 : i32
    %convert_element_type3A_74 = arith.extui %gt3A_73 : i1 to i32
    %cond3A_75 = arith.constant 0 : i32
    %cond3A_76 = arith.cmpi ne, %convert_element_type3A_74, %cond3A_75 : i32
    scf.if %cond3A_76 {
      %sub3A = arith.constant 2 : i32
      %sub3A_83 = arith.subi %select_n3A_51, %sub3A : i32
      %dma_wait3A = arith.constant 0 : i32
      %dma_wait3A_84 = tpu.memref_slice %arg8[%sub3A_83, %dma_wait3A] : memref<40x128xi32, #tpu.memory_space<vmem>> -> memref<1x128xi32, #tpu.memory_space<vmem>>
      %dma_wait3A_85 = tpu.memref_squeeze %dma_wait3A_84 : memref<1x128xi32, #tpu.memory_space<vmem>> -> memref<128xi32, #tpu.memory_space<vmem>>
      %dma_wait3A_86 = arith.constant 0 : i32
      %dma_wait3A_87 = arith.constant 0 : i32
      %dma_wait3A_88 = tpu.memref_slice %arg11[%dma_wait3A_86, %dma_wait3A_87] : memref<10016x128xf32, #tpu.memory_space<vmem_shared>> -> memref<10016x128xf32, #tpu.memory_space<vmem_shared>>
      tpu.wait_indirect_dma semaphore(%arg14 : memref<!tpu.dma_semaphore, #tpu.memory_space<semaphore_mem>>) src(%arg9 : memref<128x128xf32, #tpu.memory_space<vmem>>) dst(%dma_wait3A_88 : memref<10016x128xf32, #tpu.memory_space<vmem_shared>>)
      %sub3A_89 = arith.constant 1 : i32
      %sub3A_90 = arith.subi %select_n3A_51, %sub3A_89 : i32
      %dma_wait3A_91 = arith.constant 0 : i32
      %dma_wait3A_92 = tpu.memref_slice %arg8[%sub3A_90, %dma_wait3A_91] : memref<40x128xi32, #tpu.memory_space<vmem>> -> memref<1x128xi32, #tpu.memory_space<vmem>>
      %dma_wait3A_93 = tpu.memref_squeeze %dma_wait3A_92 : memref<1x128xi32, #tpu.memory_space<vmem>> -> memref<128xi32, #tpu.memory_space<vmem>>
      %dma_wait3A_94 = arith.constant 0 : i32
      %dma_wait3A_95 = arith.constant 0 : i32
      %dma_wait3A_96 = tpu.memref_slice %arg11[%dma_wait3A_94, %dma_wait3A_95] : memref<10016x128xf32, #tpu.memory_space<vmem_shared>> -> memref<10016x128xf32, #tpu.memory_space<vmem_shared>>
      tpu.wait_indirect_dma semaphore(%arg15 : memref<!tpu.dma_semaphore, #tpu.memory_space<semaphore_mem>>) src(%arg10 : memref<128x128xf32, #tpu.memory_space<vmem>>) dst(%dma_wait3A_96 : memref<10016x128xf32, #tpu.memory_space<vmem_shared>>)
    } else {
    }
    %barrier3A_77 = arith.constant 0 : index
    tpu.barrier barrier_id(%barrier3A_77)
    %lt3A_78 = arith.constant 5 : i32
    %lt3A_79 = arith.cmpi slt, %arg1, %lt3A_78 : i32
    %convert_element_type3A_80 = arith.extui %lt3A_79 : i1 to i32
    %cond3A_81 = arith.constant 0 : i32
    %cond3A_82 = arith.cmpi ne, %convert_element_type3A_80, %cond3A_81 : i32
    scf.if %cond3A_82 {
      %mul3A_83 = arith.constant 2000 : i32
      %mul3A_84 = arith.muli %arg1, %mul3A_83 : i32
      %mul3A_85 = arith.constant 2000 : i32
      %mul3A_86 = arith.muli %arg1, %mul3A_85 : i32
      "tpu.region"() ({
        %run_scoped3A = tpu.sem_alloc : memref<!tpu.dma_semaphore, #tpu.memory_space<semaphore_mem>>
        %dma_start3A = arith.constant 0 : i32
        %dma_start3A_87 = tpu.memref_slice %arg6[%arg0, %mul3A_86, %dma_start3A] : memref<2x10000x128xf32, #tpu.memory_space<hbm>> -> memref<1x2000x128xf32, #tpu.memory_space<hbm>>
        %dma_start3A_88 = tpu.memref_squeeze %dma_start3A_87 : memref<1x2000x128xf32, #tpu.memory_space<hbm>> -> memref<2000x128xf32, #tpu.memory_space<hbm>>
        %dma_start3A_89 = arith.constant 0 : i32
        %dma_start3A_90 = tpu.memref_slice %arg11[%mul3A_84, %dma_start3A_89] : memref<10016x128xf32, #tpu.memory_space<vmem_shared>> -> memref<2000x128xf32, #tpu.memory_space<vmem_shared>>
        tpu.enqueue_dma source(%dma_start3A_90 : memref<2000x128xf32, #tpu.memory_space<vmem_shared>>) target(%dma_start3A_88 : memref<2000x128xf32, #tpu.memory_space<hbm>>) target_semaphore(%run_scoped3A : memref<!tpu.dma_semaphore, #tpu.memory_space<semaphore_mem>>)
        %dma_wait3A = arith.constant 0 : i32
        %dma_wait3A_91 = tpu.memref_slice %arg6[%arg0, %mul3A_86, %dma_wait3A] : memref<2x10000x128xf32, #tpu.memory_space<hbm>> -> memref<1x2000x128xf32, #tpu.memory_space<hbm>>
        %dma_wait3A_92 = tpu.memref_squeeze %dma_wait3A_91 : memref<1x2000x128xf32, #tpu.memory_space<hbm>> -> memref<2000x128xf32, #tpu.memory_space<hbm>>
        %dma_wait3A_93 = arith.constant 0 : i32
        %dma_wait3A_94 = tpu.memref_slice %arg11[%mul3A_84, %dma_wait3A_93] : memref<10016x128xf32, #tpu.memory_space<vmem_shared>> -> memref<2000x128xf32, #tpu.memory_space<vmem_shared>>
        tpu.wait_dma2 semaphore(%run_scoped3A : memref<!tpu.dma_semaphore, #tpu.memory_space<semaphore_mem>>) src(%dma_wait3A_94 : memref<2000x128xf32, #tpu.memory_space<vmem_shared>>) dst(%dma_wait3A_92 : memref<2000x128xf32, #tpu.memory_space<hbm>>)
        tpu.yield
      }) : () -> ()
    } else {
    }
    return
  }
}

#map = affine_map<(d0, d1) -> (0, 0)>
#map1 = affine_map<(d0, d1) -> (0, 0, 0)>
module attributes {stable_mosaic.version = 14 : i64} {
  func.func @_sc_agg(%arg0: i32, %arg1: i32, %arg2: memref<10000x128xf32, #tpu.memory_space<hbm>>, %arg3: memref<2560x128xi32, #tpu.memory_space<hbm>>, %arg4: memref<2560x128xi32, #tpu.memory_space<hbm>>, %arg5: memref<1000x128xf32, #tpu.memory_space<hbm>>, %arg6: memref<2x10000x128xf32, #tpu.memory_space<hbm>>, %arg7: memref<40x128xi32, #tpu.memory_space<vmem>>, %arg8: memref<40x128xi32, #tpu.memory_space<vmem>>, %arg9: memref<128x128xf32, #tpu.memory_space<vmem>>, %arg10: memref<128x128xf32, #tpu.memory_space<vmem>>, %arg11: memref<10016x128xf32, #tpu.memory_space<vmem_shared>>, %arg12: memref<!tpu.dma_semaphore, #tpu.memory_space<semaphore_mem>>, %arg13: memref<!tpu.dma_semaphore, #tpu.memory_space<semaphore_mem>>, %arg14: memref<!tpu.dma_semaphore, #tpu.memory_space<semaphore_mem>>, %arg15: memref<!tpu.dma_semaphore, #tpu.memory_space<semaphore_mem>>) attributes {dimension_semantics = [#tpu.dimension_semantics<core_parallel>, #tpu.dimension_semantics<subcore_parallel>], iteration_bounds = array<i64: 2, 16>, scalar_prefetch = 0 : i64, scratch_operands = 9 : i64, tpu.core_type = #tpu.core_type<sc_vector_subcore>, window_params = [{transform_indices = #map}, {transform_indices = #map}, {transform_indices = #map}, {transform_indices = #map}, {transform_indices = #map1}]} {
    %eq3A = arith.constant 0 : i32
    %eq3A_0 = arith.cmpi eq, %arg0, %eq3A : i32
    %mul3A = arith.constant 80 : i32
    %mul3A_1 = arith.muli %arg1, %mul3A : i32
    %mul3A_2 = arith.constant 80 : i32
    %mul3A_3 = arith.muli %arg1, %mul3A_2 : i32
    %add3A = arith.constant 1280 : i32
    %add3A_4 = arith.addi %add3A, %mul3A_3 : i32
    %select_n3A = arith.select %eq3A_0, %mul3A_1, %add3A_4 : i32
    %lt3A = arith.constant 10 : i32
    %lt3A_5 = arith.cmpi slt, %arg1, %lt3A : i32
    %convert_element_type3A = arith.extui %lt3A_5 : i1 to i32
    %cond3A = arith.constant 0 : i32
    %cond3A_6 = arith.cmpi ne, %convert_element_type3A, %cond3A : i32
    scf.if %cond3A_6 {
      %mul3A_83 = arith.constant 1000 : i32
      %mul3A_84 = arith.muli %arg1, %mul3A_83 : i32
      "tpu.region"() ({
        %run_scoped3A = tpu.sem_alloc : memref<!tpu.dma_semaphore, #tpu.memory_space<semaphore_mem>>
        %dma_start3A = arith.constant 0 : i32
        %dma_start3A_85 = tpu.memref_slice %arg11[%mul3A_84, %dma_start3A] : memref<10016x128xf32, #tpu.memory_space<vmem_shared>> -> memref<1000x128xf32, #tpu.memory_space<vmem_shared>>
        tpu.enqueue_dma source(%arg5 : memref<1000x128xf32, #tpu.memory_space<hbm>>) target(%dma_start3A_85 : memref<1000x128xf32, #tpu.memory_space<vmem_shared>>) target_semaphore(%run_scoped3A : memref<!tpu.dma_semaphore, #tpu.memory_space<semaphore_mem>>)
        %dma_wait3A = arith.constant 0 : i32
        %dma_wait3A_86 = tpu.memref_slice %arg11[%mul3A_84, %dma_wait3A] : memref<10016x128xf32, #tpu.memory_space<vmem_shared>> -> memref<1000x128xf32, #tpu.memory_space<vmem_shared>>
        tpu.wait_dma2 semaphore(%run_scoped3A : memref<!tpu.dma_semaphore, #tpu.memory_space<semaphore_mem>>) src(%arg5 : memref<1000x128xf32, #tpu.memory_space<hbm>>) dst(%dma_wait3A_86 : memref<1000x128xf32, #tpu.memory_space<vmem_shared>>)
        tpu.yield
      }) : () -> ()
    } else {
    }
    %barrier3A = arith.constant 0 : index
    tpu.barrier barrier_id(%barrier3A)
    %eq3A_7 = arith.constant 0 : i32
    %eq3A_8 = arith.cmpi eq, %arg0, %eq3A_7 : i32
    %jit3A = arith.constant 0 : i32
    %jit3A_9 = arith.constant 0 : i32
    %select_n3A_10 = arith.select %eq3A_8, %jit3A, %jit3A_9 : i32
    %add3A_11 = arith.addi %select_n3A, %select_n3A_10 : i32
    %multiple_of3A = tpu.assume_multiple %add3A_11, 8 : i32
    %eq3A_12 = arith.constant 0 : i32
    %eq3A_13 = arith.cmpi eq, %arg0, %eq3A_12 : i32
    %jit3A_14 = arith.constant 40 : i32
    %jit3A_15 = arith.constant 40 : i32
    %select_n3A_16 = arith.select %eq3A_13, %jit3A_14, %jit3A_15 : i32
    %eq3A_17 = arith.constant 0 : i32
    %eq3A_18 = arith.cmpi eq, %arg0, %eq3A_17 : i32
    %jit3A_19 = arith.constant 20 : i32
    %jit3A_20 = arith.constant 20 : i32
    %select_n3A_21 = arith.select %eq3A_18, %jit3A_19, %jit3A_20 : i32
    %gt3A = arith.constant 0 : i32
    %gt3A_22 = arith.cmpi sgt, %select_n3A_21, %gt3A : i32
    %convert_element_type3A_23 = arith.extui %gt3A_22 : i1 to i32
    %cond3A_24 = arith.constant 0 : i32
    %cond3A_25 = arith.cmpi ne, %convert_element_type3A_23, %cond3A_24 : i32
    scf.if %cond3A_25 {
      "tpu.region"() ({
        %run_scoped3A = tpu.sem_alloc : memref<!tpu.dma_semaphore, #tpu.memory_space<semaphore_mem>>
        %dma_start3A_96 = arith.constant 0 : i32
        %dma_start3A_97 = tpu.memref_slice %arg3[%multiple_of3A, %dma_start3A_96] : memref<2560x128xi32, #tpu.memory_space<hbm>> -> memref<40x128xi32, #tpu.memory_space<hbm>>
        %dma_start3A_98 = arith.constant 0 : i32
        %dma_start3A_99 = tpu.memref_slice %arg3[%multiple_of3A, %dma_start3A_98] : memref<2560x128xi32, #tpu.memory_space<hbm>> -> memref<40x128xi32, #tpu.memory_space<hbm>>
        tpu.enqueue_dma source(%dma_start3A_99 : memref<40x128xi32, #tpu.memory_space<hbm>>) target(%arg7 : memref<40x128xi32, #tpu.memory_space<vmem>>) target_semaphore(%run_scoped3A : memref<!tpu.dma_semaphore, #tpu.memory_space<semaphore_mem>>)
        %dma_wait3A = arith.constant 0 : i32
        %dma_wait3A_100 = tpu.memref_slice %arg3[%multiple_of3A, %dma_wait3A] : memref<2560x128xi32, #tpu.memory_space<hbm>> -> memref<40x128xi32, #tpu.memory_space<hbm>>
        %dma_wait3A_101 = arith.constant 0 : i32
        %dma_wait3A_102 = tpu.memref_slice %arg3[%multiple_of3A, %dma_wait3A_101] : memref<2560x128xi32, #tpu.memory_space<hbm>> -> memref<40x128xi32, #tpu.memory_space<hbm>>
        tpu.wait_dma2 semaphore(%run_scoped3A : memref<!tpu.dma_semaphore, #tpu.memory_space<semaphore_mem>>) src(%dma_wait3A_102 : memref<40x128xi32, #tpu.memory_space<hbm>>) dst(%arg7 : memref<40x128xi32, #tpu.memory_space<vmem>>)
        tpu.yield
      }) : () -> ()
      "tpu.region"() ({
        %run_scoped3A = tpu.sem_alloc : memref<!tpu.dma_semaphore, #tpu.memory_space<semaphore_mem>>
        %dma_start3A_96 = arith.constant 0 : i32
        %dma_start3A_97 = tpu.memref_slice %arg4[%multiple_of3A, %dma_start3A_96] : memref<2560x128xi32, #tpu.memory_space<hbm>> -> memref<40x128xi32, #tpu.memory_space<hbm>>
        %dma_start3A_98 = arith.constant 0 : i32
        %dma_start3A_99 = tpu.memref_slice %arg4[%multiple_of3A, %dma_start3A_98] : memref<2560x128xi32, #tpu.memory_space<hbm>> -> memref<40x128xi32, #tpu.memory_space<hbm>>
        tpu.enqueue_dma source(%dma_start3A_99 : memref<40x128xi32, #tpu.memory_space<hbm>>) target(%arg8 : memref<40x128xi32, #tpu.memory_space<vmem>>) target_semaphore(%run_scoped3A : memref<!tpu.dma_semaphore, #tpu.memory_space<semaphore_mem>>)
        %dma_wait3A = arith.constant 0 : i32
        %dma_wait3A_100 = tpu.memref_slice %arg4[%multiple_of3A, %dma_wait3A] : memref<2560x128xi32, #tpu.memory_space<hbm>> -> memref<40x128xi32, #tpu.memory_space<hbm>>
        %dma_wait3A_101 = arith.constant 0 : i32
        %dma_wait3A_102 = tpu.memref_slice %arg4[%multiple_of3A, %dma_wait3A_101] : memref<2560x128xi32, #tpu.memory_space<hbm>> -> memref<40x128xi32, #tpu.memory_space<hbm>>
        tpu.wait_dma2 semaphore(%run_scoped3A : memref<!tpu.dma_semaphore, #tpu.memory_space<semaphore_mem>>) src(%dma_wait3A_102 : memref<40x128xi32, #tpu.memory_space<hbm>>) dst(%arg8 : memref<40x128xi32, #tpu.memory_space<vmem>>)
        tpu.yield
      }) : () -> ()
      %dma_start3A = arith.constant 0 : i32
      %dma_start3A_83 = arith.constant 0 : i32
      %dma_start3A_84 = tpu.memref_slice %arg7[%dma_start3A, %dma_start3A_83] : memref<40x128xi32, #tpu.memory_space<vmem>> -> memref<1x128xi32, #tpu.memory_space<vmem>>
      %dma_start3A_85 = tpu.memref_squeeze %dma_start3A_84 : memref<1x128xi32, #tpu.memory_space<vmem>> -> memref<128xi32, #tpu.memory_space<vmem>>
      %dma_start3A_86 = arith.constant 0 : i32
      %dma_start3A_87 = arith.constant 0 : i32
      %dma_start3A_88 = tpu.memref_slice %arg2[%dma_start3A_86, %dma_start3A_87] : memref<10000x128xf32, #tpu.memory_space<hbm>> -> memref<10000x128xf32, #tpu.memory_space<hbm>>
      tpu.enqueue_indirect_dma source(%dma_start3A_88 : memref<10000x128xf32, #tpu.memory_space<hbm>>) target(%arg9 : memref<128x128xf32, #tpu.memory_space<vmem>>) offsets(%dma_start3A_85 : memref<128xi32, #tpu.memory_space<vmem>>) semaphore(%arg12 : memref<!tpu.dma_semaphore, #tpu.memory_space<semaphore_mem>>)
      %dma_start3A_89 = arith.constant 1 : i32
      %dma_start3A_90 = arith.constant 0 : i32
      %dma_start3A_91 = tpu.memref_slice %arg7[%dma_start3A_89, %dma_start3A_90] : memref<40x128xi32, #tpu.memory_space<vmem>> -> memref<1x128xi32, #tpu.memory_space<vmem>>
      %dma_start3A_92 = tpu.memref_squeeze %dma_start3A_91 : memref<1x128xi32, #tpu.memory_space<vmem>> -> memref<128xi32, #tpu.memory_space<vmem>>
      %dma_start3A_93 = arith.constant 0 : i32
      %dma_start3A_94 = arith.constant 0 : i32
      %dma_start3A_95 = tpu.memref_slice %arg2[%dma_start3A_93, %dma_start3A_94] : memref<10000x128xf32, #tpu.memory_space<hbm>> -> memref<10000x128xf32, #tpu.memory_space<hbm>>
      tpu.enqueue_indirect_dma source(%dma_start3A_95 : memref<10000x128xf32, #tpu.memory_space<hbm>>) target(%arg10 : memref<128x128xf32, #tpu.memory_space<vmem>>) offsets(%dma_start3A_92 : memref<128xi32, #tpu.memory_space<vmem>>) semaphore(%arg13 : memref<!tpu.dma_semaphore, #tpu.memory_space<semaphore_mem>>)
    } else {
    }
    %while3A = arith.constant 0 : i32
    %while3A_26 = arith.constant 0 : i32
    %while3A_27 = arith.subi %select_n3A_21, %while3A_26 : i32
    %while3A_28 = arith.addi %while3A_26, %while3A_27 : i32
    %while3A_29 = arith.constant 1 : i32
    %while3A_30 = arith.divsi %while3A_27, %while3A_29 : i32
    %while3A_31 = arith.muli %while3A_30, %while3A_29 : i32
    %while3A_32 = arith.addi %while3A_26, %while3A_31 : i32
    %while3A_33 = arith.constant 1 : i32
    scf.for %while3A_83 = %while3A_26 to %while3A_32 step %while3A_33  : i32 {
      %mul3A_84 = arith.constant 2 : i32
      %mul3A_85 = arith.muli %mul3A_84, %while3A_83 : i32
      %dma_wait3A = arith.constant 0 : i32
      %dma_wait3A_86 = tpu.memref_slice %arg7[%mul3A_85, %dma_wait3A] : memref<40x128xi32, #tpu.memory_space<vmem>> -> memref<1x128xi32, #tpu.memory_space<vmem>>
      %dma_wait3A_87 = tpu.memref_squeeze %dma_wait3A_86 : memref<1x128xi32, #tpu.memory_space<vmem>> -> memref<128xi32, #tpu.memory_space<vmem>>
      %dma_wait3A_88 = arith.constant 0 : i32
      %dma_wait3A_89 = arith.constant 0 : i32
      %dma_wait3A_90 = tpu.memref_slice %arg2[%dma_wait3A_88, %dma_wait3A_89] : memref<10000x128xf32, #tpu.memory_space<hbm>> -> memref<10000x128xf32, #tpu.memory_space<hbm>>
      tpu.wait_indirect_dma semaphore(%arg12 : memref<!tpu.dma_semaphore, #tpu.memory_space<semaphore_mem>>) src(%dma_wait3A_90 : memref<10000x128xf32, #tpu.memory_space<hbm>>) dst(%arg9 : memref<128x128xf32, #tpu.memory_space<vmem>>)
      %dma_start3A = arith.constant 0 : i32
      %dma_start3A_91 = tpu.memref_slice %arg8[%mul3A_85, %dma_start3A] : memref<40x128xi32, #tpu.memory_space<vmem>> -> memref<1x128xi32, #tpu.memory_space<vmem>>
      %dma_start3A_92 = tpu.memref_squeeze %dma_start3A_91 : memref<1x128xi32, #tpu.memory_space<vmem>> -> memref<128xi32, #tpu.memory_space<vmem>>
      %dma_start3A_93 = arith.constant 0 : i32
      %dma_start3A_94 = arith.constant 0 : i32
      %dma_start3A_95 = tpu.memref_slice %arg11[%dma_start3A_93, %dma_start3A_94] : memref<10016x128xf32, #tpu.memory_space<vmem_shared>> -> memref<10016x128xf32, #tpu.memory_space<vmem_shared>>
      tpu.enqueue_indirect_dma source(%arg9 : memref<128x128xf32, #tpu.memory_space<vmem>>) target(%dma_start3A_95 : memref<10016x128xf32, #tpu.memory_space<vmem_shared>>) offsets(%dma_start3A_92 : memref<128xi32, #tpu.memory_space<vmem>>) semaphore(%arg14 : memref<!tpu.dma_semaphore, #tpu.memory_space<semaphore_mem>>) {add = true}
      %add3A_96 = arith.constant 1 : i32
      %add3A_97 = arith.addi %mul3A_85, %add3A_96 : i32
      %dma_wait3A_98 = arith.constant 0 : i32
      %dma_wait3A_99 = tpu.memref_slice %arg7[%add3A_97, %dma_wait3A_98] : memref<40x128xi32, #tpu.memory_space<vmem>> -> memref<1x128xi32, #tpu.memory_space<vmem>>
      %dma_wait3A_100 = tpu.memref_squeeze %dma_wait3A_99 : memref<1x128xi32, #tpu.memory_space<vmem>> -> memref<128xi32, #tpu.memory_space<vmem>>
      %dma_wait3A_101 = arith.constant 0 : i32
      %dma_wait3A_102 = arith.constant 0 : i32
      %dma_wait3A_103 = tpu.memref_slice %arg2[%dma_wait3A_101, %dma_wait3A_102] : memref<10000x128xf32, #tpu.memory_space<hbm>> -> memref<10000x128xf32, #tpu.memory_space<hbm>>
      tpu.wait_indirect_dma semaphore(%arg13 : memref<!tpu.dma_semaphore, #tpu.memory_space<semaphore_mem>>) src(%dma_wait3A_103 : memref<10000x128xf32, #tpu.memory_space<hbm>>) dst(%arg10 : memref<128x128xf32, #tpu.memory_space<vmem>>)
      %add3A_104 = arith.constant 1 : i32
      %add3A_105 = arith.addi %mul3A_85, %add3A_104 : i32
      %dma_start3A_106 = arith.constant 0 : i32
      %dma_start3A_107 = tpu.memref_slice %arg8[%add3A_105, %dma_start3A_106] : memref<40x128xi32, #tpu.memory_space<vmem>> -> memref<1x128xi32, #tpu.memory_space<vmem>>
      %dma_start3A_108 = tpu.memref_squeeze %dma_start3A_107 : memref<1x128xi32, #tpu.memory_space<vmem>> -> memref<128xi32, #tpu.memory_space<vmem>>
      %dma_start3A_109 = arith.constant 0 : i32
      %dma_start3A_110 = arith.constant 0 : i32
      %dma_start3A_111 = tpu.memref_slice %arg11[%dma_start3A_109, %dma_start3A_110] : memref<10016x128xf32, #tpu.memory_space<vmem_shared>> -> memref<10016x128xf32, #tpu.memory_space<vmem_shared>>
      tpu.enqueue_indirect_dma source(%arg10 : memref<128x128xf32, #tpu.memory_space<vmem>>) target(%dma_start3A_111 : memref<10016x128xf32, #tpu.memory_space<vmem_shared>>) offsets(%dma_start3A_108 : memref<128xi32, #tpu.memory_space<vmem>>) semaphore(%arg15 : memref<!tpu.dma_semaphore, #tpu.memory_space<semaphore_mem>>) {add = true}
      %sub3A = arith.constant 1 : i32
      %sub3A_112 = arith.subi %select_n3A_21, %sub3A : i32
      %lt3A_113 = arith.cmpi slt, %while3A_83, %sub3A_112 : i32
      %convert_element_type3A_114 = arith.extui %lt3A_113 : i1 to i32
      %cond3A_115 = arith.constant 0 : i32
      %cond3A_116 = arith.cmpi ne, %convert_element_type3A_114, %cond3A_115 : i32
      scf.if %cond3A_116 {
        %dma_wait3A_117 = arith.constant 0 : i32
        %dma_wait3A_118 = tpu.memref_slice %arg8[%mul3A_85, %dma_wait3A_117] : memref<40x128xi32, #tpu.memory_space<vmem>> -> memref<1x128xi32, #tpu.memory_space<vmem>>
        %dma_wait3A_119 = tpu.memref_squeeze %dma_wait3A_118 : memref<1x128xi32, #tpu.memory_space<vmem>> -> memref<128xi32, #tpu.memory_space<vmem>>
        %dma_wait3A_120 = arith.constant 0 : i32
        %dma_wait3A_121 = arith.constant 0 : i32
        %dma_wait3A_122 = tpu.memref_slice %arg11[%dma_wait3A_120, %dma_wait3A_121] : memref<10016x128xf32, #tpu.memory_space<vmem_shared>> -> memref<10016x128xf32, #tpu.memory_space<vmem_shared>>
        tpu.wait_indirect_dma semaphore(%arg14 : memref<!tpu.dma_semaphore, #tpu.memory_space<semaphore_mem>>) src(%arg9 : memref<128x128xf32, #tpu.memory_space<vmem>>) dst(%dma_wait3A_122 : memref<10016x128xf32, #tpu.memory_space<vmem_shared>>)
        %add3A_123 = arith.constant 2 : i32
        %add3A_124 = arith.addi %mul3A_85, %add3A_123 : i32
        %dma_start3A_125 = arith.constant 0 : i32
        %dma_start3A_126 = tpu.memref_slice %arg7[%add3A_124, %dma_start3A_125] : memref<40x128xi32, #tpu.memory_space<vmem>> -> memref<1x128xi32, #tpu.memory_space<vmem>>
        %dma_start3A_127 = tpu.memref_squeeze %dma_start3A_126 : memref<1x128xi32, #tpu.memory_space<vmem>> -> memref<128xi32, #tpu.memory_space<vmem>>
        %dma_start3A_128 = arith.constant 0 : i32
        %dma_start3A_129 = arith.constant 0 : i32
        %dma_start3A_130 = tpu.memref_slice %arg2[%dma_start3A_128, %dma_start3A_129] : memref<10000x128xf32, #tpu.memory_space<hbm>> -> memref<10000x128xf32, #tpu.memory_space<hbm>>
        tpu.enqueue_indirect_dma source(%dma_start3A_130 : memref<10000x128xf32, #tpu.memory_space<hbm>>) target(%arg9 : memref<128x128xf32, #tpu.memory_space<vmem>>) offsets(%dma_start3A_127 : memref<128xi32, #tpu.memory_space<vmem>>) semaphore(%arg12 : memref<!tpu.dma_semaphore, #tpu.memory_space<semaphore_mem>>)
        %add3A_131 = arith.constant 1 : i32
        %add3A_132 = arith.addi %mul3A_85, %add3A_131 : i32
        %dma_wait3A_133 = arith.constant 0 : i32
        %dma_wait3A_134 = tpu.memref_slice %arg8[%add3A_132, %dma_wait3A_133] : memref<40x128xi32, #tpu.memory_space<vmem>> -> memref<1x128xi32, #tpu.memory_space<vmem>>
        %dma_wait3A_135 = tpu.memref_squeeze %dma_wait3A_134 : memref<1x128xi32, #tpu.memory_space<vmem>> -> memref<128xi32, #tpu.memory_space<vmem>>
        %dma_wait3A_136 = arith.constant 0 : i32
        %dma_wait3A_137 = arith.constant 0 : i32
        %dma_wait3A_138 = tpu.memref_slice %arg11[%dma_wait3A_136, %dma_wait3A_137] : memref<10016x128xf32, #tpu.memory_space<vmem_shared>> -> memref<10016x128xf32, #tpu.memory_space<vmem_shared>>
        tpu.wait_indirect_dma semaphore(%arg15 : memref<!tpu.dma_semaphore, #tpu.memory_space<semaphore_mem>>) src(%arg10 : memref<128x128xf32, #tpu.memory_space<vmem>>) dst(%dma_wait3A_138 : memref<10016x128xf32, #tpu.memory_space<vmem_shared>>)
        %add3A_139 = arith.constant 3 : i32
        %add3A_140 = arith.addi %mul3A_85, %add3A_139 : i32
        %dma_start3A_141 = arith.constant 0 : i32
        %dma_start3A_142 = tpu.memref_slice %arg7[%add3A_140, %dma_start3A_141] : memref<40x128xi32, #tpu.memory_space<vmem>> -> memref<1x128xi32, #tpu.memory_space<vmem>>
        %dma_start3A_143 = tpu.memref_squeeze %dma_start3A_142 : memref<1x128xi32, #tpu.memory_space<vmem>> -> memref<128xi32, #tpu.memory_space<vmem>>
        %dma_start3A_144 = arith.constant 0 : i32
        %dma_start3A_145 = arith.constant 0 : i32
        %dma_start3A_146 = tpu.memref_slice %arg2[%dma_start3A_144, %dma_start3A_145] : memref<10000x128xf32, #tpu.memory_space<hbm>> -> memref<10000x128xf32, #tpu.memory_space<hbm>>
        tpu.enqueue_indirect_dma source(%dma_start3A_146 : memref<10000x128xf32, #tpu.memory_space<hbm>>) target(%arg10 : memref<128x128xf32, #tpu.memory_space<vmem>>) offsets(%dma_start3A_143 : memref<128xi32, #tpu.memory_space<vmem>>) semaphore(%arg13 : memref<!tpu.dma_semaphore, #tpu.memory_space<semaphore_mem>>)
      } else {
      }
    }
    %while3A_34 = arith.constant 1 : i32
    scf.for %while3A_83 = %while3A_32 to %while3A_28 step %while3A_34  : i32 {
      %mul3A_84 = arith.constant 2 : i32
      %mul3A_85 = arith.muli %mul3A_84, %while3A_83 : i32
      %dma_wait3A = arith.constant 0 : i32
      %dma_wait3A_86 = tpu.memref_slice %arg7[%mul3A_85, %dma_wait3A] : memref<40x128xi32, #tpu.memory_space<vmem>> -> memref<1x128xi32, #tpu.memory_space<vmem>>
      %dma_wait3A_87 = tpu.memref_squeeze %dma_wait3A_86 : memref<1x128xi32, #tpu.memory_space<vmem>> -> memref<128xi32, #tpu.memory_space<vmem>>
      %dma_wait3A_88 = arith.constant 0 : i32
      %dma_wait3A_89 = arith.constant 0 : i32
      %dma_wait3A_90 = tpu.memref_slice %arg2[%dma_wait3A_88, %dma_wait3A_89] : memref<10000x128xf32, #tpu.memory_space<hbm>> -> memref<10000x128xf32, #tpu.memory_space<hbm>>
      tpu.wait_indirect_dma semaphore(%arg12 : memref<!tpu.dma_semaphore, #tpu.memory_space<semaphore_mem>>) src(%dma_wait3A_90 : memref<10000x128xf32, #tpu.memory_space<hbm>>) dst(%arg9 : memref<128x128xf32, #tpu.memory_space<vmem>>)
      %dma_start3A = arith.constant 0 : i32
      %dma_start3A_91 = tpu.memref_slice %arg8[%mul3A_85, %dma_start3A] : memref<40x128xi32, #tpu.memory_space<vmem>> -> memref<1x128xi32, #tpu.memory_space<vmem>>
      %dma_start3A_92 = tpu.memref_squeeze %dma_start3A_91 : memref<1x128xi32, #tpu.memory_space<vmem>> -> memref<128xi32, #tpu.memory_space<vmem>>
      %dma_start3A_93 = arith.constant 0 : i32
      %dma_start3A_94 = arith.constant 0 : i32
      %dma_start3A_95 = tpu.memref_slice %arg11[%dma_start3A_93, %dma_start3A_94] : memref<10016x128xf32, #tpu.memory_space<vmem_shared>> -> memref<10016x128xf32, #tpu.memory_space<vmem_shared>>
      tpu.enqueue_indirect_dma source(%arg9 : memref<128x128xf32, #tpu.memory_space<vmem>>) target(%dma_start3A_95 : memref<10016x128xf32, #tpu.memory_space<vmem_shared>>) offsets(%dma_start3A_92 : memref<128xi32, #tpu.memory_space<vmem>>) semaphore(%arg14 : memref<!tpu.dma_semaphore, #tpu.memory_space<semaphore_mem>>) {add = true}
      %add3A_96 = arith.constant 1 : i32
      %add3A_97 = arith.addi %mul3A_85, %add3A_96 : i32
      %dma_wait3A_98 = arith.constant 0 : i32
      %dma_wait3A_99 = tpu.memref_slice %arg7[%add3A_97, %dma_wait3A_98] : memref<40x128xi32, #tpu.memory_space<vmem>> -> memref<1x128xi32, #tpu.memory_space<vmem>>
      %dma_wait3A_100 = tpu.memref_squeeze %dma_wait3A_99 : memref<1x128xi32, #tpu.memory_space<vmem>> -> memref<128xi32, #tpu.memory_space<vmem>>
      %dma_wait3A_101 = arith.constant 0 : i32
      %dma_wait3A_102 = arith.constant 0 : i32
      %dma_wait3A_103 = tpu.memref_slice %arg2[%dma_wait3A_101, %dma_wait3A_102] : memref<10000x128xf32, #tpu.memory_space<hbm>> -> memref<10000x128xf32, #tpu.memory_space<hbm>>
      tpu.wait_indirect_dma semaphore(%arg13 : memref<!tpu.dma_semaphore, #tpu.memory_space<semaphore_mem>>) src(%dma_wait3A_103 : memref<10000x128xf32, #tpu.memory_space<hbm>>) dst(%arg10 : memref<128x128xf32, #tpu.memory_space<vmem>>)
      %add3A_104 = arith.constant 1 : i32
      %add3A_105 = arith.addi %mul3A_85, %add3A_104 : i32
      %dma_start3A_106 = arith.constant 0 : i32
      %dma_start3A_107 = tpu.memref_slice %arg8[%add3A_105, %dma_start3A_106] : memref<40x128xi32, #tpu.memory_space<vmem>> -> memref<1x128xi32, #tpu.memory_space<vmem>>
      %dma_start3A_108 = tpu.memref_squeeze %dma_start3A_107 : memref<1x128xi32, #tpu.memory_space<vmem>> -> memref<128xi32, #tpu.memory_space<vmem>>
      %dma_start3A_109 = arith.constant 0 : i32
      %dma_start3A_110 = arith.constant 0 : i32
      %dma_start3A_111 = tpu.memref_slice %arg11[%dma_start3A_109, %dma_start3A_110] : memref<10016x128xf32, #tpu.memory_space<vmem_shared>> -> memref<10016x128xf32, #tpu.memory_space<vmem_shared>>
      tpu.enqueue_indirect_dma source(%arg10 : memref<128x128xf32, #tpu.memory_space<vmem>>) target(%dma_start3A_111 : memref<10016x128xf32, #tpu.memory_space<vmem_shared>>) offsets(%dma_start3A_108 : memref<128xi32, #tpu.memory_space<vmem>>) semaphore(%arg15 : memref<!tpu.dma_semaphore, #tpu.memory_space<semaphore_mem>>) {add = true}
      %sub3A = arith.constant 1 : i32
      %sub3A_112 = arith.subi %select_n3A_21, %sub3A : i32
      %lt3A_113 = arith.cmpi slt, %while3A_83, %sub3A_112 : i32
      %convert_element_type3A_114 = arith.extui %lt3A_113 : i1 to i32
      %cond3A_115 = arith.constant 0 : i32
      %cond3A_116 = arith.cmpi ne, %convert_element_type3A_114, %cond3A_115 : i32
      scf.if %cond3A_116 {
        %dma_wait3A_117 = arith.constant 0 : i32
        %dma_wait3A_118 = tpu.memref_slice %arg8[%mul3A_85, %dma_wait3A_117] : memref<40x128xi32, #tpu.memory_space<vmem>> -> memref<1x128xi32, #tpu.memory_space<vmem>>
        %dma_wait3A_119 = tpu.memref_squeeze %dma_wait3A_118 : memref<1x128xi32, #tpu.memory_space<vmem>> -> memref<128xi32, #tpu.memory_space<vmem>>
        %dma_wait3A_120 = arith.constant 0 : i32
        %dma_wait3A_121 = arith.constant 0 : i32
        %dma_wait3A_122 = tpu.memref_slice %arg11[%dma_wait3A_120, %dma_wait3A_121] : memref<10016x128xf32, #tpu.memory_space<vmem_shared>> -> memref<10016x128xf32, #tpu.memory_space<vmem_shared>>
        tpu.wait_indirect_dma semaphore(%arg14 : memref<!tpu.dma_semaphore, #tpu.memory_space<semaphore_mem>>) src(%arg9 : memref<128x128xf32, #tpu.memory_space<vmem>>) dst(%dma_wait3A_122 : memref<10016x128xf32, #tpu.memory_space<vmem_shared>>)
        %add3A_123 = arith.constant 2 : i32
        %add3A_124 = arith.addi %mul3A_85, %add3A_123 : i32
        %dma_start3A_125 = arith.constant 0 : i32
        %dma_start3A_126 = tpu.memref_slice %arg7[%add3A_124, %dma_start3A_125] : memref<40x128xi32, #tpu.memory_space<vmem>> -> memref<1x128xi32, #tpu.memory_space<vmem>>
        %dma_start3A_127 = tpu.memref_squeeze %dma_start3A_126 : memref<1x128xi32, #tpu.memory_space<vmem>> -> memref<128xi32, #tpu.memory_space<vmem>>
        %dma_start3A_128 = arith.constant 0 : i32
        %dma_start3A_129 = arith.constant 0 : i32
        %dma_start3A_130 = tpu.memref_slice %arg2[%dma_start3A_128, %dma_start3A_129] : memref<10000x128xf32, #tpu.memory_space<hbm>> -> memref<10000x128xf32, #tpu.memory_space<hbm>>
        tpu.enqueue_indirect_dma source(%dma_start3A_130 : memref<10000x128xf32, #tpu.memory_space<hbm>>) target(%arg9 : memref<128x128xf32, #tpu.memory_space<vmem>>) offsets(%dma_start3A_127 : memref<128xi32, #tpu.memory_space<vmem>>) semaphore(%arg12 : memref<!tpu.dma_semaphore, #tpu.memory_space<semaphore_mem>>)
        %add3A_131 = arith.constant 1 : i32
        %add3A_132 = arith.addi %mul3A_85, %add3A_131 : i32
        %dma_wait3A_133 = arith.constant 0 : i32
        %dma_wait3A_134 = tpu.memref_slice %arg8[%add3A_132, %dma_wait3A_133] : memref<40x128xi32, #tpu.memory_space<vmem>> -> memref<1x128xi32, #tpu.memory_space<vmem>>
        %dma_wait3A_135 = tpu.memref_squeeze %dma_wait3A_134 : memref<1x128xi32, #tpu.memory_space<vmem>> -> memref<128xi32, #tpu.memory_space<vmem>>
        %dma_wait3A_136 = arith.constant 0 : i32
        %dma_wait3A_137 = arith.constant 0 : i32
        %dma_wait3A_138 = tpu.memref_slice %arg11[%dma_wait3A_136, %dma_wait3A_137] : memref<10016x128xf32, #tpu.memory_space<vmem_shared>> -> memref<10016x128xf32, #tpu.memory_space<vmem_shared>>
        tpu.wait_indirect_dma semaphore(%arg15 : memref<!tpu.dma_semaphore, #tpu.memory_space<semaphore_mem>>) src(%arg10 : memref<128x128xf32, #tpu.memory_space<vmem>>) dst(%dma_wait3A_138 : memref<10016x128xf32, #tpu.memory_space<vmem_shared>>)
        %add3A_139 = arith.constant 3 : i32
        %add3A_140 = arith.addi %mul3A_85, %add3A_139 : i32
        %dma_start3A_141 = arith.constant 0 : i32
        %dma_start3A_142 = tpu.memref_slice %arg7[%add3A_140, %dma_start3A_141] : memref<40x128xi32, #tpu.memory_space<vmem>> -> memref<1x128xi32, #tpu.memory_space<vmem>>
        %dma_start3A_143 = tpu.memref_squeeze %dma_start3A_142 : memref<1x128xi32, #tpu.memory_space<vmem>> -> memref<128xi32, #tpu.memory_space<vmem>>
        %dma_start3A_144 = arith.constant 0 : i32
        %dma_start3A_145 = arith.constant 0 : i32
        %dma_start3A_146 = tpu.memref_slice %arg2[%dma_start3A_144, %dma_start3A_145] : memref<10000x128xf32, #tpu.memory_space<hbm>> -> memref<10000x128xf32, #tpu.memory_space<hbm>>
        tpu.enqueue_indirect_dma source(%dma_start3A_146 : memref<10000x128xf32, #tpu.memory_space<hbm>>) target(%arg10 : memref<128x128xf32, #tpu.memory_space<vmem>>) offsets(%dma_start3A_143 : memref<128xi32, #tpu.memory_space<vmem>>) semaphore(%arg13 : memref<!tpu.dma_semaphore, #tpu.memory_space<semaphore_mem>>)
      } else {
      }
    }
    %gt3A_35 = arith.constant 0 : i32
    %gt3A_36 = arith.cmpi sgt, %select_n3A_21, %gt3A_35 : i32
    %convert_element_type3A_37 = arith.extui %gt3A_36 : i1 to i32
    %cond3A_38 = arith.constant 0 : i32
    %cond3A_39 = arith.cmpi ne, %convert_element_type3A_37, %cond3A_38 : i32
    scf.if %cond3A_39 {
      %sub3A = arith.constant 2 : i32
      %sub3A_83 = arith.subi %select_n3A_16, %sub3A : i32
      %dma_wait3A = arith.constant 0 : i32
      %dma_wait3A_84 = tpu.memref_slice %arg8[%sub3A_83, %dma_wait3A] : memref<40x128xi32, #tpu.memory_space<vmem>> -> memref<1x128xi32, #tpu.memory_space<vmem>>
      %dma_wait3A_85 = tpu.memref_squeeze %dma_wait3A_84 : memref<1x128xi32, #tpu.memory_space<vmem>> -> memref<128xi32, #tpu.memory_space<vmem>>
      %dma_wait3A_86 = arith.constant 0 : i32
      %dma_wait3A_87 = arith.constant 0 : i32
      %dma_wait3A_88 = tpu.memref_slice %arg11[%dma_wait3A_86, %dma_wait3A_87] : memref<10016x128xf32, #tpu.memory_space<vmem_shared>> -> memref<10016x128xf32, #tpu.memory_space<vmem_shared>>
      tpu.wait_indirect_dma semaphore(%arg14 : memref<!tpu.dma_semaphore, #tpu.memory_space<semaphore_mem>>) src(%arg9 : memref<128x128xf32, #tpu.memory_space<vmem>>) dst(%dma_wait3A_88 : memref<10016x128xf32, #tpu.memory_space<vmem_shared>>)
      %sub3A_89 = arith.constant 1 : i32
      %sub3A_90 = arith.subi %select_n3A_16, %sub3A_89 : i32
      %dma_wait3A_91 = arith.constant 0 : i32
      %dma_wait3A_92 = tpu.memref_slice %arg8[%sub3A_90, %dma_wait3A_91] : memref<40x128xi32, #tpu.memory_space<vmem>> -> memref<1x128xi32, #tpu.memory_space<vmem>>
      %dma_wait3A_93 = tpu.memref_squeeze %dma_wait3A_92 : memref<1x128xi32, #tpu.memory_space<vmem>> -> memref<128xi32, #tpu.memory_space<vmem>>
      %dma_wait3A_94 = arith.constant 0 : i32
      %dma_wait3A_95 = arith.constant 0 : i32
      %dma_wait3A_96 = tpu.memref_slice %arg11[%dma_wait3A_94, %dma_wait3A_95] : memref<10016x128xf32, #tpu.memory_space<vmem_shared>> -> memref<10016x128xf32, #tpu.memory_space<vmem_shared>>
      tpu.wait_indirect_dma semaphore(%arg15 : memref<!tpu.dma_semaphore, #tpu.memory_space<semaphore_mem>>) src(%arg10 : memref<128x128xf32, #tpu.memory_space<vmem>>) dst(%dma_wait3A_96 : memref<10016x128xf32, #tpu.memory_space<vmem_shared>>)
    } else {
    }
    %eq3A_40 = arith.constant 0 : i32
    %eq3A_41 = arith.cmpi eq, %arg0, %eq3A_40 : i32
    %jit3A_42 = arith.constant 40 : i32
    %jit3A_43 = arith.constant 40 : i32
    %select_n3A_44 = arith.select %eq3A_41, %jit3A_42, %jit3A_43 : i32
    %add3A_45 = arith.addi %select_n3A, %select_n3A_44 : i32
    %multiple_of3A_46 = tpu.assume_multiple %add3A_45, 8 : i32
    %eq3A_47 = arith.constant 0 : i32
    %eq3A_48 = arith.cmpi eq, %arg0, %eq3A_47 : i32
    %jit3A_49 = arith.constant 40 : i32
    %jit3A_50 = arith.constant 40 : i32
    %select_n3A_51 = arith.select %eq3A_48, %jit3A_49, %jit3A_50 : i32
    %eq3A_52 = arith.constant 0 : i32
    %eq3A_53 = arith.cmpi eq, %arg0, %eq3A_52 : i32
    %jit3A_54 = arith.constant 20 : i32
    %jit3A_55 = arith.constant 20 : i32
    %select_n3A_56 = arith.select %eq3A_53, %jit3A_54, %jit3A_55 : i32
    %gt3A_57 = arith.constant 0 : i32
    %gt3A_58 = arith.cmpi sgt, %select_n3A_56, %gt3A_57 : i32
    %convert_element_type3A_59 = arith.extui %gt3A_58 : i1 to i32
    %cond3A_60 = arith.constant 0 : i32
    %cond3A_61 = arith.cmpi ne, %convert_element_type3A_59, %cond3A_60 : i32
    scf.if %cond3A_61 {
      "tpu.region"() ({
        %run_scoped3A = tpu.sem_alloc : memref<!tpu.dma_semaphore, #tpu.memory_space<semaphore_mem>>
        %dma_start3A_96 = arith.constant 0 : i32
        %dma_start3A_97 = tpu.memref_slice %arg3[%multiple_of3A_46, %dma_start3A_96] : memref<2560x128xi32, #tpu.memory_space<hbm>> -> memref<40x128xi32, #tpu.memory_space<hbm>>
        %dma_start3A_98 = arith.constant 0 : i32
        %dma_start3A_99 = tpu.memref_slice %arg3[%multiple_of3A_46, %dma_start3A_98] : memref<2560x128xi32, #tpu.memory_space<hbm>> -> memref<40x128xi32, #tpu.memory_space<hbm>>
        tpu.enqueue_dma source(%dma_start3A_99 : memref<40x128xi32, #tpu.memory_space<hbm>>) target(%arg7 : memref<40x128xi32, #tpu.memory_space<vmem>>) target_semaphore(%run_scoped3A : memref<!tpu.dma_semaphore, #tpu.memory_space<semaphore_mem>>)
        %dma_wait3A = arith.constant 0 : i32
        %dma_wait3A_100 = tpu.memref_slice %arg3[%multiple_of3A_46, %dma_wait3A] : memref<2560x128xi32, #tpu.memory_space<hbm>> -> memref<40x128xi32, #tpu.memory_space<hbm>>
        %dma_wait3A_101 = arith.constant 0 : i32
        %dma_wait3A_102 = tpu.memref_slice %arg3[%multiple_of3A_46, %dma_wait3A_101] : memref<2560x128xi32, #tpu.memory_space<hbm>> -> memref<40x128xi32, #tpu.memory_space<hbm>>
        tpu.wait_dma2 semaphore(%run_scoped3A : memref<!tpu.dma_semaphore, #tpu.memory_space<semaphore_mem>>) src(%dma_wait3A_102 : memref<40x128xi32, #tpu.memory_space<hbm>>) dst(%arg7 : memref<40x128xi32, #tpu.memory_space<vmem>>)
        tpu.yield
      }) : () -> ()
      "tpu.region"() ({
        %run_scoped3A = tpu.sem_alloc : memref<!tpu.dma_semaphore, #tpu.memory_space<semaphore_mem>>
        %dma_start3A_96 = arith.constant 0 : i32
        %dma_start3A_97 = tpu.memref_slice %arg4[%multiple_of3A_46, %dma_start3A_96] : memref<2560x128xi32, #tpu.memory_space<hbm>> -> memref<40x128xi32, #tpu.memory_space<hbm>>
        %dma_start3A_98 = arith.constant 0 : i32
        %dma_start3A_99 = tpu.memref_slice %arg4[%multiple_of3A_46, %dma_start3A_98] : memref<2560x128xi32, #tpu.memory_space<hbm>> -> memref<40x128xi32, #tpu.memory_space<hbm>>
        tpu.enqueue_dma source(%dma_start3A_99 : memref<40x128xi32, #tpu.memory_space<hbm>>) target(%arg8 : memref<40x128xi32, #tpu.memory_space<vmem>>) target_semaphore(%run_scoped3A : memref<!tpu.dma_semaphore, #tpu.memory_space<semaphore_mem>>)
        %dma_wait3A = arith.constant 0 : i32
        %dma_wait3A_100 = tpu.memref_slice %arg4[%multiple_of3A_46, %dma_wait3A] : memref<2560x128xi32, #tpu.memory_space<hbm>> -> memref<40x128xi32, #tpu.memory_space<hbm>>
        %dma_wait3A_101 = arith.constant 0 : i32
        %dma_wait3A_102 = tpu.memref_slice %arg4[%multiple_of3A_46, %dma_wait3A_101] : memref<2560x128xi32, #tpu.memory_space<hbm>> -> memref<40x128xi32, #tpu.memory_space<hbm>>
        tpu.wait_dma2 semaphore(%run_scoped3A : memref<!tpu.dma_semaphore, #tpu.memory_space<semaphore_mem>>) src(%dma_wait3A_102 : memref<40x128xi32, #tpu.memory_space<hbm>>) dst(%arg8 : memref<40x128xi32, #tpu.memory_space<vmem>>)
        tpu.yield
      }) : () -> ()
      %dma_start3A = arith.constant 0 : i32
      %dma_start3A_83 = arith.constant 0 : i32
      %dma_start3A_84 = tpu.memref_slice %arg7[%dma_start3A, %dma_start3A_83] : memref<40x128xi32, #tpu.memory_space<vmem>> -> memref<1x128xi32, #tpu.memory_space<vmem>>
      %dma_start3A_85 = tpu.memref_squeeze %dma_start3A_84 : memref<1x128xi32, #tpu.memory_space<vmem>> -> memref<128xi32, #tpu.memory_space<vmem>>
      %dma_start3A_86 = arith.constant 0 : i32
      %dma_start3A_87 = arith.constant 0 : i32
      %dma_start3A_88 = tpu.memref_slice %arg2[%dma_start3A_86, %dma_start3A_87] : memref<10000x128xf32, #tpu.memory_space<hbm>> -> memref<10000x128xf32, #tpu.memory_space<hbm>>
      tpu.enqueue_indirect_dma source(%dma_start3A_88 : memref<10000x128xf32, #tpu.memory_space<hbm>>) target(%arg9 : memref<128x128xf32, #tpu.memory_space<vmem>>) offsets(%dma_start3A_85 : memref<128xi32, #tpu.memory_space<vmem>>) semaphore(%arg12 : memref<!tpu.dma_semaphore, #tpu.memory_space<semaphore_mem>>)
      %dma_start3A_89 = arith.constant 1 : i32
      %dma_start3A_90 = arith.constant 0 : i32
      %dma_start3A_91 = tpu.memref_slice %arg7[%dma_start3A_89, %dma_start3A_90] : memref<40x128xi32, #tpu.memory_space<vmem>> -> memref<1x128xi32, #tpu.memory_space<vmem>>
      %dma_start3A_92 = tpu.memref_squeeze %dma_start3A_91 : memref<1x128xi32, #tpu.memory_space<vmem>> -> memref<128xi32, #tpu.memory_space<vmem>>
      %dma_start3A_93 = arith.constant 0 : i32
      %dma_start3A_94 = arith.constant 0 : i32
      %dma_start3A_95 = tpu.memref_slice %arg2[%dma_start3A_93, %dma_start3A_94] : memref<10000x128xf32, #tpu.memory_space<hbm>> -> memref<10000x128xf32, #tpu.memory_space<hbm>>
      tpu.enqueue_indirect_dma source(%dma_start3A_95 : memref<10000x128xf32, #tpu.memory_space<hbm>>) target(%arg10 : memref<128x128xf32, #tpu.memory_space<vmem>>) offsets(%dma_start3A_92 : memref<128xi32, #tpu.memory_space<vmem>>) semaphore(%arg13 : memref<!tpu.dma_semaphore, #tpu.memory_space<semaphore_mem>>)
    } else {
    }
    %while3A_62 = arith.constant 0 : i32
    %while3A_63 = arith.constant 0 : i32
    %while3A_64 = arith.subi %select_n3A_56, %while3A_63 : i32
    %while3A_65 = arith.addi %while3A_63, %while3A_64 : i32
    %while3A_66 = arith.constant 1 : i32
    %while3A_67 = arith.divsi %while3A_64, %while3A_66 : i32
    %while3A_68 = arith.muli %while3A_67, %while3A_66 : i32
    %while3A_69 = arith.addi %while3A_63, %while3A_68 : i32
    %while3A_70 = arith.constant 1 : i32
    scf.for %while3A_83 = %while3A_63 to %while3A_69 step %while3A_70  : i32 {
      %mul3A_84 = arith.constant 2 : i32
      %mul3A_85 = arith.muli %mul3A_84, %while3A_83 : i32
      %dma_wait3A = arith.constant 0 : i32
      %dma_wait3A_86 = tpu.memref_slice %arg7[%mul3A_85, %dma_wait3A] : memref<40x128xi32, #tpu.memory_space<vmem>> -> memref<1x128xi32, #tpu.memory_space<vmem>>
      %dma_wait3A_87 = tpu.memref_squeeze %dma_wait3A_86 : memref<1x128xi32, #tpu.memory_space<vmem>> -> memref<128xi32, #tpu.memory_space<vmem>>
      %dma_wait3A_88 = arith.constant 0 : i32
      %dma_wait3A_89 = arith.constant 0 : i32
      %dma_wait3A_90 = tpu.memref_slice %arg2[%dma_wait3A_88, %dma_wait3A_89] : memref<10000x128xf32, #tpu.memory_space<hbm>> -> memref<10000x128xf32, #tpu.memory_space<hbm>>
      tpu.wait_indirect_dma semaphore(%arg12 : memref<!tpu.dma_semaphore, #tpu.memory_space<semaphore_mem>>) src(%dma_wait3A_90 : memref<10000x128xf32, #tpu.memory_space<hbm>>) dst(%arg9 : memref<128x128xf32, #tpu.memory_space<vmem>>)
      %dma_start3A = arith.constant 0 : i32
      %dma_start3A_91 = tpu.memref_slice %arg8[%mul3A_85, %dma_start3A] : memref<40x128xi32, #tpu.memory_space<vmem>> -> memref<1x128xi32, #tpu.memory_space<vmem>>
      %dma_start3A_92 = tpu.memref_squeeze %dma_start3A_91 : memref<1x128xi32, #tpu.memory_space<vmem>> -> memref<128xi32, #tpu.memory_space<vmem>>
      %dma_start3A_93 = arith.constant 0 : i32
      %dma_start3A_94 = arith.constant 0 : i32
      %dma_start3A_95 = tpu.memref_slice %arg11[%dma_start3A_93, %dma_start3A_94] : memref<10016x128xf32, #tpu.memory_space<vmem_shared>> -> memref<10016x128xf32, #tpu.memory_space<vmem_shared>>
      tpu.enqueue_indirect_dma source(%arg9 : memref<128x128xf32, #tpu.memory_space<vmem>>) target(%dma_start3A_95 : memref<10016x128xf32, #tpu.memory_space<vmem_shared>>) offsets(%dma_start3A_92 : memref<128xi32, #tpu.memory_space<vmem>>) semaphore(%arg14 : memref<!tpu.dma_semaphore, #tpu.memory_space<semaphore_mem>>) {add = true}
      %add3A_96 = arith.constant 1 : i32
      %add3A_97 = arith.addi %mul3A_85, %add3A_96 : i32
      %dma_wait3A_98 = arith.constant 0 : i32
      %dma_wait3A_99 = tpu.memref_slice %arg7[%add3A_97, %dma_wait3A_98] : memref<40x128xi32, #tpu.memory_space<vmem>> -> memref<1x128xi32, #tpu.memory_space<vmem>>
      %dma_wait3A_100 = tpu.memref_squeeze %dma_wait3A_99 : memref<1x128xi32, #tpu.memory_space<vmem>> -> memref<128xi32, #tpu.memory_space<vmem>>
      %dma_wait3A_101 = arith.constant 0 : i32
      %dma_wait3A_102 = arith.constant 0 : i32
      %dma_wait3A_103 = tpu.memref_slice %arg2[%dma_wait3A_101, %dma_wait3A_102] : memref<10000x128xf32, #tpu.memory_space<hbm>> -> memref<10000x128xf32, #tpu.memory_space<hbm>>
      tpu.wait_indirect_dma semaphore(%arg13 : memref<!tpu.dma_semaphore, #tpu.memory_space<semaphore_mem>>) src(%dma_wait3A_103 : memref<10000x128xf32, #tpu.memory_space<hbm>>) dst(%arg10 : memref<128x128xf32, #tpu.memory_space<vmem>>)
      %add3A_104 = arith.constant 1 : i32
      %add3A_105 = arith.addi %mul3A_85, %add3A_104 : i32
      %dma_start3A_106 = arith.constant 0 : i32
      %dma_start3A_107 = tpu.memref_slice %arg8[%add3A_105, %dma_start3A_106] : memref<40x128xi32, #tpu.memory_space<vmem>> -> memref<1x128xi32, #tpu.memory_space<vmem>>
      %dma_start3A_108 = tpu.memref_squeeze %dma_start3A_107 : memref<1x128xi32, #tpu.memory_space<vmem>> -> memref<128xi32, #tpu.memory_space<vmem>>
      %dma_start3A_109 = arith.constant 0 : i32
      %dma_start3A_110 = arith.constant 0 : i32
      %dma_start3A_111 = tpu.memref_slice %arg11[%dma_start3A_109, %dma_start3A_110] : memref<10016x128xf32, #tpu.memory_space<vmem_shared>> -> memref<10016x128xf32, #tpu.memory_space<vmem_shared>>
      tpu.enqueue_indirect_dma source(%arg10 : memref<128x128xf32, #tpu.memory_space<vmem>>) target(%dma_start3A_111 : memref<10016x128xf32, #tpu.memory_space<vmem_shared>>) offsets(%dma_start3A_108 : memref<128xi32, #tpu.memory_space<vmem>>) semaphore(%arg15 : memref<!tpu.dma_semaphore, #tpu.memory_space<semaphore_mem>>) {add = true}
      %sub3A = arith.constant 1 : i32
      %sub3A_112 = arith.subi %select_n3A_56, %sub3A : i32
      %lt3A_113 = arith.cmpi slt, %while3A_83, %sub3A_112 : i32
      %convert_element_type3A_114 = arith.extui %lt3A_113 : i1 to i32
      %cond3A_115 = arith.constant 0 : i32
      %cond3A_116 = arith.cmpi ne, %convert_element_type3A_114, %cond3A_115 : i32
      scf.if %cond3A_116 {
        %dma_wait3A_117 = arith.constant 0 : i32
        %dma_wait3A_118 = tpu.memref_slice %arg8[%mul3A_85, %dma_wait3A_117] : memref<40x128xi32, #tpu.memory_space<vmem>> -> memref<1x128xi32, #tpu.memory_space<vmem>>
        %dma_wait3A_119 = tpu.memref_squeeze %dma_wait3A_118 : memref<1x128xi32, #tpu.memory_space<vmem>> -> memref<128xi32, #tpu.memory_space<vmem>>
        %dma_wait3A_120 = arith.constant 0 : i32
        %dma_wait3A_121 = arith.constant 0 : i32
        %dma_wait3A_122 = tpu.memref_slice %arg11[%dma_wait3A_120, %dma_wait3A_121] : memref<10016x128xf32, #tpu.memory_space<vmem_shared>> -> memref<10016x128xf32, #tpu.memory_space<vmem_shared>>
        tpu.wait_indirect_dma semaphore(%arg14 : memref<!tpu.dma_semaphore, #tpu.memory_space<semaphore_mem>>) src(%arg9 : memref<128x128xf32, #tpu.memory_space<vmem>>) dst(%dma_wait3A_122 : memref<10016x128xf32, #tpu.memory_space<vmem_shared>>)
        %add3A_123 = arith.constant 2 : i32
        %add3A_124 = arith.addi %mul3A_85, %add3A_123 : i32
        %dma_start3A_125 = arith.constant 0 : i32
        %dma_start3A_126 = tpu.memref_slice %arg7[%add3A_124, %dma_start3A_125] : memref<40x128xi32, #tpu.memory_space<vmem>> -> memref<1x128xi32, #tpu.memory_space<vmem>>
        %dma_start3A_127 = tpu.memref_squeeze %dma_start3A_126 : memref<1x128xi32, #tpu.memory_space<vmem>> -> memref<128xi32, #tpu.memory_space<vmem>>
        %dma_start3A_128 = arith.constant 0 : i32
        %dma_start3A_129 = arith.constant 0 : i32
        %dma_start3A_130 = tpu.memref_slice %arg2[%dma_start3A_128, %dma_start3A_129] : memref<10000x128xf32, #tpu.memory_space<hbm>> -> memref<10000x128xf32, #tpu.memory_space<hbm>>
        tpu.enqueue_indirect_dma source(%dma_start3A_130 : memref<10000x128xf32, #tpu.memory_space<hbm>>) target(%arg9 : memref<128x128xf32, #tpu.memory_space<vmem>>) offsets(%dma_start3A_127 : memref<128xi32, #tpu.memory_space<vmem>>) semaphore(%arg12 : memref<!tpu.dma_semaphore, #tpu.memory_space<semaphore_mem>>)
        %add3A_131 = arith.constant 1 : i32
        %add3A_132 = arith.addi %mul3A_85, %add3A_131 : i32
        %dma_wait3A_133 = arith.constant 0 : i32
        %dma_wait3A_134 = tpu.memref_slice %arg8[%add3A_132, %dma_wait3A_133] : memref<40x128xi32, #tpu.memory_space<vmem>> -> memref<1x128xi32, #tpu.memory_space<vmem>>
        %dma_wait3A_135 = tpu.memref_squeeze %dma_wait3A_134 : memref<1x128xi32, #tpu.memory_space<vmem>> -> memref<128xi32, #tpu.memory_space<vmem>>
        %dma_wait3A_136 = arith.constant 0 : i32
        %dma_wait3A_137 = arith.constant 0 : i32
        %dma_wait3A_138 = tpu.memref_slice %arg11[%dma_wait3A_136, %dma_wait3A_137] : memref<10016x128xf32, #tpu.memory_space<vmem_shared>> -> memref<10016x128xf32, #tpu.memory_space<vmem_shared>>
        tpu.wait_indirect_dma semaphore(%arg15 : memref<!tpu.dma_semaphore, #tpu.memory_space<semaphore_mem>>) src(%arg10 : memref<128x128xf32, #tpu.memory_space<vmem>>) dst(%dma_wait3A_138 : memref<10016x128xf32, #tpu.memory_space<vmem_shared>>)
        %add3A_139 = arith.constant 3 : i32
        %add3A_140 = arith.addi %mul3A_85, %add3A_139 : i32
        %dma_start3A_141 = arith.constant 0 : i32
        %dma_start3A_142 = tpu.memref_slice %arg7[%add3A_140, %dma_start3A_141] : memref<40x128xi32, #tpu.memory_space<vmem>> -> memref<1x128xi32, #tpu.memory_space<vmem>>
        %dma_start3A_143 = tpu.memref_squeeze %dma_start3A_142 : memref<1x128xi32, #tpu.memory_space<vmem>> -> memref<128xi32, #tpu.memory_space<vmem>>
        %dma_start3A_144 = arith.constant 0 : i32
        %dma_start3A_145 = arith.constant 0 : i32
        %dma_start3A_146 = tpu.memref_slice %arg2[%dma_start3A_144, %dma_start3A_145] : memref<10000x128xf32, #tpu.memory_space<hbm>> -> memref<10000x128xf32, #tpu.memory_space<hbm>>
        tpu.enqueue_indirect_dma source(%dma_start3A_146 : memref<10000x128xf32, #tpu.memory_space<hbm>>) target(%arg10 : memref<128x128xf32, #tpu.memory_space<vmem>>) offsets(%dma_start3A_143 : memref<128xi32, #tpu.memory_space<vmem>>) semaphore(%arg13 : memref<!tpu.dma_semaphore, #tpu.memory_space<semaphore_mem>>)
      } else {
      }
    }
    %while3A_71 = arith.constant 1 : i32
    scf.for %while3A_83 = %while3A_69 to %while3A_65 step %while3A_71  : i32 {
      %mul3A_84 = arith.constant 2 : i32
      %mul3A_85 = arith.muli %mul3A_84, %while3A_83 : i32
      %dma_wait3A = arith.constant 0 : i32
      %dma_wait3A_86 = tpu.memref_slice %arg7[%mul3A_85, %dma_wait3A] : memref<40x128xi32, #tpu.memory_space<vmem>> -> memref<1x128xi32, #tpu.memory_space<vmem>>
      %dma_wait3A_87 = tpu.memref_squeeze %dma_wait3A_86 : memref<1x128xi32, #tpu.memory_space<vmem>> -> memref<128xi32, #tpu.memory_space<vmem>>
      %dma_wait3A_88 = arith.constant 0 : i32
      %dma_wait3A_89 = arith.constant 0 : i32
      %dma_wait3A_90 = tpu.memref_slice %arg2[%dma_wait3A_88, %dma_wait3A_89] : memref<10000x128xf32, #tpu.memory_space<hbm>> -> memref<10000x128xf32, #tpu.memory_space<hbm>>
      tpu.wait_indirect_dma semaphore(%arg12 : memref<!tpu.dma_semaphore, #tpu.memory_space<semaphore_mem>>) src(%dma_wait3A_90 : memref<10000x128xf32, #tpu.memory_space<hbm>>) dst(%arg9 : memref<128x128xf32, #tpu.memory_space<vmem>>)
      %dma_start3A = arith.constant 0 : i32
      %dma_start3A_91 = tpu.memref_slice %arg8[%mul3A_85, %dma_start3A] : memref<40x128xi32, #tpu.memory_space<vmem>> -> memref<1x128xi32, #tpu.memory_space<vmem>>
      %dma_start3A_92 = tpu.memref_squeeze %dma_start3A_91 : memref<1x128xi32, #tpu.memory_space<vmem>> -> memref<128xi32, #tpu.memory_space<vmem>>
      %dma_start3A_93 = arith.constant 0 : i32
      %dma_start3A_94 = arith.constant 0 : i32
      %dma_start3A_95 = tpu.memref_slice %arg11[%dma_start3A_93, %dma_start3A_94] : memref<10016x128xf32, #tpu.memory_space<vmem_shared>> -> memref<10016x128xf32, #tpu.memory_space<vmem_shared>>
      tpu.enqueue_indirect_dma source(%arg9 : memref<128x128xf32, #tpu.memory_space<vmem>>) target(%dma_start3A_95 : memref<10016x128xf32, #tpu.memory_space<vmem_shared>>) offsets(%dma_start3A_92 : memref<128xi32, #tpu.memory_space<vmem>>) semaphore(%arg14 : memref<!tpu.dma_semaphore, #tpu.memory_space<semaphore_mem>>) {add = true}
      %add3A_96 = arith.constant 1 : i32
      %add3A_97 = arith.addi %mul3A_85, %add3A_96 : i32
      %dma_wait3A_98 = arith.constant 0 : i32
      %dma_wait3A_99 = tpu.memref_slice %arg7[%add3A_97, %dma_wait3A_98] : memref<40x128xi32, #tpu.memory_space<vmem>> -> memref<1x128xi32, #tpu.memory_space<vmem>>
      %dma_wait3A_100 = tpu.memref_squeeze %dma_wait3A_99 : memref<1x128xi32, #tpu.memory_space<vmem>> -> memref<128xi32, #tpu.memory_space<vmem>>
      %dma_wait3A_101 = arith.constant 0 : i32
      %dma_wait3A_102 = arith.constant 0 : i32
      %dma_wait3A_103 = tpu.memref_slice %arg2[%dma_wait3A_101, %dma_wait3A_102] : memref<10000x128xf32, #tpu.memory_space<hbm>> -> memref<10000x128xf32, #tpu.memory_space<hbm>>
      tpu.wait_indirect_dma semaphore(%arg13 : memref<!tpu.dma_semaphore, #tpu.memory_space<semaphore_mem>>) src(%dma_wait3A_103 : memref<10000x128xf32, #tpu.memory_space<hbm>>) dst(%arg10 : memref<128x128xf32, #tpu.memory_space<vmem>>)
      %add3A_104 = arith.constant 1 : i32
      %add3A_105 = arith.addi %mul3A_85, %add3A_104 : i32
      %dma_start3A_106 = arith.constant 0 : i32
      %dma_start3A_107 = tpu.memref_slice %arg8[%add3A_105, %dma_start3A_106] : memref<40x128xi32, #tpu.memory_space<vmem>> -> memref<1x128xi32, #tpu.memory_space<vmem>>
      %dma_start3A_108 = tpu.memref_squeeze %dma_start3A_107 : memref<1x128xi32, #tpu.memory_space<vmem>> -> memref<128xi32, #tpu.memory_space<vmem>>
      %dma_start3A_109 = arith.constant 0 : i32
      %dma_start3A_110 = arith.constant 0 : i32
      %dma_start3A_111 = tpu.memref_slice %arg11[%dma_start3A_109, %dma_start3A_110] : memref<10016x128xf32, #tpu.memory_space<vmem_shared>> -> memref<10016x128xf32, #tpu.memory_space<vmem_shared>>
      tpu.enqueue_indirect_dma source(%arg10 : memref<128x128xf32, #tpu.memory_space<vmem>>) target(%dma_start3A_111 : memref<10016x128xf32, #tpu.memory_space<vmem_shared>>) offsets(%dma_start3A_108 : memref<128xi32, #tpu.memory_space<vmem>>) semaphore(%arg15 : memref<!tpu.dma_semaphore, #tpu.memory_space<semaphore_mem>>) {add = true}
      %sub3A = arith.constant 1 : i32
      %sub3A_112 = arith.subi %select_n3A_56, %sub3A : i32
      %lt3A_113 = arith.cmpi slt, %while3A_83, %sub3A_112 : i32
      %convert_element_type3A_114 = arith.extui %lt3A_113 : i1 to i32
      %cond3A_115 = arith.constant 0 : i32
      %cond3A_116 = arith.cmpi ne, %convert_element_type3A_114, %cond3A_115 : i32
      scf.if %cond3A_116 {
        %dma_wait3A_117 = arith.constant 0 : i32
        %dma_wait3A_118 = tpu.memref_slice %arg8[%mul3A_85, %dma_wait3A_117] : memref<40x128xi32, #tpu.memory_space<vmem>> -> memref<1x128xi32, #tpu.memory_space<vmem>>
        %dma_wait3A_119 = tpu.memref_squeeze %dma_wait3A_118 : memref<1x128xi32, #tpu.memory_space<vmem>> -> memref<128xi32, #tpu.memory_space<vmem>>
        %dma_wait3A_120 = arith.constant 0 : i32
        %dma_wait3A_121 = arith.constant 0 : i32
        %dma_wait3A_122 = tpu.memref_slice %arg11[%dma_wait3A_120, %dma_wait3A_121] : memref<10016x128xf32, #tpu.memory_space<vmem_shared>> -> memref<10016x128xf32, #tpu.memory_space<vmem_shared>>
        tpu.wait_indirect_dma semaphore(%arg14 : memref<!tpu.dma_semaphore, #tpu.memory_space<semaphore_mem>>) src(%arg9 : memref<128x128xf32, #tpu.memory_space<vmem>>) dst(%dma_wait3A_122 : memref<10016x128xf32, #tpu.memory_space<vmem_shared>>)
        %add3A_123 = arith.constant 2 : i32
        %add3A_124 = arith.addi %mul3A_85, %add3A_123 : i32
        %dma_start3A_125 = arith.constant 0 : i32
        %dma_start3A_126 = tpu.memref_slice %arg7[%add3A_124, %dma_start3A_125] : memref<40x128xi32, #tpu.memory_space<vmem>> -> memref<1x128xi32, #tpu.memory_space<vmem>>
        %dma_start3A_127 = tpu.memref_squeeze %dma_start3A_126 : memref<1x128xi32, #tpu.memory_space<vmem>> -> memref<128xi32, #tpu.memory_space<vmem>>
        %dma_start3A_128 = arith.constant 0 : i32
        %dma_start3A_129 = arith.constant 0 : i32
        %dma_start3A_130 = tpu.memref_slice %arg2[%dma_start3A_128, %dma_start3A_129] : memref<10000x128xf32, #tpu.memory_space<hbm>> -> memref<10000x128xf32, #tpu.memory_space<hbm>>
        tpu.enqueue_indirect_dma source(%dma_start3A_130 : memref<10000x128xf32, #tpu.memory_space<hbm>>) target(%arg9 : memref<128x128xf32, #tpu.memory_space<vmem>>) offsets(%dma_start3A_127 : memref<128xi32, #tpu.memory_space<vmem>>) semaphore(%arg12 : memref<!tpu.dma_semaphore, #tpu.memory_space<semaphore_mem>>)
        %add3A_131 = arith.constant 1 : i32
        %add3A_132 = arith.addi %mul3A_85, %add3A_131 : i32
        %dma_wait3A_133 = arith.constant 0 : i32
        %dma_wait3A_134 = tpu.memref_slice %arg8[%add3A_132, %dma_wait3A_133] : memref<40x128xi32, #tpu.memory_space<vmem>> -> memref<1x128xi32, #tpu.memory_space<vmem>>
        %dma_wait3A_135 = tpu.memref_squeeze %dma_wait3A_134 : memref<1x128xi32, #tpu.memory_space<vmem>> -> memref<128xi32, #tpu.memory_space<vmem>>
        %dma_wait3A_136 = arith.constant 0 : i32
        %dma_wait3A_137 = arith.constant 0 : i32
        %dma_wait3A_138 = tpu.memref_slice %arg11[%dma_wait3A_136, %dma_wait3A_137] : memref<10016x128xf32, #tpu.memory_space<vmem_shared>> -> memref<10016x128xf32, #tpu.memory_space<vmem_shared>>
        tpu.wait_indirect_dma semaphore(%arg15 : memref<!tpu.dma_semaphore, #tpu.memory_space<semaphore_mem>>) src(%arg10 : memref<128x128xf32, #tpu.memory_space<vmem>>) dst(%dma_wait3A_138 : memref<10016x128xf32, #tpu.memory_space<vmem_shared>>)
        %add3A_139 = arith.constant 3 : i32
        %add3A_140 = arith.addi %mul3A_85, %add3A_139 : i32
        %dma_start3A_141 = arith.constant 0 : i32
        %dma_start3A_142 = tpu.memref_slice %arg7[%add3A_140, %dma_start3A_141] : memref<40x128xi32, #tpu.memory_space<vmem>> -> memref<1x128xi32, #tpu.memory_space<vmem>>
        %dma_start3A_143 = tpu.memref_squeeze %dma_start3A_142 : memref<1x128xi32, #tpu.memory_space<vmem>> -> memref<128xi32, #tpu.memory_space<vmem>>
        %dma_start3A_144 = arith.constant 0 : i32
        %dma_start3A_145 = arith.constant 0 : i32
        %dma_start3A_146 = tpu.memref_slice %arg2[%dma_start3A_144, %dma_start3A_145] : memref<10000x128xf32, #tpu.memory_space<hbm>> -> memref<10000x128xf32, #tpu.memory_space<hbm>>
        tpu.enqueue_indirect_dma source(%dma_start3A_146 : memref<10000x128xf32, #tpu.memory_space<hbm>>) target(%arg10 : memref<128x128xf32, #tpu.memory_space<vmem>>) offsets(%dma_start3A_143 : memref<128xi32, #tpu.memory_space<vmem>>) semaphore(%arg13 : memref<!tpu.dma_semaphore, #tpu.memory_space<semaphore_mem>>)
      } else {
      }
    }
    %gt3A_72 = arith.constant 0 : i32
    %gt3A_73 = arith.cmpi sgt, %select_n3A_56, %gt3A_72 : i32
    %convert_element_type3A_74 = arith.extui %gt3A_73 : i1 to i32
    %cond3A_75 = arith.constant 0 : i32
    %cond3A_76 = arith.cmpi ne, %convert_element_type3A_74, %cond3A_75 : i32
    scf.if %cond3A_76 {
      %sub3A = arith.constant 2 : i32
      %sub3A_83 = arith.subi %select_n3A_51, %sub3A : i32
      %dma_wait3A = arith.constant 0 : i32
      %dma_wait3A_84 = tpu.memref_slice %arg8[%sub3A_83, %dma_wait3A] : memref<40x128xi32, #tpu.memory_space<vmem>> -> memref<1x128xi32, #tpu.memory_space<vmem>>
      %dma_wait3A_85 = tpu.memref_squeeze %dma_wait3A_84 : memref<1x128xi32, #tpu.memory_space<vmem>> -> memref<128xi32, #tpu.memory_space<vmem>>
      %dma_wait3A_86 = arith.constant 0 : i32
      %dma_wait3A_87 = arith.constant 0 : i32
      %dma_wait3A_88 = tpu.memref_slice %arg11[%dma_wait3A_86, %dma_wait3A_87] : memref<10016x128xf32, #tpu.memory_space<vmem_shared>> -> memref<10016x128xf32, #tpu.memory_space<vmem_shared>>
      tpu.wait_indirect_dma semaphore(%arg14 : memref<!tpu.dma_semaphore, #tpu.memory_space<semaphore_mem>>) src(%arg9 : memref<128x128xf32, #tpu.memory_space<vmem>>) dst(%dma_wait3A_88 : memref<10016x128xf32, #tpu.memory_space<vmem_shared>>)
      %sub3A_89 = arith.constant 1 : i32
      %sub3A_90 = arith.subi %select_n3A_51, %sub3A_89 : i32
      %dma_wait3A_91 = arith.constant 0 : i32
      %dma_wait3A_92 = tpu.memref_slice %arg8[%sub3A_90, %dma_wait3A_91] : memref<40x128xi32, #tpu.memory_space<vmem>> -> memref<1x128xi32, #tpu.memory_space<vmem>>
      %dma_wait3A_93 = tpu.memref_squeeze %dma_wait3A_92 : memref<1x128xi32, #tpu.memory_space<vmem>> -> memref<128xi32, #tpu.memory_space<vmem>>
      %dma_wait3A_94 = arith.constant 0 : i32
      %dma_wait3A_95 = arith.constant 0 : i32
      %dma_wait3A_96 = tpu.memref_slice %arg11[%dma_wait3A_94, %dma_wait3A_95] : memref<10016x128xf32, #tpu.memory_space<vmem_shared>> -> memref<10016x128xf32, #tpu.memory_space<vmem_shared>>
      tpu.wait_indirect_dma semaphore(%arg15 : memref<!tpu.dma_semaphore, #tpu.memory_space<semaphore_mem>>) src(%arg10 : memref<128x128xf32, #tpu.memory_space<vmem>>) dst(%dma_wait3A_96 : memref<10016x128xf32, #tpu.memory_space<vmem_shared>>)
    } else {
    }
    %barrier3A_77 = arith.constant 0 : index
    tpu.barrier barrier_id(%barrier3A_77)
    %lt3A_78 = arith.constant 5 : i32
    %lt3A_79 = arith.cmpi slt, %arg1, %lt3A_78 : i32
    %convert_element_type3A_80 = arith.extui %lt3A_79 : i1 to i32
    %cond3A_81 = arith.constant 0 : i32
    %cond3A_82 = arith.cmpi ne, %convert_element_type3A_80, %cond3A_81 : i32
    scf.if %cond3A_82 {
      %mul3A_83 = arith.constant 2000 : i32
      %mul3A_84 = arith.muli %arg1, %mul3A_83 : i32
      %mul3A_85 = arith.constant 2000 : i32
      %mul3A_86 = arith.muli %arg1, %mul3A_85 : i32
      "tpu.region"() ({
        %run_scoped3A = tpu.sem_alloc : memref<!tpu.dma_semaphore, #tpu.memory_space<semaphore_mem>>
        %dma_start3A = arith.constant 0 : i32
        %dma_start3A_87 = tpu.memref_slice %arg6[%arg0, %mul3A_86, %dma_start3A] : memref<2x10000x128xf32, #tpu.memory_space<hbm>> -> memref<1x2000x128xf32, #tpu.memory_space<hbm>>
        %dma_start3A_88 = tpu.memref_squeeze %dma_start3A_87 : memref<1x2000x128xf32, #tpu.memory_space<hbm>> -> memref<2000x128xf32, #tpu.memory_space<hbm>>
        %dma_start3A_89 = arith.constant 0 : i32
        %dma_start3A_90 = tpu.memref_slice %arg11[%mul3A_84, %dma_start3A_89] : memref<10016x128xf32, #tpu.memory_space<vmem_shared>> -> memref<2000x128xf32, #tpu.memory_space<vmem_shared>>
        tpu.enqueue_dma source(%dma_start3A_90 : memref<2000x128xf32, #tpu.memory_space<vmem_shared>>) target(%dma_start3A_88 : memref<2000x128xf32, #tpu.memory_space<hbm>>) target_semaphore(%run_scoped3A : memref<!tpu.dma_semaphore, #tpu.memory_space<semaphore_mem>>)
        %dma_wait3A = arith.constant 0 : i32
        %dma_wait3A_91 = tpu.memref_slice %arg6[%arg0, %mul3A_86, %dma_wait3A] : memref<2x10000x128xf32, #tpu.memory_space<hbm>> -> memref<1x2000x128xf32, #tpu.memory_space<hbm>>
        %dma_wait3A_92 = tpu.memref_squeeze %dma_wait3A_91 : memref<1x2000x128xf32, #tpu.memory_space<hbm>> -> memref<2000x128xf32, #tpu.memory_space<hbm>>
        %dma_wait3A_93 = arith.constant 0 : i32
        %dma_wait3A_94 = tpu.memref_slice %arg11[%mul3A_84, %dma_wait3A_93] : memref<10016x128xf32, #tpu.memory_space<vmem_shared>> -> memref<2000x128xf32, #tpu.memory_space<vmem_shared>>
        tpu.wait_dma2 semaphore(%run_scoped3A : memref<!tpu.dma_semaphore, #tpu.memory_space<semaphore_mem>>) src(%dma_wait3A_94 : memref<2000x128xf32, #tpu.memory_space<vmem_shared>>) dst(%dma_wait3A_92 : memref<2000x128xf32, #tpu.memory_space<hbm>>)
        tpu.yield
      }) : () -> ()
    } else {
    }
    return
  }
}

#map = affine_map<(d0, d1) -> (0, 0, 0)>
#map1 = affine_map<(d0, d1) -> (0, 0)>
module attributes {stable_mosaic.version = 14 : i64} {
  func.func @_sc_degree(%arg0: i32, %arg1: i32, %arg2: memref<32x80x128xi32, #tpu.memory_space<hbm>>, %arg3: memref<128x128xf32, #tpu.memory_space<hbm>>, %arg4: memref<1000x128xf32, #tpu.memory_space<hbm>>, %arg5: memref<2x10000x128xf32, #tpu.memory_space<hbm>>, %arg6: memref<80x128xi32, #tpu.memory_space<vmem>>, %arg7: memref<128x128xf32, #tpu.memory_space<vmem>>, %arg8: memref<10016x128xf32, #tpu.memory_space<vmem_shared>>) attributes {dimension_semantics = [#tpu.dimension_semantics<core_parallel>, #tpu.dimension_semantics<subcore_parallel>], iteration_bounds = array<i64: 2, 16>, scalar_prefetch = 0 : i64, scratch_operands = 3 : i64, tpu.core_type = #tpu.core_type<sc_vector_subcore>, window_params = [{transform_indices = #map}, {transform_indices = #map1}, {transform_indices = #map1}, {transform_indices = #map}]} {
    %mul3A = arith.constant 2 : i32
    %mul3A_0 = arith.muli %arg1, %mul3A : i32
    %add3A = arith.addi %mul3A_0, %arg0 : i32
    "tpu.region"() ({
      %run_scoped3A = tpu.sem_alloc : memref<!tpu.dma_semaphore, #tpu.memory_space<semaphore_mem>>
      %dma_start3A = arith.constant 0 : i32
      %dma_start3A_14 = arith.constant 0 : i32
      %dma_start3A_15 = tpu.memref_slice %arg2[%add3A, %dma_start3A, %dma_start3A_14] : memref<32x80x128xi32, #tpu.memory_space<hbm>> -> memref<1x80x128xi32, #tpu.memory_space<hbm>>
      %dma_start3A_16 = tpu.memref_squeeze %dma_start3A_15 : memref<1x80x128xi32, #tpu.memory_space<hbm>> -> memref<80x128xi32, #tpu.memory_space<hbm>>
      %dma_start3A_17 = arith.constant 0 : i32
      %dma_start3A_18 = arith.constant 0 : i32
      %dma_start3A_19 = tpu.memref_slice %arg2[%add3A, %dma_start3A_17, %dma_start3A_18] : memref<32x80x128xi32, #tpu.memory_space<hbm>> -> memref<1x80x128xi32, #tpu.memory_space<hbm>>
      %dma_start3A_20 = tpu.memref_squeeze %dma_start3A_19 : memref<1x80x128xi32, #tpu.memory_space<hbm>> -> memref<80x128xi32, #tpu.memory_space<hbm>>
      tpu.enqueue_dma source(%dma_start3A_20 : memref<80x128xi32, #tpu.memory_space<hbm>>) target(%arg6 : memref<80x128xi32, #tpu.memory_space<vmem>>) target_semaphore(%run_scoped3A : memref<!tpu.dma_semaphore, #tpu.memory_space<semaphore_mem>>)
      %dma_wait3A = arith.constant 0 : i32
      %dma_wait3A_21 = arith.constant 0 : i32
      %dma_wait3A_22 = tpu.memref_slice %arg2[%add3A, %dma_wait3A, %dma_wait3A_21] : memref<32x80x128xi32, #tpu.memory_space<hbm>> -> memref<1x80x128xi32, #tpu.memory_space<hbm>>
      %dma_wait3A_23 = tpu.memref_squeeze %dma_wait3A_22 : memref<1x80x128xi32, #tpu.memory_space<hbm>> -> memref<80x128xi32, #tpu.memory_space<hbm>>
      %dma_wait3A_24 = arith.constant 0 : i32
      %dma_wait3A_25 = arith.constant 0 : i32
      %dma_wait3A_26 = tpu.memref_slice %arg2[%add3A, %dma_wait3A_24, %dma_wait3A_25] : memref<32x80x128xi32, #tpu.memory_space<hbm>> -> memref<1x80x128xi32, #tpu.memory_space<hbm>>
      %dma_wait3A_27 = tpu.memref_squeeze %dma_wait3A_26 : memref<1x80x128xi32, #tpu.memory_space<hbm>> -> memref<80x128xi32, #tpu.memory_space<hbm>>
      tpu.wait_dma2 semaphore(%run_scoped3A : memref<!tpu.dma_semaphore, #tpu.memory_space<semaphore_mem>>) src(%dma_wait3A_27 : memref<80x128xi32, #tpu.memory_space<hbm>>) dst(%arg6 : memref<80x128xi32, #tpu.memory_space<vmem>>)
      tpu.yield
    }) : () -> ()
    "tpu.region"() ({
      %run_scoped3A = tpu.sem_alloc : memref<!tpu.dma_semaphore, #tpu.memory_space<semaphore_mem>>
      tpu.enqueue_dma source(%arg3 : memref<128x128xf32, #tpu.memory_space<hbm>>) target(%arg7 : memref<128x128xf32, #tpu.memory_space<vmem>>) target_semaphore(%run_scoped3A : memref<!tpu.dma_semaphore, #tpu.memory_space<semaphore_mem>>)
      tpu.wait_dma2 semaphore(%run_scoped3A : memref<!tpu.dma_semaphore, #tpu.memory_space<semaphore_mem>>) src(%arg3 : memref<128x128xf32, #tpu.memory_space<hbm>>) dst(%arg7 : memref<128x128xf32, #tpu.memory_space<vmem>>)
      tpu.yield
    }) : () -> ()
    %lt3A = arith.constant 10 : i32
    %lt3A_1 = arith.cmpi slt, %arg1, %lt3A : i32
    %convert_element_type3A = arith.extui %lt3A_1 : i1 to i32
    %cond3A = arith.constant 0 : i32
    %cond3A_2 = arith.cmpi ne, %convert_element_type3A, %cond3A : i32
    scf.if %cond3A_2 {
      %mul3A_14 = arith.constant 1000 : i32
      %mul3A_15 = arith.muli %arg1, %mul3A_14 : i32
      "tpu.region"() ({
        %run_scoped3A = tpu.sem_alloc : memref<!tpu.dma_semaphore, #tpu.memory_space<semaphore_mem>>
        %dma_start3A = arith.constant 0 : i32
        %dma_start3A_16 = tpu.memref_slice %arg8[%mul3A_15, %dma_start3A] : memref<10016x128xf32, #tpu.memory_space<vmem_shared>> -> memref<1000x128xf32, #tpu.memory_space<vmem_shared>>
        tpu.enqueue_dma source(%arg4 : memref<1000x128xf32, #tpu.memory_space<hbm>>) target(%dma_start3A_16 : memref<1000x128xf32, #tpu.memory_space<vmem_shared>>) target_semaphore(%run_scoped3A : memref<!tpu.dma_semaphore, #tpu.memory_space<semaphore_mem>>)
        %dma_wait3A = arith.constant 0 : i32
        %dma_wait3A_17 = tpu.memref_slice %arg8[%mul3A_15, %dma_wait3A] : memref<10016x128xf32, #tpu.memory_space<vmem_shared>> -> memref<1000x128xf32, #tpu.memory_space<vmem_shared>>
        tpu.wait_dma2 semaphore(%run_scoped3A : memref<!tpu.dma_semaphore, #tpu.memory_space<semaphore_mem>>) src(%arg4 : memref<1000x128xf32, #tpu.memory_space<hbm>>) dst(%dma_wait3A_17 : memref<1000x128xf32, #tpu.memory_space<vmem_shared>>)
        tpu.yield
      }) : () -> ()
    } else {
    }
    %barrier3A = arith.constant 0 : index
    tpu.barrier barrier_id(%barrier3A)
    %scan3A = arith.constant 0 : i32
    %scan3A_3 = arith.constant 0 : i32
    %scan3A_4 = arith.constant 80 : i32
    %scan3A_5 = arith.addi %scan3A_3, %scan3A_4 : i32
    %scan3A_6 = arith.constant 1 : i32
    scf.for %scan3A_14 = %scan3A_3 to %scan3A_5 step %scan3A_6  : i32 {
      "tpu.region"() ({
        %run_scoped3A = tpu.sem_alloc : memref<!tpu.dma_semaphore, #tpu.memory_space<semaphore_mem>>
        %dma_start3A = arith.constant 0 : i32
        %dma_start3A_15 = tpu.memref_slice %arg6[%scan3A_14, %dma_start3A] : memref<80x128xi32, #tpu.memory_space<vmem>> -> memref<1x128xi32, #tpu.memory_space<vmem>>
        %dma_start3A_16 = tpu.memref_squeeze %dma_start3A_15 : memref<1x128xi32, #tpu.memory_space<vmem>> -> memref<128xi32, #tpu.memory_space<vmem>>
        %dma_start3A_17 = arith.constant 0 : i32
        %dma_start3A_18 = arith.constant 0 : i32
        %dma_start3A_19 = tpu.memref_slice %arg8[%dma_start3A_17, %dma_start3A_18] : memref<10016x128xf32, #tpu.memory_space<vmem_shared>> -> memref<10016x128xf32, #tpu.memory_space<vmem_shared>>
        tpu.enqueue_indirect_dma source(%arg7 : memref<128x128xf32, #tpu.memory_space<vmem>>) target(%dma_start3A_19 : memref<10016x128xf32, #tpu.memory_space<vmem_shared>>) offsets(%dma_start3A_16 : memref<128xi32, #tpu.memory_space<vmem>>) semaphore(%run_scoped3A : memref<!tpu.dma_semaphore, #tpu.memory_space<semaphore_mem>>) {add = true}
        %dma_wait3A = arith.constant 0 : i32
        %dma_wait3A_20 = tpu.memref_slice %arg6[%scan3A_14, %dma_wait3A] : memref<80x128xi32, #tpu.memory_space<vmem>> -> memref<1x128xi32, #tpu.memory_space<vmem>>
        %dma_wait3A_21 = tpu.memref_squeeze %dma_wait3A_20 : memref<1x128xi32, #tpu.memory_space<vmem>> -> memref<128xi32, #tpu.memory_space<vmem>>
        %dma_wait3A_22 = arith.constant 0 : i32
        %dma_wait3A_23 = arith.constant 0 : i32
        %dma_wait3A_24 = tpu.memref_slice %arg8[%dma_wait3A_22, %dma_wait3A_23] : memref<10016x128xf32, #tpu.memory_space<vmem_shared>> -> memref<10016x128xf32, #tpu.memory_space<vmem_shared>>
        tpu.wait_indirect_dma semaphore(%run_scoped3A : memref<!tpu.dma_semaphore, #tpu.memory_space<semaphore_mem>>) src(%arg7 : memref<128x128xf32, #tpu.memory_space<vmem>>) dst(%dma_wait3A_24 : memref<10016x128xf32, #tpu.memory_space<vmem_shared>>)
        tpu.yield
      }) : () -> ()
    }
    %scan3A_7 = arith.constant 80 : i32
    %barrier3A_8 = arith.constant 0 : index
    tpu.barrier barrier_id(%barrier3A_8)
    %lt3A_9 = arith.constant 5 : i32
    %lt3A_10 = arith.cmpi slt, %arg1, %lt3A_9 : i32
    %convert_element_type3A_11 = arith.extui %lt3A_10 : i1 to i32
    %cond3A_12 = arith.constant 0 : i32
    %cond3A_13 = arith.cmpi ne, %convert_element_type3A_11, %cond3A_12 : i32
    scf.if %cond3A_13 {
      %mul3A_14 = arith.constant 2000 : i32
      %mul3A_15 = arith.muli %arg1, %mul3A_14 : i32
      %mul3A_16 = arith.constant 2000 : i32
      %mul3A_17 = arith.muli %arg1, %mul3A_16 : i32
      "tpu.region"() ({
        %run_scoped3A = tpu.sem_alloc : memref<!tpu.dma_semaphore, #tpu.memory_space<semaphore_mem>>
        %dma_start3A = arith.constant 0 : i32
        %dma_start3A_18 = tpu.memref_slice %arg5[%arg0, %mul3A_17, %dma_start3A] : memref<2x10000x128xf32, #tpu.memory_space<hbm>> -> memref<1x2000x128xf32, #tpu.memory_space<hbm>>
        %dma_start3A_19 = tpu.memref_squeeze %dma_start3A_18 : memref<1x2000x128xf32, #tpu.memory_space<hbm>> -> memref<2000x128xf32, #tpu.memory_space<hbm>>
        %dma_start3A_20 = arith.constant 0 : i32
        %dma_start3A_21 = tpu.memref_slice %arg8[%mul3A_15, %dma_start3A_20] : memref<10016x128xf32, #tpu.memory_space<vmem_shared>> -> memref<2000x128xf32, #tpu.memory_space<vmem_shared>>
        tpu.enqueue_dma source(%dma_start3A_21 : memref<2000x128xf32, #tpu.memory_space<vmem_shared>>) target(%dma_start3A_19 : memref<2000x128xf32, #tpu.memory_space<hbm>>) target_semaphore(%run_scoped3A : memref<!tpu.dma_semaphore, #tpu.memory_space<semaphore_mem>>)
        %dma_wait3A = arith.constant 0 : i32
        %dma_wait3A_22 = tpu.memref_slice %arg5[%arg0, %mul3A_17, %dma_wait3A] : memref<2x10000x128xf32, #tpu.memory_space<hbm>> -> memref<1x2000x128xf32, #tpu.memory_space<hbm>>
        %dma_wait3A_23 = tpu.memref_squeeze %dma_wait3A_22 : memref<1x2000x128xf32, #tpu.memory_space<hbm>> -> memref<2000x128xf32, #tpu.memory_space<hbm>>
        %dma_wait3A_24 = arith.constant 0 : i32
        %dma_wait3A_25 = tpu.memref_slice %arg8[%mul3A_15, %dma_wait3A_24] : memref<10016x128xf32, #tpu.memory_space<vmem_shared>> -> memref<2000x128xf32, #tpu.memory_space<vmem_shared>>
        tpu.wait_dma2 semaphore(%run_scoped3A : memref<!tpu.dma_semaphore, #tpu.memory_space<semaphore_mem>>) src(%dma_wait3A_25 : memref<2000x128xf32, #tpu.memory_space<vmem_shared>>) dst(%dma_wait3A_23 : memref<2000x128xf32, #tpu.memory_space<hbm>>)
        tpu.yield
      }) : () -> ()
    } else {
    }
    return
  }
}

#map = affine_map<(d0, d1) -> (0, 0)>
#map1 = affine_map<(d0, d1) -> (0, 0, 0)>
module attributes {stable_mosaic.version = 14 : i64} {
  func.func @_sc_agg(%arg0: i32, %arg1: i32, %arg2: memref<10000x128xf32, #tpu.memory_space<hbm>>, %arg3: memref<2560x128xi32, #tpu.memory_space<hbm>>, %arg4: memref<2560x128xi32, #tpu.memory_space<hbm>>, %arg5: memref<1000x128xf32, #tpu.memory_space<hbm>>, %arg6: memref<2x10000x128xf32, #tpu.memory_space<hbm>>, %arg7: memref<40x128xi32, #tpu.memory_space<vmem>>, %arg8: memref<40x128xi32, #tpu.memory_space<vmem>>, %arg9: memref<128x128xf32, #tpu.memory_space<vmem>>, %arg10: memref<128x128xf32, #tpu.memory_space<vmem>>, %arg11: memref<10016x128xf32, #tpu.memory_space<vmem_shared>>, %arg12: memref<!tpu.dma_semaphore, #tpu.memory_space<semaphore_mem>>, %arg13: memref<!tpu.dma_semaphore, #tpu.memory_space<semaphore_mem>>, %arg14: memref<!tpu.dma_semaphore, #tpu.memory_space<semaphore_mem>>, %arg15: memref<!tpu.dma_semaphore, #tpu.memory_space<semaphore_mem>>) attributes {dimension_semantics = [#tpu.dimension_semantics<core_parallel>, #tpu.dimension_semantics<subcore_parallel>], iteration_bounds = array<i64: 2, 16>, scalar_prefetch = 0 : i64, scratch_operands = 9 : i64, tpu.core_type = #tpu.core_type<sc_vector_subcore>, window_params = [{transform_indices = #map}, {transform_indices = #map}, {transform_indices = #map}, {transform_indices = #map}, {transform_indices = #map1}]} {
    %eq3A = arith.constant 0 : i32
    %eq3A_0 = arith.cmpi eq, %arg0, %eq3A : i32
    %mul3A = arith.constant 80 : i32
    %mul3A_1 = arith.muli %arg1, %mul3A : i32
    %mul3A_2 = arith.constant 80 : i32
    %mul3A_3 = arith.muli %arg1, %mul3A_2 : i32
    %add3A = arith.constant 1280 : i32
    %add3A_4 = arith.addi %add3A, %mul3A_3 : i32
    %select_n3A = arith.select %eq3A_0, %mul3A_1, %add3A_4 : i32
    %lt3A = arith.constant 10 : i32
    %lt3A_5 = arith.cmpi slt, %arg1, %lt3A : i32
    %convert_element_type3A = arith.extui %lt3A_5 : i1 to i32
    %cond3A = arith.constant 0 : i32
    %cond3A_6 = arith.cmpi ne, %convert_element_type3A, %cond3A : i32
    scf.if %cond3A_6 {
      %mul3A_83 = arith.constant 1000 : i32
      %mul3A_84 = arith.muli %arg1, %mul3A_83 : i32
      "tpu.region"() ({
        %run_scoped3A = tpu.sem_alloc : memref<!tpu.dma_semaphore, #tpu.memory_space<semaphore_mem>>
        %dma_start3A = arith.constant 0 : i32
        %dma_start3A_85 = tpu.memref_slice %arg11[%mul3A_84, %dma_start3A] : memref<10016x128xf32, #tpu.memory_space<vmem_shared>> -> memref<1000x128xf32, #tpu.memory_space<vmem_shared>>
        tpu.enqueue_dma source(%arg5 : memref<1000x128xf32, #tpu.memory_space<hbm>>) target(%dma_start3A_85 : memref<1000x128xf32, #tpu.memory_space<vmem_shared>>) target_semaphore(%run_scoped3A : memref<!tpu.dma_semaphore, #tpu.memory_space<semaphore_mem>>)
        %dma_wait3A = arith.constant 0 : i32
        %dma_wait3A_86 = tpu.memref_slice %arg11[%mul3A_84, %dma_wait3A] : memref<10016x128xf32, #tpu.memory_space<vmem_shared>> -> memref<1000x128xf32, #tpu.memory_space<vmem_shared>>
        tpu.wait_dma2 semaphore(%run_scoped3A : memref<!tpu.dma_semaphore, #tpu.memory_space<semaphore_mem>>) src(%arg5 : memref<1000x128xf32, #tpu.memory_space<hbm>>) dst(%dma_wait3A_86 : memref<1000x128xf32, #tpu.memory_space<vmem_shared>>)
        tpu.yield
      }) : () -> ()
    } else {
    }
    %barrier3A = arith.constant 0 : index
    tpu.barrier barrier_id(%barrier3A)
    %eq3A_7 = arith.constant 0 : i32
    %eq3A_8 = arith.cmpi eq, %arg0, %eq3A_7 : i32
    %jit3A = arith.constant 0 : i32
    %jit3A_9 = arith.constant 0 : i32
    %select_n3A_10 = arith.select %eq3A_8, %jit3A, %jit3A_9 : i32
    %add3A_11 = arith.addi %select_n3A, %select_n3A_10 : i32
    %multiple_of3A = tpu.assume_multiple %add3A_11, 8 : i32
    %eq3A_12 = arith.constant 0 : i32
    %eq3A_13 = arith.cmpi eq, %arg0, %eq3A_12 : i32
    %jit3A_14 = arith.constant 40 : i32
    %jit3A_15 = arith.constant 40 : i32
    %select_n3A_16 = arith.select %eq3A_13, %jit3A_14, %jit3A_15 : i32
    %eq3A_17 = arith.constant 0 : i32
    %eq3A_18 = arith.cmpi eq, %arg0, %eq3A_17 : i32
    %jit3A_19 = arith.constant 20 : i32
    %jit3A_20 = arith.constant 20 : i32
    %select_n3A_21 = arith.select %eq3A_18, %jit3A_19, %jit3A_20 : i32
    %gt3A = arith.constant 0 : i32
    %gt3A_22 = arith.cmpi sgt, %select_n3A_21, %gt3A : i32
    %convert_element_type3A_23 = arith.extui %gt3A_22 : i1 to i32
    %cond3A_24 = arith.constant 0 : i32
    %cond3A_25 = arith.cmpi ne, %convert_element_type3A_23, %cond3A_24 : i32
    scf.if %cond3A_25 {
      "tpu.region"() ({
        %run_scoped3A = tpu.sem_alloc : memref<!tpu.dma_semaphore, #tpu.memory_space<semaphore_mem>>
        %dma_start3A_96 = arith.constant 0 : i32
        %dma_start3A_97 = tpu.memref_slice %arg3[%multiple_of3A, %dma_start3A_96] : memref<2560x128xi32, #tpu.memory_space<hbm>> -> memref<40x128xi32, #tpu.memory_space<hbm>>
        %dma_start3A_98 = arith.constant 0 : i32
        %dma_start3A_99 = tpu.memref_slice %arg3[%multiple_of3A, %dma_start3A_98] : memref<2560x128xi32, #tpu.memory_space<hbm>> -> memref<40x128xi32, #tpu.memory_space<hbm>>
        tpu.enqueue_dma source(%dma_start3A_99 : memref<40x128xi32, #tpu.memory_space<hbm>>) target(%arg7 : memref<40x128xi32, #tpu.memory_space<vmem>>) target_semaphore(%run_scoped3A : memref<!tpu.dma_semaphore, #tpu.memory_space<semaphore_mem>>)
        %dma_wait3A = arith.constant 0 : i32
        %dma_wait3A_100 = tpu.memref_slice %arg3[%multiple_of3A, %dma_wait3A] : memref<2560x128xi32, #tpu.memory_space<hbm>> -> memref<40x128xi32, #tpu.memory_space<hbm>>
        %dma_wait3A_101 = arith.constant 0 : i32
        %dma_wait3A_102 = tpu.memref_slice %arg3[%multiple_of3A, %dma_wait3A_101] : memref<2560x128xi32, #tpu.memory_space<hbm>> -> memref<40x128xi32, #tpu.memory_space<hbm>>
        tpu.wait_dma2 semaphore(%run_scoped3A : memref<!tpu.dma_semaphore, #tpu.memory_space<semaphore_mem>>) src(%dma_wait3A_102 : memref<40x128xi32, #tpu.memory_space<hbm>>) dst(%arg7 : memref<40x128xi32, #tpu.memory_space<vmem>>)
        tpu.yield
      }) : () -> ()
      "tpu.region"() ({
        %run_scoped3A = tpu.sem_alloc : memref<!tpu.dma_semaphore, #tpu.memory_space<semaphore_mem>>
        %dma_start3A_96 = arith.constant 0 : i32
        %dma_start3A_97 = tpu.memref_slice %arg4[%multiple_of3A, %dma_start3A_96] : memref<2560x128xi32, #tpu.memory_space<hbm>> -> memref<40x128xi32, #tpu.memory_space<hbm>>
        %dma_start3A_98 = arith.constant 0 : i32
        %dma_start3A_99 = tpu.memref_slice %arg4[%multiple_of3A, %dma_start3A_98] : memref<2560x128xi32, #tpu.memory_space<hbm>> -> memref<40x128xi32, #tpu.memory_space<hbm>>
        tpu.enqueue_dma source(%dma_start3A_99 : memref<40x128xi32, #tpu.memory_space<hbm>>) target(%arg8 : memref<40x128xi32, #tpu.memory_space<vmem>>) target_semaphore(%run_scoped3A : memref<!tpu.dma_semaphore, #tpu.memory_space<semaphore_mem>>)
        %dma_wait3A = arith.constant 0 : i32
        %dma_wait3A_100 = tpu.memref_slice %arg4[%multiple_of3A, %dma_wait3A] : memref<2560x128xi32, #tpu.memory_space<hbm>> -> memref<40x128xi32, #tpu.memory_space<hbm>>
        %dma_wait3A_101 = arith.constant 0 : i32
        %dma_wait3A_102 = tpu.memref_slice %arg4[%multiple_of3A, %dma_wait3A_101] : memref<2560x128xi32, #tpu.memory_space<hbm>> -> memref<40x128xi32, #tpu.memory_space<hbm>>
        tpu.wait_dma2 semaphore(%run_scoped3A : memref<!tpu.dma_semaphore, #tpu.memory_space<semaphore_mem>>) src(%dma_wait3A_102 : memref<40x128xi32, #tpu.memory_space<hbm>>) dst(%arg8 : memref<40x128xi32, #tpu.memory_space<vmem>>)
        tpu.yield
      }) : () -> ()
      %dma_start3A = arith.constant 0 : i32
      %dma_start3A_83 = arith.constant 0 : i32
      %dma_start3A_84 = tpu.memref_slice %arg7[%dma_start3A, %dma_start3A_83] : memref<40x128xi32, #tpu.memory_space<vmem>> -> memref<1x128xi32, #tpu.memory_space<vmem>>
      %dma_start3A_85 = tpu.memref_squeeze %dma_start3A_84 : memref<1x128xi32, #tpu.memory_space<vmem>> -> memref<128xi32, #tpu.memory_space<vmem>>
      %dma_start3A_86 = arith.constant 0 : i32
      %dma_start3A_87 = arith.constant 0 : i32
      %dma_start3A_88 = tpu.memref_slice %arg2[%dma_start3A_86, %dma_start3A_87] : memref<10000x128xf32, #tpu.memory_space<hbm>> -> memref<10000x128xf32, #tpu.memory_space<hbm>>
      tpu.enqueue_indirect_dma source(%dma_start3A_88 : memref<10000x128xf32, #tpu.memory_space<hbm>>) target(%arg9 : memref<128x128xf32, #tpu.memory_space<vmem>>) offsets(%dma_start3A_85 : memref<128xi32, #tpu.memory_space<vmem>>) semaphore(%arg12 : memref<!tpu.dma_semaphore, #tpu.memory_space<semaphore_mem>>)
      %dma_start3A_89 = arith.constant 1 : i32
      %dma_start3A_90 = arith.constant 0 : i32
      %dma_start3A_91 = tpu.memref_slice %arg7[%dma_start3A_89, %dma_start3A_90] : memref<40x128xi32, #tpu.memory_space<vmem>> -> memref<1x128xi32, #tpu.memory_space<vmem>>
      %dma_start3A_92 = tpu.memref_squeeze %dma_start3A_91 : memref<1x128xi32, #tpu.memory_space<vmem>> -> memref<128xi32, #tpu.memory_space<vmem>>
      %dma_start3A_93 = arith.constant 0 : i32
      %dma_start3A_94 = arith.constant 0 : i32
      %dma_start3A_95 = tpu.memref_slice %arg2[%dma_start3A_93, %dma_start3A_94] : memref<10000x128xf32, #tpu.memory_space<hbm>> -> memref<10000x128xf32, #tpu.memory_space<hbm>>
      tpu.enqueue_indirect_dma source(%dma_start3A_95 : memref<10000x128xf32, #tpu.memory_space<hbm>>) target(%arg10 : memref<128x128xf32, #tpu.memory_space<vmem>>) offsets(%dma_start3A_92 : memref<128xi32, #tpu.memory_space<vmem>>) semaphore(%arg13 : memref<!tpu.dma_semaphore, #tpu.memory_space<semaphore_mem>>)
    } else {
    }
    %while3A = arith.constant 0 : i32
    %while3A_26 = arith.constant 0 : i32
    %while3A_27 = arith.subi %select_n3A_21, %while3A_26 : i32
    %while3A_28 = arith.addi %while3A_26, %while3A_27 : i32
    %while3A_29 = arith.constant 1 : i32
    %while3A_30 = arith.divsi %while3A_27, %while3A_29 : i32
    %while3A_31 = arith.muli %while3A_30, %while3A_29 : i32
    %while3A_32 = arith.addi %while3A_26, %while3A_31 : i32
    %while3A_33 = arith.constant 1 : i32
    scf.for %while3A_83 = %while3A_26 to %while3A_32 step %while3A_33  : i32 {
      %mul3A_84 = arith.constant 2 : i32
      %mul3A_85 = arith.muli %mul3A_84, %while3A_83 : i32
      %dma_wait3A = arith.constant 0 : i32
      %dma_wait3A_86 = tpu.memref_slice %arg7[%mul3A_85, %dma_wait3A] : memref<40x128xi32, #tpu.memory_space<vmem>> -> memref<1x128xi32, #tpu.memory_space<vmem>>
      %dma_wait3A_87 = tpu.memref_squeeze %dma_wait3A_86 : memref<1x128xi32, #tpu.memory_space<vmem>> -> memref<128xi32, #tpu.memory_space<vmem>>
      %dma_wait3A_88 = arith.constant 0 : i32
      %dma_wait3A_89 = arith.constant 0 : i32
      %dma_wait3A_90 = tpu.memref_slice %arg2[%dma_wait3A_88, %dma_wait3A_89] : memref<10000x128xf32, #tpu.memory_space<hbm>> -> memref<10000x128xf32, #tpu.memory_space<hbm>>
      tpu.wait_indirect_dma semaphore(%arg12 : memref<!tpu.dma_semaphore, #tpu.memory_space<semaphore_mem>>) src(%dma_wait3A_90 : memref<10000x128xf32, #tpu.memory_space<hbm>>) dst(%arg9 : memref<128x128xf32, #tpu.memory_space<vmem>>)
      %dma_start3A = arith.constant 0 : i32
      %dma_start3A_91 = tpu.memref_slice %arg8[%mul3A_85, %dma_start3A] : memref<40x128xi32, #tpu.memory_space<vmem>> -> memref<1x128xi32, #tpu.memory_space<vmem>>
      %dma_start3A_92 = tpu.memref_squeeze %dma_start3A_91 : memref<1x128xi32, #tpu.memory_space<vmem>> -> memref<128xi32, #tpu.memory_space<vmem>>
      %dma_start3A_93 = arith.constant 0 : i32
      %dma_start3A_94 = arith.constant 0 : i32
      %dma_start3A_95 = tpu.memref_slice %arg11[%dma_start3A_93, %dma_start3A_94] : memref<10016x128xf32, #tpu.memory_space<vmem_shared>> -> memref<10016x128xf32, #tpu.memory_space<vmem_shared>>
      tpu.enqueue_indirect_dma source(%arg9 : memref<128x128xf32, #tpu.memory_space<vmem>>) target(%dma_start3A_95 : memref<10016x128xf32, #tpu.memory_space<vmem_shared>>) offsets(%dma_start3A_92 : memref<128xi32, #tpu.memory_space<vmem>>) semaphore(%arg14 : memref<!tpu.dma_semaphore, #tpu.memory_space<semaphore_mem>>) {add = true}
      %add3A_96 = arith.constant 1 : i32
      %add3A_97 = arith.addi %mul3A_85, %add3A_96 : i32
      %dma_wait3A_98 = arith.constant 0 : i32
      %dma_wait3A_99 = tpu.memref_slice %arg7[%add3A_97, %dma_wait3A_98] : memref<40x128xi32, #tpu.memory_space<vmem>> -> memref<1x128xi32, #tpu.memory_space<vmem>>
      %dma_wait3A_100 = tpu.memref_squeeze %dma_wait3A_99 : memref<1x128xi32, #tpu.memory_space<vmem>> -> memref<128xi32, #tpu.memory_space<vmem>>
      %dma_wait3A_101 = arith.constant 0 : i32
      %dma_wait3A_102 = arith.constant 0 : i32
      %dma_wait3A_103 = tpu.memref_slice %arg2[%dma_wait3A_101, %dma_wait3A_102] : memref<10000x128xf32, #tpu.memory_space<hbm>> -> memref<10000x128xf32, #tpu.memory_space<hbm>>
      tpu.wait_indirect_dma semaphore(%arg13 : memref<!tpu.dma_semaphore, #tpu.memory_space<semaphore_mem>>) src(%dma_wait3A_103 : memref<10000x128xf32, #tpu.memory_space<hbm>>) dst(%arg10 : memref<128x128xf32, #tpu.memory_space<vmem>>)
      %add3A_104 = arith.constant 1 : i32
      %add3A_105 = arith.addi %mul3A_85, %add3A_104 : i32
      %dma_start3A_106 = arith.constant 0 : i32
      %dma_start3A_107 = tpu.memref_slice %arg8[%add3A_105, %dma_start3A_106] : memref<40x128xi32, #tpu.memory_space<vmem>> -> memref<1x128xi32, #tpu.memory_space<vmem>>
      %dma_start3A_108 = tpu.memref_squeeze %dma_start3A_107 : memref<1x128xi32, #tpu.memory_space<vmem>> -> memref<128xi32, #tpu.memory_space<vmem>>
      %dma_start3A_109 = arith.constant 0 : i32
      %dma_start3A_110 = arith.constant 0 : i32
      %dma_start3A_111 = tpu.memref_slice %arg11[%dma_start3A_109, %dma_start3A_110] : memref<10016x128xf32, #tpu.memory_space<vmem_shared>> -> memref<10016x128xf32, #tpu.memory_space<vmem_shared>>
      tpu.enqueue_indirect_dma source(%arg10 : memref<128x128xf32, #tpu.memory_space<vmem>>) target(%dma_start3A_111 : memref<10016x128xf32, #tpu.memory_space<vmem_shared>>) offsets(%dma_start3A_108 : memref<128xi32, #tpu.memory_space<vmem>>) semaphore(%arg15 : memref<!tpu.dma_semaphore, #tpu.memory_space<semaphore_mem>>) {add = true}
      %sub3A = arith.constant 1 : i32
      %sub3A_112 = arith.subi %select_n3A_21, %sub3A : i32
      %lt3A_113 = arith.cmpi slt, %while3A_83, %sub3A_112 : i32
      %convert_element_type3A_114 = arith.extui %lt3A_113 : i1 to i32
      %cond3A_115 = arith.constant 0 : i32
      %cond3A_116 = arith.cmpi ne, %convert_element_type3A_114, %cond3A_115 : i32
      scf.if %cond3A_116 {
        %dma_wait3A_117 = arith.constant 0 : i32
        %dma_wait3A_118 = tpu.memref_slice %arg8[%mul3A_85, %dma_wait3A_117] : memref<40x128xi32, #tpu.memory_space<vmem>> -> memref<1x128xi32, #tpu.memory_space<vmem>>
        %dma_wait3A_119 = tpu.memref_squeeze %dma_wait3A_118 : memref<1x128xi32, #tpu.memory_space<vmem>> -> memref<128xi32, #tpu.memory_space<vmem>>
        %dma_wait3A_120 = arith.constant 0 : i32
        %dma_wait3A_121 = arith.constant 0 : i32
        %dma_wait3A_122 = tpu.memref_slice %arg11[%dma_wait3A_120, %dma_wait3A_121] : memref<10016x128xf32, #tpu.memory_space<vmem_shared>> -> memref<10016x128xf32, #tpu.memory_space<vmem_shared>>
        tpu.wait_indirect_dma semaphore(%arg14 : memref<!tpu.dma_semaphore, #tpu.memory_space<semaphore_mem>>) src(%arg9 : memref<128x128xf32, #tpu.memory_space<vmem>>) dst(%dma_wait3A_122 : memref<10016x128xf32, #tpu.memory_space<vmem_shared>>)
        %add3A_123 = arith.constant 2 : i32
        %add3A_124 = arith.addi %mul3A_85, %add3A_123 : i32
        %dma_start3A_125 = arith.constant 0 : i32
        %dma_start3A_126 = tpu.memref_slice %arg7[%add3A_124, %dma_start3A_125] : memref<40x128xi32, #tpu.memory_space<vmem>> -> memref<1x128xi32, #tpu.memory_space<vmem>>
        %dma_start3A_127 = tpu.memref_squeeze %dma_start3A_126 : memref<1x128xi32, #tpu.memory_space<vmem>> -> memref<128xi32, #tpu.memory_space<vmem>>
        %dma_start3A_128 = arith.constant 0 : i32
        %dma_start3A_129 = arith.constant 0 : i32
        %dma_start3A_130 = tpu.memref_slice %arg2[%dma_start3A_128, %dma_start3A_129] : memref<10000x128xf32, #tpu.memory_space<hbm>> -> memref<10000x128xf32, #tpu.memory_space<hbm>>
        tpu.enqueue_indirect_dma source(%dma_start3A_130 : memref<10000x128xf32, #tpu.memory_space<hbm>>) target(%arg9 : memref<128x128xf32, #tpu.memory_space<vmem>>) offsets(%dma_start3A_127 : memref<128xi32, #tpu.memory_space<vmem>>) semaphore(%arg12 : memref<!tpu.dma_semaphore, #tpu.memory_space<semaphore_mem>>)
        %add3A_131 = arith.constant 1 : i32
        %add3A_132 = arith.addi %mul3A_85, %add3A_131 : i32
        %dma_wait3A_133 = arith.constant 0 : i32
        %dma_wait3A_134 = tpu.memref_slice %arg8[%add3A_132, %dma_wait3A_133] : memref<40x128xi32, #tpu.memory_space<vmem>> -> memref<1x128xi32, #tpu.memory_space<vmem>>
        %dma_wait3A_135 = tpu.memref_squeeze %dma_wait3A_134 : memref<1x128xi32, #tpu.memory_space<vmem>> -> memref<128xi32, #tpu.memory_space<vmem>>
        %dma_wait3A_136 = arith.constant 0 : i32
        %dma_wait3A_137 = arith.constant 0 : i32
        %dma_wait3A_138 = tpu.memref_slice %arg11[%dma_wait3A_136, %dma_wait3A_137] : memref<10016x128xf32, #tpu.memory_space<vmem_shared>> -> memref<10016x128xf32, #tpu.memory_space<vmem_shared>>
        tpu.wait_indirect_dma semaphore(%arg15 : memref<!tpu.dma_semaphore, #tpu.memory_space<semaphore_mem>>) src(%arg10 : memref<128x128xf32, #tpu.memory_space<vmem>>) dst(%dma_wait3A_138 : memref<10016x128xf32, #tpu.memory_space<vmem_shared>>)
        %add3A_139 = arith.constant 3 : i32
        %add3A_140 = arith.addi %mul3A_85, %add3A_139 : i32
        %dma_start3A_141 = arith.constant 0 : i32
        %dma_start3A_142 = tpu.memref_slice %arg7[%add3A_140, %dma_start3A_141] : memref<40x128xi32, #tpu.memory_space<vmem>> -> memref<1x128xi32, #tpu.memory_space<vmem>>
        %dma_start3A_143 = tpu.memref_squeeze %dma_start3A_142 : memref<1x128xi32, #tpu.memory_space<vmem>> -> memref<128xi32, #tpu.memory_space<vmem>>
        %dma_start3A_144 = arith.constant 0 : i32
        %dma_start3A_145 = arith.constant 0 : i32
        %dma_start3A_146 = tpu.memref_slice %arg2[%dma_start3A_144, %dma_start3A_145] : memref<10000x128xf32, #tpu.memory_space<hbm>> -> memref<10000x128xf32, #tpu.memory_space<hbm>>
        tpu.enqueue_indirect_dma source(%dma_start3A_146 : memref<10000x128xf32, #tpu.memory_space<hbm>>) target(%arg10 : memref<128x128xf32, #tpu.memory_space<vmem>>) offsets(%dma_start3A_143 : memref<128xi32, #tpu.memory_space<vmem>>) semaphore(%arg13 : memref<!tpu.dma_semaphore, #tpu.memory_space<semaphore_mem>>)
      } else {
      }
    }
    %while3A_34 = arith.constant 1 : i32
    scf.for %while3A_83 = %while3A_32 to %while3A_28 step %while3A_34  : i32 {
      %mul3A_84 = arith.constant 2 : i32
      %mul3A_85 = arith.muli %mul3A_84, %while3A_83 : i32
      %dma_wait3A = arith.constant 0 : i32
      %dma_wait3A_86 = tpu.memref_slice %arg7[%mul3A_85, %dma_wait3A] : memref<40x128xi32, #tpu.memory_space<vmem>> -> memref<1x128xi32, #tpu.memory_space<vmem>>
      %dma_wait3A_87 = tpu.memref_squeeze %dma_wait3A_86 : memref<1x128xi32, #tpu.memory_space<vmem>> -> memref<128xi32, #tpu.memory_space<vmem>>
      %dma_wait3A_88 = arith.constant 0 : i32
      %dma_wait3A_89 = arith.constant 0 : i32
      %dma_wait3A_90 = tpu.memref_slice %arg2[%dma_wait3A_88, %dma_wait3A_89] : memref<10000x128xf32, #tpu.memory_space<hbm>> -> memref<10000x128xf32, #tpu.memory_space<hbm>>
      tpu.wait_indirect_dma semaphore(%arg12 : memref<!tpu.dma_semaphore, #tpu.memory_space<semaphore_mem>>) src(%dma_wait3A_90 : memref<10000x128xf32, #tpu.memory_space<hbm>>) dst(%arg9 : memref<128x128xf32, #tpu.memory_space<vmem>>)
      %dma_start3A = arith.constant 0 : i32
      %dma_start3A_91 = tpu.memref_slice %arg8[%mul3A_85, %dma_start3A] : memref<40x128xi32, #tpu.memory_space<vmem>> -> memref<1x128xi32, #tpu.memory_space<vmem>>
      %dma_start3A_92 = tpu.memref_squeeze %dma_start3A_91 : memref<1x128xi32, #tpu.memory_space<vmem>> -> memref<128xi32, #tpu.memory_space<vmem>>
      %dma_start3A_93 = arith.constant 0 : i32
      %dma_start3A_94 = arith.constant 0 : i32
      %dma_start3A_95 = tpu.memref_slice %arg11[%dma_start3A_93, %dma_start3A_94] : memref<10016x128xf32, #tpu.memory_space<vmem_shared>> -> memref<10016x128xf32, #tpu.memory_space<vmem_shared>>
      tpu.enqueue_indirect_dma source(%arg9 : memref<128x128xf32, #tpu.memory_space<vmem>>) target(%dma_start3A_95 : memref<10016x128xf32, #tpu.memory_space<vmem_shared>>) offsets(%dma_start3A_92 : memref<128xi32, #tpu.memory_space<vmem>>) semaphore(%arg14 : memref<!tpu.dma_semaphore, #tpu.memory_space<semaphore_mem>>) {add = true}
      %add3A_96 = arith.constant 1 : i32
      %add3A_97 = arith.addi %mul3A_85, %add3A_96 : i32
      %dma_wait3A_98 = arith.constant 0 : i32
      %dma_wait3A_99 = tpu.memref_slice %arg7[%add3A_97, %dma_wait3A_98] : memref<40x128xi32, #tpu.memory_space<vmem>> -> memref<1x128xi32, #tpu.memory_space<vmem>>
      %dma_wait3A_100 = tpu.memref_squeeze %dma_wait3A_99 : memref<1x128xi32, #tpu.memory_space<vmem>> -> memref<128xi32, #tpu.memory_space<vmem>>
      %dma_wait3A_101 = arith.constant 0 : i32
      %dma_wait3A_102 = arith.constant 0 : i32
      %dma_wait3A_103 = tpu.memref_slice %arg2[%dma_wait3A_101, %dma_wait3A_102] : memref<10000x128xf32, #tpu.memory_space<hbm>> -> memref<10000x128xf32, #tpu.memory_space<hbm>>
      tpu.wait_indirect_dma semaphore(%arg13 : memref<!tpu.dma_semaphore, #tpu.memory_space<semaphore_mem>>) src(%dma_wait3A_103 : memref<10000x128xf32, #tpu.memory_space<hbm>>) dst(%arg10 : memref<128x128xf32, #tpu.memory_space<vmem>>)
      %add3A_104 = arith.constant 1 : i32
      %add3A_105 = arith.addi %mul3A_85, %add3A_104 : i32
      %dma_start3A_106 = arith.constant 0 : i32
      %dma_start3A_107 = tpu.memref_slice %arg8[%add3A_105, %dma_start3A_106] : memref<40x128xi32, #tpu.memory_space<vmem>> -> memref<1x128xi32, #tpu.memory_space<vmem>>
      %dma_start3A_108 = tpu.memref_squeeze %dma_start3A_107 : memref<1x128xi32, #tpu.memory_space<vmem>> -> memref<128xi32, #tpu.memory_space<vmem>>
      %dma_start3A_109 = arith.constant 0 : i32
      %dma_start3A_110 = arith.constant 0 : i32
      %dma_start3A_111 = tpu.memref_slice %arg11[%dma_start3A_109, %dma_start3A_110] : memref<10016x128xf32, #tpu.memory_space<vmem_shared>> -> memref<10016x128xf32, #tpu.memory_space<vmem_shared>>
      tpu.enqueue_indirect_dma source(%arg10 : memref<128x128xf32, #tpu.memory_space<vmem>>) target(%dma_start3A_111 : memref<10016x128xf32, #tpu.memory_space<vmem_shared>>) offsets(%dma_start3A_108 : memref<128xi32, #tpu.memory_space<vmem>>) semaphore(%arg15 : memref<!tpu.dma_semaphore, #tpu.memory_space<semaphore_mem>>) {add = true}
      %sub3A = arith.constant 1 : i32
      %sub3A_112 = arith.subi %select_n3A_21, %sub3A : i32
      %lt3A_113 = arith.cmpi slt, %while3A_83, %sub3A_112 : i32
      %convert_element_type3A_114 = arith.extui %lt3A_113 : i1 to i32
      %cond3A_115 = arith.constant 0 : i32
      %cond3A_116 = arith.cmpi ne, %convert_element_type3A_114, %cond3A_115 : i32
      scf.if %cond3A_116 {
        %dma_wait3A_117 = arith.constant 0 : i32
        %dma_wait3A_118 = tpu.memref_slice %arg8[%mul3A_85, %dma_wait3A_117] : memref<40x128xi32, #tpu.memory_space<vmem>> -> memref<1x128xi32, #tpu.memory_space<vmem>>
        %dma_wait3A_119 = tpu.memref_squeeze %dma_wait3A_118 : memref<1x128xi32, #tpu.memory_space<vmem>> -> memref<128xi32, #tpu.memory_space<vmem>>
        %dma_wait3A_120 = arith.constant 0 : i32
        %dma_wait3A_121 = arith.constant 0 : i32
        %dma_wait3A_122 = tpu.memref_slice %arg11[%dma_wait3A_120, %dma_wait3A_121] : memref<10016x128xf32, #tpu.memory_space<vmem_shared>> -> memref<10016x128xf32, #tpu.memory_space<vmem_shared>>
        tpu.wait_indirect_dma semaphore(%arg14 : memref<!tpu.dma_semaphore, #tpu.memory_space<semaphore_mem>>) src(%arg9 : memref<128x128xf32, #tpu.memory_space<vmem>>) dst(%dma_wait3A_122 : memref<10016x128xf32, #tpu.memory_space<vmem_shared>>)
        %add3A_123 = arith.constant 2 : i32
        %add3A_124 = arith.addi %mul3A_85, %add3A_123 : i32
        %dma_start3A_125 = arith.constant 0 : i32
        %dma_start3A_126 = tpu.memref_slice %arg7[%add3A_124, %dma_start3A_125] : memref<40x128xi32, #tpu.memory_space<vmem>> -> memref<1x128xi32, #tpu.memory_space<vmem>>
        %dma_start3A_127 = tpu.memref_squeeze %dma_start3A_126 : memref<1x128xi32, #tpu.memory_space<vmem>> -> memref<128xi32, #tpu.memory_space<vmem>>
        %dma_start3A_128 = arith.constant 0 : i32
        %dma_start3A_129 = arith.constant 0 : i32
        %dma_start3A_130 = tpu.memref_slice %arg2[%dma_start3A_128, %dma_start3A_129] : memref<10000x128xf32, #tpu.memory_space<hbm>> -> memref<10000x128xf32, #tpu.memory_space<hbm>>
        tpu.enqueue_indirect_dma source(%dma_start3A_130 : memref<10000x128xf32, #tpu.memory_space<hbm>>) target(%arg9 : memref<128x128xf32, #tpu.memory_space<vmem>>) offsets(%dma_start3A_127 : memref<128xi32, #tpu.memory_space<vmem>>) semaphore(%arg12 : memref<!tpu.dma_semaphore, #tpu.memory_space<semaphore_mem>>)
        %add3A_131 = arith.constant 1 : i32
        %add3A_132 = arith.addi %mul3A_85, %add3A_131 : i32
        %dma_wait3A_133 = arith.constant 0 : i32
        %dma_wait3A_134 = tpu.memref_slice %arg8[%add3A_132, %dma_wait3A_133] : memref<40x128xi32, #tpu.memory_space<vmem>> -> memref<1x128xi32, #tpu.memory_space<vmem>>
        %dma_wait3A_135 = tpu.memref_squeeze %dma_wait3A_134 : memref<1x128xi32, #tpu.memory_space<vmem>> -> memref<128xi32, #tpu.memory_space<vmem>>
        %dma_wait3A_136 = arith.constant 0 : i32
        %dma_wait3A_137 = arith.constant 0 : i32
        %dma_wait3A_138 = tpu.memref_slice %arg11[%dma_wait3A_136, %dma_wait3A_137] : memref<10016x128xf32, #tpu.memory_space<vmem_shared>> -> memref<10016x128xf32, #tpu.memory_space<vmem_shared>>
        tpu.wait_indirect_dma semaphore(%arg15 : memref<!tpu.dma_semaphore, #tpu.memory_space<semaphore_mem>>) src(%arg10 : memref<128x128xf32, #tpu.memory_space<vmem>>) dst(%dma_wait3A_138 : memref<10016x128xf32, #tpu.memory_space<vmem_shared>>)
        %add3A_139 = arith.constant 3 : i32
        %add3A_140 = arith.addi %mul3A_85, %add3A_139 : i32
        %dma_start3A_141 = arith.constant 0 : i32
        %dma_start3A_142 = tpu.memref_slice %arg7[%add3A_140, %dma_start3A_141] : memref<40x128xi32, #tpu.memory_space<vmem>> -> memref<1x128xi32, #tpu.memory_space<vmem>>
        %dma_start3A_143 = tpu.memref_squeeze %dma_start3A_142 : memref<1x128xi32, #tpu.memory_space<vmem>> -> memref<128xi32, #tpu.memory_space<vmem>>
        %dma_start3A_144 = arith.constant 0 : i32
        %dma_start3A_145 = arith.constant 0 : i32
        %dma_start3A_146 = tpu.memref_slice %arg2[%dma_start3A_144, %dma_start3A_145] : memref<10000x128xf32, #tpu.memory_space<hbm>> -> memref<10000x128xf32, #tpu.memory_space<hbm>>
        tpu.enqueue_indirect_dma source(%dma_start3A_146 : memref<10000x128xf32, #tpu.memory_space<hbm>>) target(%arg10 : memref<128x128xf32, #tpu.memory_space<vmem>>) offsets(%dma_start3A_143 : memref<128xi32, #tpu.memory_space<vmem>>) semaphore(%arg13 : memref<!tpu.dma_semaphore, #tpu.memory_space<semaphore_mem>>)
      } else {
      }
    }
    %gt3A_35 = arith.constant 0 : i32
    %gt3A_36 = arith.cmpi sgt, %select_n3A_21, %gt3A_35 : i32
    %convert_element_type3A_37 = arith.extui %gt3A_36 : i1 to i32
    %cond3A_38 = arith.constant 0 : i32
    %cond3A_39 = arith.cmpi ne, %convert_element_type3A_37, %cond3A_38 : i32
    scf.if %cond3A_39 {
      %sub3A = arith.constant 2 : i32
      %sub3A_83 = arith.subi %select_n3A_16, %sub3A : i32
      %dma_wait3A = arith.constant 0 : i32
      %dma_wait3A_84 = tpu.memref_slice %arg8[%sub3A_83, %dma_wait3A] : memref<40x128xi32, #tpu.memory_space<vmem>> -> memref<1x128xi32, #tpu.memory_space<vmem>>
      %dma_wait3A_85 = tpu.memref_squeeze %dma_wait3A_84 : memref<1x128xi32, #tpu.memory_space<vmem>> -> memref<128xi32, #tpu.memory_space<vmem>>
      %dma_wait3A_86 = arith.constant 0 : i32
      %dma_wait3A_87 = arith.constant 0 : i32
      %dma_wait3A_88 = tpu.memref_slice %arg11[%dma_wait3A_86, %dma_wait3A_87] : memref<10016x128xf32, #tpu.memory_space<vmem_shared>> -> memref<10016x128xf32, #tpu.memory_space<vmem_shared>>
      tpu.wait_indirect_dma semaphore(%arg14 : memref<!tpu.dma_semaphore, #tpu.memory_space<semaphore_mem>>) src(%arg9 : memref<128x128xf32, #tpu.memory_space<vmem>>) dst(%dma_wait3A_88 : memref<10016x128xf32, #tpu.memory_space<vmem_shared>>)
      %sub3A_89 = arith.constant 1 : i32
      %sub3A_90 = arith.subi %select_n3A_16, %sub3A_89 : i32
      %dma_wait3A_91 = arith.constant 0 : i32
      %dma_wait3A_92 = tpu.memref_slice %arg8[%sub3A_90, %dma_wait3A_91] : memref<40x128xi32, #tpu.memory_space<vmem>> -> memref<1x128xi32, #tpu.memory_space<vmem>>
      %dma_wait3A_93 = tpu.memref_squeeze %dma_wait3A_92 : memref<1x128xi32, #tpu.memory_space<vmem>> -> memref<128xi32, #tpu.memory_space<vmem>>
      %dma_wait3A_94 = arith.constant 0 : i32
      %dma_wait3A_95 = arith.constant 0 : i32
      %dma_wait3A_96 = tpu.memref_slice %arg11[%dma_wait3A_94, %dma_wait3A_95] : memref<10016x128xf32, #tpu.memory_space<vmem_shared>> -> memref<10016x128xf32, #tpu.memory_space<vmem_shared>>
      tpu.wait_indirect_dma semaphore(%arg15 : memref<!tpu.dma_semaphore, #tpu.memory_space<semaphore_mem>>) src(%arg10 : memref<128x128xf32, #tpu.memory_space<vmem>>) dst(%dma_wait3A_96 : memref<10016x128xf32, #tpu.memory_space<vmem_shared>>)
    } else {
    }
    %eq3A_40 = arith.constant 0 : i32
    %eq3A_41 = arith.cmpi eq, %arg0, %eq3A_40 : i32
    %jit3A_42 = arith.constant 40 : i32
    %jit3A_43 = arith.constant 40 : i32
    %select_n3A_44 = arith.select %eq3A_41, %jit3A_42, %jit3A_43 : i32
    %add3A_45 = arith.addi %select_n3A, %select_n3A_44 : i32
    %multiple_of3A_46 = tpu.assume_multiple %add3A_45, 8 : i32
    %eq3A_47 = arith.constant 0 : i32
    %eq3A_48 = arith.cmpi eq, %arg0, %eq3A_47 : i32
    %jit3A_49 = arith.constant 40 : i32
    %jit3A_50 = arith.constant 40 : i32
    %select_n3A_51 = arith.select %eq3A_48, %jit3A_49, %jit3A_50 : i32
    %eq3A_52 = arith.constant 0 : i32
    %eq3A_53 = arith.cmpi eq, %arg0, %eq3A_52 : i32
    %jit3A_54 = arith.constant 20 : i32
    %jit3A_55 = arith.constant 20 : i32
    %select_n3A_56 = arith.select %eq3A_53, %jit3A_54, %jit3A_55 : i32
    %gt3A_57 = arith.constant 0 : i32
    %gt3A_58 = arith.cmpi sgt, %select_n3A_56, %gt3A_57 : i32
    %convert_element_type3A_59 = arith.extui %gt3A_58 : i1 to i32
    %cond3A_60 = arith.constant 0 : i32
    %cond3A_61 = arith.cmpi ne, %convert_element_type3A_59, %cond3A_60 : i32
    scf.if %cond3A_61 {
      "tpu.region"() ({
        %run_scoped3A = tpu.sem_alloc : memref<!tpu.dma_semaphore, #tpu.memory_space<semaphore_mem>>
        %dma_start3A_96 = arith.constant 0 : i32
        %dma_start3A_97 = tpu.memref_slice %arg3[%multiple_of3A_46, %dma_start3A_96] : memref<2560x128xi32, #tpu.memory_space<hbm>> -> memref<40x128xi32, #tpu.memory_space<hbm>>
        %dma_start3A_98 = arith.constant 0 : i32
        %dma_start3A_99 = tpu.memref_slice %arg3[%multiple_of3A_46, %dma_start3A_98] : memref<2560x128xi32, #tpu.memory_space<hbm>> -> memref<40x128xi32, #tpu.memory_space<hbm>>
        tpu.enqueue_dma source(%dma_start3A_99 : memref<40x128xi32, #tpu.memory_space<hbm>>) target(%arg7 : memref<40x128xi32, #tpu.memory_space<vmem>>) target_semaphore(%run_scoped3A : memref<!tpu.dma_semaphore, #tpu.memory_space<semaphore_mem>>)
        %dma_wait3A = arith.constant 0 : i32
        %dma_wait3A_100 = tpu.memref_slice %arg3[%multiple_of3A_46, %dma_wait3A] : memref<2560x128xi32, #tpu.memory_space<hbm>> -> memref<40x128xi32, #tpu.memory_space<hbm>>
        %dma_wait3A_101 = arith.constant 0 : i32
        %dma_wait3A_102 = tpu.memref_slice %arg3[%multiple_of3A_46, %dma_wait3A_101] : memref<2560x128xi32, #tpu.memory_space<hbm>> -> memref<40x128xi32, #tpu.memory_space<hbm>>
        tpu.wait_dma2 semaphore(%run_scoped3A : memref<!tpu.dma_semaphore, #tpu.memory_space<semaphore_mem>>) src(%dma_wait3A_102 : memref<40x128xi32, #tpu.memory_space<hbm>>) dst(%arg7 : memref<40x128xi32, #tpu.memory_space<vmem>>)
        tpu.yield
      }) : () -> ()
      "tpu.region"() ({
        %run_scoped3A = tpu.sem_alloc : memref<!tpu.dma_semaphore, #tpu.memory_space<semaphore_mem>>
        %dma_start3A_96 = arith.constant 0 : i32
        %dma_start3A_97 = tpu.memref_slice %arg4[%multiple_of3A_46, %dma_start3A_96] : memref<2560x128xi32, #tpu.memory_space<hbm>> -> memref<40x128xi32, #tpu.memory_space<hbm>>
        %dma_start3A_98 = arith.constant 0 : i32
        %dma_start3A_99 = tpu.memref_slice %arg4[%multiple_of3A_46, %dma_start3A_98] : memref<2560x128xi32, #tpu.memory_space<hbm>> -> memref<40x128xi32, #tpu.memory_space<hbm>>
        tpu.enqueue_dma source(%dma_start3A_99 : memref<40x128xi32, #tpu.memory_space<hbm>>) target(%arg8 : memref<40x128xi32, #tpu.memory_space<vmem>>) target_semaphore(%run_scoped3A : memref<!tpu.dma_semaphore, #tpu.memory_space<semaphore_mem>>)
        %dma_wait3A = arith.constant 0 : i32
        %dma_wait3A_100 = tpu.memref_slice %arg4[%multiple_of3A_46, %dma_wait3A] : memref<2560x128xi32, #tpu.memory_space<hbm>> -> memref<40x128xi32, #tpu.memory_space<hbm>>
        %dma_wait3A_101 = arith.constant 0 : i32
        %dma_wait3A_102 = tpu.memref_slice %arg4[%multiple_of3A_46, %dma_wait3A_101] : memref<2560x128xi32, #tpu.memory_space<hbm>> -> memref<40x128xi32, #tpu.memory_space<hbm>>
        tpu.wait_dma2 semaphore(%run_scoped3A : memref<!tpu.dma_semaphore, #tpu.memory_space<semaphore_mem>>) src(%dma_wait3A_102 : memref<40x128xi32, #tpu.memory_space<hbm>>) dst(%arg8 : memref<40x128xi32, #tpu.memory_space<vmem>>)
        tpu.yield
      }) : () -> ()
      %dma_start3A = arith.constant 0 : i32
      %dma_start3A_83 = arith.constant 0 : i32
      %dma_start3A_84 = tpu.memref_slice %arg7[%dma_start3A, %dma_start3A_83] : memref<40x128xi32, #tpu.memory_space<vmem>> -> memref<1x128xi32, #tpu.memory_space<vmem>>
      %dma_start3A_85 = tpu.memref_squeeze %dma_start3A_84 : memref<1x128xi32, #tpu.memory_space<vmem>> -> memref<128xi32, #tpu.memory_space<vmem>>
      %dma_start3A_86 = arith.constant 0 : i32
      %dma_start3A_87 = arith.constant 0 : i32
      %dma_start3A_88 = tpu.memref_slice %arg2[%dma_start3A_86, %dma_start3A_87] : memref<10000x128xf32, #tpu.memory_space<hbm>> -> memref<10000x128xf32, #tpu.memory_space<hbm>>
      tpu.enqueue_indirect_dma source(%dma_start3A_88 : memref<10000x128xf32, #tpu.memory_space<hbm>>) target(%arg9 : memref<128x128xf32, #tpu.memory_space<vmem>>) offsets(%dma_start3A_85 : memref<128xi32, #tpu.memory_space<vmem>>) semaphore(%arg12 : memref<!tpu.dma_semaphore, #tpu.memory_space<semaphore_mem>>)
      %dma_start3A_89 = arith.constant 1 : i32
      %dma_start3A_90 = arith.constant 0 : i32
      %dma_start3A_91 = tpu.memref_slice %arg7[%dma_start3A_89, %dma_start3A_90] : memref<40x128xi32, #tpu.memory_space<vmem>> -> memref<1x128xi32, #tpu.memory_space<vmem>>
      %dma_start3A_92 = tpu.memref_squeeze %dma_start3A_91 : memref<1x128xi32, #tpu.memory_space<vmem>> -> memref<128xi32, #tpu.memory_space<vmem>>
      %dma_start3A_93 = arith.constant 0 : i32
      %dma_start3A_94 = arith.constant 0 : i32
      %dma_start3A_95 = tpu.memref_slice %arg2[%dma_start3A_93, %dma_start3A_94] : memref<10000x128xf32, #tpu.memory_space<hbm>> -> memref<10000x128xf32, #tpu.memory_space<hbm>>
      tpu.enqueue_indirect_dma source(%dma_start3A_95 : memref<10000x128xf32, #tpu.memory_space<hbm>>) target(%arg10 : memref<128x128xf32, #tpu.memory_space<vmem>>) offsets(%dma_start3A_92 : memref<128xi32, #tpu.memory_space<vmem>>) semaphore(%arg13 : memref<!tpu.dma_semaphore, #tpu.memory_space<semaphore_mem>>)
    } else {
    }
    %while3A_62 = arith.constant 0 : i32
    %while3A_63 = arith.constant 0 : i32
    %while3A_64 = arith.subi %select_n3A_56, %while3A_63 : i32
    %while3A_65 = arith.addi %while3A_63, %while3A_64 : i32
    %while3A_66 = arith.constant 1 : i32
    %while3A_67 = arith.divsi %while3A_64, %while3A_66 : i32
    %while3A_68 = arith.muli %while3A_67, %while3A_66 : i32
    %while3A_69 = arith.addi %while3A_63, %while3A_68 : i32
    %while3A_70 = arith.constant 1 : i32
    scf.for %while3A_83 = %while3A_63 to %while3A_69 step %while3A_70  : i32 {
      %mul3A_84 = arith.constant 2 : i32
      %mul3A_85 = arith.muli %mul3A_84, %while3A_83 : i32
      %dma_wait3A = arith.constant 0 : i32
      %dma_wait3A_86 = tpu.memref_slice %arg7[%mul3A_85, %dma_wait3A] : memref<40x128xi32, #tpu.memory_space<vmem>> -> memref<1x128xi32, #tpu.memory_space<vmem>>
      %dma_wait3A_87 = tpu.memref_squeeze %dma_wait3A_86 : memref<1x128xi32, #tpu.memory_space<vmem>> -> memref<128xi32, #tpu.memory_space<vmem>>
      %dma_wait3A_88 = arith.constant 0 : i32
      %dma_wait3A_89 = arith.constant 0 : i32
      %dma_wait3A_90 = tpu.memref_slice %arg2[%dma_wait3A_88, %dma_wait3A_89] : memref<10000x128xf32, #tpu.memory_space<hbm>> -> memref<10000x128xf32, #tpu.memory_space<hbm>>
      tpu.wait_indirect_dma semaphore(%arg12 : memref<!tpu.dma_semaphore, #tpu.memory_space<semaphore_mem>>) src(%dma_wait3A_90 : memref<10000x128xf32, #tpu.memory_space<hbm>>) dst(%arg9 : memref<128x128xf32, #tpu.memory_space<vmem>>)
      %dma_start3A = arith.constant 0 : i32
      %dma_start3A_91 = tpu.memref_slice %arg8[%mul3A_85, %dma_start3A] : memref<40x128xi32, #tpu.memory_space<vmem>> -> memref<1x128xi32, #tpu.memory_space<vmem>>
      %dma_start3A_92 = tpu.memref_squeeze %dma_start3A_91 : memref<1x128xi32, #tpu.memory_space<vmem>> -> memref<128xi32, #tpu.memory_space<vmem>>
      %dma_start3A_93 = arith.constant 0 : i32
      %dma_start3A_94 = arith.constant 0 : i32
      %dma_start3A_95 = tpu.memref_slice %arg11[%dma_start3A_93, %dma_start3A_94] : memref<10016x128xf32, #tpu.memory_space<vmem_shared>> -> memref<10016x128xf32, #tpu.memory_space<vmem_shared>>
      tpu.enqueue_indirect_dma source(%arg9 : memref<128x128xf32, #tpu.memory_space<vmem>>) target(%dma_start3A_95 : memref<10016x128xf32, #tpu.memory_space<vmem_shared>>) offsets(%dma_start3A_92 : memref<128xi32, #tpu.memory_space<vmem>>) semaphore(%arg14 : memref<!tpu.dma_semaphore, #tpu.memory_space<semaphore_mem>>) {add = true}
      %add3A_96 = arith.constant 1 : i32
      %add3A_97 = arith.addi %mul3A_85, %add3A_96 : i32
      %dma_wait3A_98 = arith.constant 0 : i32
      %dma_wait3A_99 = tpu.memref_slice %arg7[%add3A_97, %dma_wait3A_98] : memref<40x128xi32, #tpu.memory_space<vmem>> -> memref<1x128xi32, #tpu.memory_space<vmem>>
      %dma_wait3A_100 = tpu.memref_squeeze %dma_wait3A_99 : memref<1x128xi32, #tpu.memory_space<vmem>> -> memref<128xi32, #tpu.memory_space<vmem>>
      %dma_wait3A_101 = arith.constant 0 : i32
      %dma_wait3A_102 = arith.constant 0 : i32
      %dma_wait3A_103 = tpu.memref_slice %arg2[%dma_wait3A_101, %dma_wait3A_102] : memref<10000x128xf32, #tpu.memory_space<hbm>> -> memref<10000x128xf32, #tpu.memory_space<hbm>>
      tpu.wait_indirect_dma semaphore(%arg13 : memref<!tpu.dma_semaphore, #tpu.memory_space<semaphore_mem>>) src(%dma_wait3A_103 : memref<10000x128xf32, #tpu.memory_space<hbm>>) dst(%arg10 : memref<128x128xf32, #tpu.memory_space<vmem>>)
      %add3A_104 = arith.constant 1 : i32
      %add3A_105 = arith.addi %mul3A_85, %add3A_104 : i32
      %dma_start3A_106 = arith.constant 0 : i32
      %dma_start3A_107 = tpu.memref_slice %arg8[%add3A_105, %dma_start3A_106] : memref<40x128xi32, #tpu.memory_space<vmem>> -> memref<1x128xi32, #tpu.memory_space<vmem>>
      %dma_start3A_108 = tpu.memref_squeeze %dma_start3A_107 : memref<1x128xi32, #tpu.memory_space<vmem>> -> memref<128xi32, #tpu.memory_space<vmem>>
      %dma_start3A_109 = arith.constant 0 : i32
      %dma_start3A_110 = arith.constant 0 : i32
      %dma_start3A_111 = tpu.memref_slice %arg11[%dma_start3A_109, %dma_start3A_110] : memref<10016x128xf32, #tpu.memory_space<vmem_shared>> -> memref<10016x128xf32, #tpu.memory_space<vmem_shared>>
      tpu.enqueue_indirect_dma source(%arg10 : memref<128x128xf32, #tpu.memory_space<vmem>>) target(%dma_start3A_111 : memref<10016x128xf32, #tpu.memory_space<vmem_shared>>) offsets(%dma_start3A_108 : memref<128xi32, #tpu.memory_space<vmem>>) semaphore(%arg15 : memref<!tpu.dma_semaphore, #tpu.memory_space<semaphore_mem>>) {add = true}
      %sub3A = arith.constant 1 : i32
      %sub3A_112 = arith.subi %select_n3A_56, %sub3A : i32
      %lt3A_113 = arith.cmpi slt, %while3A_83, %sub3A_112 : i32
      %convert_element_type3A_114 = arith.extui %lt3A_113 : i1 to i32
      %cond3A_115 = arith.constant 0 : i32
      %cond3A_116 = arith.cmpi ne, %convert_element_type3A_114, %cond3A_115 : i32
      scf.if %cond3A_116 {
        %dma_wait3A_117 = arith.constant 0 : i32
        %dma_wait3A_118 = tpu.memref_slice %arg8[%mul3A_85, %dma_wait3A_117] : memref<40x128xi32, #tpu.memory_space<vmem>> -> memref<1x128xi32, #tpu.memory_space<vmem>>
        %dma_wait3A_119 = tpu.memref_squeeze %dma_wait3A_118 : memref<1x128xi32, #tpu.memory_space<vmem>> -> memref<128xi32, #tpu.memory_space<vmem>>
        %dma_wait3A_120 = arith.constant 0 : i32
        %dma_wait3A_121 = arith.constant 0 : i32
        %dma_wait3A_122 = tpu.memref_slice %arg11[%dma_wait3A_120, %dma_wait3A_121] : memref<10016x128xf32, #tpu.memory_space<vmem_shared>> -> memref<10016x128xf32, #tpu.memory_space<vmem_shared>>
        tpu.wait_indirect_dma semaphore(%arg14 : memref<!tpu.dma_semaphore, #tpu.memory_space<semaphore_mem>>) src(%arg9 : memref<128x128xf32, #tpu.memory_space<vmem>>) dst(%dma_wait3A_122 : memref<10016x128xf32, #tpu.memory_space<vmem_shared>>)
        %add3A_123 = arith.constant 2 : i32
        %add3A_124 = arith.addi %mul3A_85, %add3A_123 : i32
        %dma_start3A_125 = arith.constant 0 : i32
        %dma_start3A_126 = tpu.memref_slice %arg7[%add3A_124, %dma_start3A_125] : memref<40x128xi32, #tpu.memory_space<vmem>> -> memref<1x128xi32, #tpu.memory_space<vmem>>
        %dma_start3A_127 = tpu.memref_squeeze %dma_start3A_126 : memref<1x128xi32, #tpu.memory_space<vmem>> -> memref<128xi32, #tpu.memory_space<vmem>>
        %dma_start3A_128 = arith.constant 0 : i32
        %dma_start3A_129 = arith.constant 0 : i32
        %dma_start3A_130 = tpu.memref_slice %arg2[%dma_start3A_128, %dma_start3A_129] : memref<10000x128xf32, #tpu.memory_space<hbm>> -> memref<10000x128xf32, #tpu.memory_space<hbm>>
        tpu.enqueue_indirect_dma source(%dma_start3A_130 : memref<10000x128xf32, #tpu.memory_space<hbm>>) target(%arg9 : memref<128x128xf32, #tpu.memory_space<vmem>>) offsets(%dma_start3A_127 : memref<128xi32, #tpu.memory_space<vmem>>) semaphore(%arg12 : memref<!tpu.dma_semaphore, #tpu.memory_space<semaphore_mem>>)
        %add3A_131 = arith.constant 1 : i32
        %add3A_132 = arith.addi %mul3A_85, %add3A_131 : i32
        %dma_wait3A_133 = arith.constant 0 : i32
        %dma_wait3A_134 = tpu.memref_slice %arg8[%add3A_132, %dma_wait3A_133] : memref<40x128xi32, #tpu.memory_space<vmem>> -> memref<1x128xi32, #tpu.memory_space<vmem>>
        %dma_wait3A_135 = tpu.memref_squeeze %dma_wait3A_134 : memref<1x128xi32, #tpu.memory_space<vmem>> -> memref<128xi32, #tpu.memory_space<vmem>>
        %dma_wait3A_136 = arith.constant 0 : i32
        %dma_wait3A_137 = arith.constant 0 : i32
        %dma_wait3A_138 = tpu.memref_slice %arg11[%dma_wait3A_136, %dma_wait3A_137] : memref<10016x128xf32, #tpu.memory_space<vmem_shared>> -> memref<10016x128xf32, #tpu.memory_space<vmem_shared>>
        tpu.wait_indirect_dma semaphore(%arg15 : memref<!tpu.dma_semaphore, #tpu.memory_space<semaphore_mem>>) src(%arg10 : memref<128x128xf32, #tpu.memory_space<vmem>>) dst(%dma_wait3A_138 : memref<10016x128xf32, #tpu.memory_space<vmem_shared>>)
        %add3A_139 = arith.constant 3 : i32
        %add3A_140 = arith.addi %mul3A_85, %add3A_139 : i32
        %dma_start3A_141 = arith.constant 0 : i32
        %dma_start3A_142 = tpu.memref_slice %arg7[%add3A_140, %dma_start3A_141] : memref<40x128xi32, #tpu.memory_space<vmem>> -> memref<1x128xi32, #tpu.memory_space<vmem>>
        %dma_start3A_143 = tpu.memref_squeeze %dma_start3A_142 : memref<1x128xi32, #tpu.memory_space<vmem>> -> memref<128xi32, #tpu.memory_space<vmem>>
        %dma_start3A_144 = arith.constant 0 : i32
        %dma_start3A_145 = arith.constant 0 : i32
        %dma_start3A_146 = tpu.memref_slice %arg2[%dma_start3A_144, %dma_start3A_145] : memref<10000x128xf32, #tpu.memory_space<hbm>> -> memref<10000x128xf32, #tpu.memory_space<hbm>>
        tpu.enqueue_indirect_dma source(%dma_start3A_146 : memref<10000x128xf32, #tpu.memory_space<hbm>>) target(%arg10 : memref<128x128xf32, #tpu.memory_space<vmem>>) offsets(%dma_start3A_143 : memref<128xi32, #tpu.memory_space<vmem>>) semaphore(%arg13 : memref<!tpu.dma_semaphore, #tpu.memory_space<semaphore_mem>>)
      } else {
      }
    }
    %while3A_71 = arith.constant 1 : i32
    scf.for %while3A_83 = %while3A_69 to %while3A_65 step %while3A_71  : i32 {
      %mul3A_84 = arith.constant 2 : i32
      %mul3A_85 = arith.muli %mul3A_84, %while3A_83 : i32
      %dma_wait3A = arith.constant 0 : i32
      %dma_wait3A_86 = tpu.memref_slice %arg7[%mul3A_85, %dma_wait3A] : memref<40x128xi32, #tpu.memory_space<vmem>> -> memref<1x128xi32, #tpu.memory_space<vmem>>
      %dma_wait3A_87 = tpu.memref_squeeze %dma_wait3A_86 : memref<1x128xi32, #tpu.memory_space<vmem>> -> memref<128xi32, #tpu.memory_space<vmem>>
      %dma_wait3A_88 = arith.constant 0 : i32
      %dma_wait3A_89 = arith.constant 0 : i32
      %dma_wait3A_90 = tpu.memref_slice %arg2[%dma_wait3A_88, %dma_wait3A_89] : memref<10000x128xf32, #tpu.memory_space<hbm>> -> memref<10000x128xf32, #tpu.memory_space<hbm>>
      tpu.wait_indirect_dma semaphore(%arg12 : memref<!tpu.dma_semaphore, #tpu.memory_space<semaphore_mem>>) src(%dma_wait3A_90 : memref<10000x128xf32, #tpu.memory_space<hbm>>) dst(%arg9 : memref<128x128xf32, #tpu.memory_space<vmem>>)
      %dma_start3A = arith.constant 0 : i32
      %dma_start3A_91 = tpu.memref_slice %arg8[%mul3A_85, %dma_start3A] : memref<40x128xi32, #tpu.memory_space<vmem>> -> memref<1x128xi32, #tpu.memory_space<vmem>>
      %dma_start3A_92 = tpu.memref_squeeze %dma_start3A_91 : memref<1x128xi32, #tpu.memory_space<vmem>> -> memref<128xi32, #tpu.memory_space<vmem>>
      %dma_start3A_93 = arith.constant 0 : i32
      %dma_start3A_94 = arith.constant 0 : i32
      %dma_start3A_95 = tpu.memref_slice %arg11[%dma_start3A_93, %dma_start3A_94] : memref<10016x128xf32, #tpu.memory_space<vmem_shared>> -> memref<10016x128xf32, #tpu.memory_space<vmem_shared>>
      tpu.enqueue_indirect_dma source(%arg9 : memref<128x128xf32, #tpu.memory_space<vmem>>) target(%dma_start3A_95 : memref<10016x128xf32, #tpu.memory_space<vmem_shared>>) offsets(%dma_start3A_92 : memref<128xi32, #tpu.memory_space<vmem>>) semaphore(%arg14 : memref<!tpu.dma_semaphore, #tpu.memory_space<semaphore_mem>>) {add = true}
      %add3A_96 = arith.constant 1 : i32
      %add3A_97 = arith.addi %mul3A_85, %add3A_96 : i32
      %dma_wait3A_98 = arith.constant 0 : i32
      %dma_wait3A_99 = tpu.memref_slice %arg7[%add3A_97, %dma_wait3A_98] : memref<40x128xi32, #tpu.memory_space<vmem>> -> memref<1x128xi32, #tpu.memory_space<vmem>>
      %dma_wait3A_100 = tpu.memref_squeeze %dma_wait3A_99 : memref<1x128xi32, #tpu.memory_space<vmem>> -> memref<128xi32, #tpu.memory_space<vmem>>
      %dma_wait3A_101 = arith.constant 0 : i32
      %dma_wait3A_102 = arith.constant 0 : i32
      %dma_wait3A_103 = tpu.memref_slice %arg2[%dma_wait3A_101, %dma_wait3A_102] : memref<10000x128xf32, #tpu.memory_space<hbm>> -> memref<10000x128xf32, #tpu.memory_space<hbm>>
      tpu.wait_indirect_dma semaphore(%arg13 : memref<!tpu.dma_semaphore, #tpu.memory_space<semaphore_mem>>) src(%dma_wait3A_103 : memref<10000x128xf32, #tpu.memory_space<hbm>>) dst(%arg10 : memref<128x128xf32, #tpu.memory_space<vmem>>)
      %add3A_104 = arith.constant 1 : i32
      %add3A_105 = arith.addi %mul3A_85, %add3A_104 : i32
      %dma_start3A_106 = arith.constant 0 : i32
      %dma_start3A_107 = tpu.memref_slice %arg8[%add3A_105, %dma_start3A_106] : memref<40x128xi32, #tpu.memory_space<vmem>> -> memref<1x128xi32, #tpu.memory_space<vmem>>
      %dma_start3A_108 = tpu.memref_squeeze %dma_start3A_107 : memref<1x128xi32, #tpu.memory_space<vmem>> -> memref<128xi32, #tpu.memory_space<vmem>>
      %dma_start3A_109 = arith.constant 0 : i32
      %dma_start3A_110 = arith.constant 0 : i32
      %dma_start3A_111 = tpu.memref_slice %arg11[%dma_start3A_109, %dma_start3A_110] : memref<10016x128xf32, #tpu.memory_space<vmem_shared>> -> memref<10016x128xf32, #tpu.memory_space<vmem_shared>>
      tpu.enqueue_indirect_dma source(%arg10 : memref<128x128xf32, #tpu.memory_space<vmem>>) target(%dma_start3A_111 : memref<10016x128xf32, #tpu.memory_space<vmem_shared>>) offsets(%dma_start3A_108 : memref<128xi32, #tpu.memory_space<vmem>>) semaphore(%arg15 : memref<!tpu.dma_semaphore, #tpu.memory_space<semaphore_mem>>) {add = true}
      %sub3A = arith.constant 1 : i32
      %sub3A_112 = arith.subi %select_n3A_56, %sub3A : i32
      %lt3A_113 = arith.cmpi slt, %while3A_83, %sub3A_112 : i32
      %convert_element_type3A_114 = arith.extui %lt3A_113 : i1 to i32
      %cond3A_115 = arith.constant 0 : i32
      %cond3A_116 = arith.cmpi ne, %convert_element_type3A_114, %cond3A_115 : i32
      scf.if %cond3A_116 {
        %dma_wait3A_117 = arith.constant 0 : i32
        %dma_wait3A_118 = tpu.memref_slice %arg8[%mul3A_85, %dma_wait3A_117] : memref<40x128xi32, #tpu.memory_space<vmem>> -> memref<1x128xi32, #tpu.memory_space<vmem>>
        %dma_wait3A_119 = tpu.memref_squeeze %dma_wait3A_118 : memref<1x128xi32, #tpu.memory_space<vmem>> -> memref<128xi32, #tpu.memory_space<vmem>>
        %dma_wait3A_120 = arith.constant 0 : i32
        %dma_wait3A_121 = arith.constant 0 : i32
        %dma_wait3A_122 = tpu.memref_slice %arg11[%dma_wait3A_120, %dma_wait3A_121] : memref<10016x128xf32, #tpu.memory_space<vmem_shared>> -> memref<10016x128xf32, #tpu.memory_space<vmem_shared>>
        tpu.wait_indirect_dma semaphore(%arg14 : memref<!tpu.dma_semaphore, #tpu.memory_space<semaphore_mem>>) src(%arg9 : memref<128x128xf32, #tpu.memory_space<vmem>>) dst(%dma_wait3A_122 : memref<10016x128xf32, #tpu.memory_space<vmem_shared>>)
        %add3A_123 = arith.constant 2 : i32
        %add3A_124 = arith.addi %mul3A_85, %add3A_123 : i32
        %dma_start3A_125 = arith.constant 0 : i32
        %dma_start3A_126 = tpu.memref_slice %arg7[%add3A_124, %dma_start3A_125] : memref<40x128xi32, #tpu.memory_space<vmem>> -> memref<1x128xi32, #tpu.memory_space<vmem>>
        %dma_start3A_127 = tpu.memref_squeeze %dma_start3A_126 : memref<1x128xi32, #tpu.memory_space<vmem>> -> memref<128xi32, #tpu.memory_space<vmem>>
        %dma_start3A_128 = arith.constant 0 : i32
        %dma_start3A_129 = arith.constant 0 : i32
        %dma_start3A_130 = tpu.memref_slice %arg2[%dma_start3A_128, %dma_start3A_129] : memref<10000x128xf32, #tpu.memory_space<hbm>> -> memref<10000x128xf32, #tpu.memory_space<hbm>>
        tpu.enqueue_indirect_dma source(%dma_start3A_130 : memref<10000x128xf32, #tpu.memory_space<hbm>>) target(%arg9 : memref<128x128xf32, #tpu.memory_space<vmem>>) offsets(%dma_start3A_127 : memref<128xi32, #tpu.memory_space<vmem>>) semaphore(%arg12 : memref<!tpu.dma_semaphore, #tpu.memory_space<semaphore_mem>>)
        %add3A_131 = arith.constant 1 : i32
        %add3A_132 = arith.addi %mul3A_85, %add3A_131 : i32
        %dma_wait3A_133 = arith.constant 0 : i32
        %dma_wait3A_134 = tpu.memref_slice %arg8[%add3A_132, %dma_wait3A_133] : memref<40x128xi32, #tpu.memory_space<vmem>> -> memref<1x128xi32, #tpu.memory_space<vmem>>
        %dma_wait3A_135 = tpu.memref_squeeze %dma_wait3A_134 : memref<1x128xi32, #tpu.memory_space<vmem>> -> memref<128xi32, #tpu.memory_space<vmem>>
        %dma_wait3A_136 = arith.constant 0 : i32
        %dma_wait3A_137 = arith.constant 0 : i32
        %dma_wait3A_138 = tpu.memref_slice %arg11[%dma_wait3A_136, %dma_wait3A_137] : memref<10016x128xf32, #tpu.memory_space<vmem_shared>> -> memref<10016x128xf32, #tpu.memory_space<vmem_shared>>
        tpu.wait_indirect_dma semaphore(%arg15 : memref<!tpu.dma_semaphore, #tpu.memory_space<semaphore_mem>>) src(%arg10 : memref<128x128xf32, #tpu.memory_space<vmem>>) dst(%dma_wait3A_138 : memref<10016x128xf32, #tpu.memory_space<vmem_shared>>)
        %add3A_139 = arith.constant 3 : i32
        %add3A_140 = arith.addi %mul3A_85, %add3A_139 : i32
        %dma_start3A_141 = arith.constant 0 : i32
        %dma_start3A_142 = tpu.memref_slice %arg7[%add3A_140, %dma_start3A_141] : memref<40x128xi32, #tpu.memory_space<vmem>> -> memref<1x128xi32, #tpu.memory_space<vmem>>
        %dma_start3A_143 = tpu.memref_squeeze %dma_start3A_142 : memref<1x128xi32, #tpu.memory_space<vmem>> -> memref<128xi32, #tpu.memory_space<vmem>>
        %dma_start3A_144 = arith.constant 0 : i32
        %dma_start3A_145 = arith.constant 0 : i32
        %dma_start3A_146 = tpu.memref_slice %arg2[%dma_start3A_144, %dma_start3A_145] : memref<10000x128xf32, #tpu.memory_space<hbm>> -> memref<10000x128xf32, #tpu.memory_space<hbm>>
        tpu.enqueue_indirect_dma source(%dma_start3A_146 : memref<10000x128xf32, #tpu.memory_space<hbm>>) target(%arg10 : memref<128x128xf32, #tpu.memory_space<vmem>>) offsets(%dma_start3A_143 : memref<128xi32, #tpu.memory_space<vmem>>) semaphore(%arg13 : memref<!tpu.dma_semaphore, #tpu.memory_space<semaphore_mem>>)
      } else {
      }
    }
    %gt3A_72 = arith.constant 0 : i32
    %gt3A_73 = arith.cmpi sgt, %select_n3A_56, %gt3A_72 : i32
    %convert_element_type3A_74 = arith.extui %gt3A_73 : i1 to i32
    %cond3A_75 = arith.constant 0 : i32
    %cond3A_76 = arith.cmpi ne, %convert_element_type3A_74, %cond3A_75 : i32
    scf.if %cond3A_76 {
      %sub3A = arith.constant 2 : i32
      %sub3A_83 = arith.subi %select_n3A_51, %sub3A : i32
      %dma_wait3A = arith.constant 0 : i32
      %dma_wait3A_84 = tpu.memref_slice %arg8[%sub3A_83, %dma_wait3A] : memref<40x128xi32, #tpu.memory_space<vmem>> -> memref<1x128xi32, #tpu.memory_space<vmem>>
      %dma_wait3A_85 = tpu.memref_squeeze %dma_wait3A_84 : memref<1x128xi32, #tpu.memory_space<vmem>> -> memref<128xi32, #tpu.memory_space<vmem>>
      %dma_wait3A_86 = arith.constant 0 : i32
      %dma_wait3A_87 = arith.constant 0 : i32
      %dma_wait3A_88 = tpu.memref_slice %arg11[%dma_wait3A_86, %dma_wait3A_87] : memref<10016x128xf32, #tpu.memory_space<vmem_shared>> -> memref<10016x128xf32, #tpu.memory_space<vmem_shared>>
      tpu.wait_indirect_dma semaphore(%arg14 : memref<!tpu.dma_semaphore, #tpu.memory_space<semaphore_mem>>) src(%arg9 : memref<128x128xf32, #tpu.memory_space<vmem>>) dst(%dma_wait3A_88 : memref<10016x128xf32, #tpu.memory_space<vmem_shared>>)
      %sub3A_89 = arith.constant 1 : i32
      %sub3A_90 = arith.subi %select_n3A_51, %sub3A_89 : i32
      %dma_wait3A_91 = arith.constant 0 : i32
      %dma_wait3A_92 = tpu.memref_slice %arg8[%sub3A_90, %dma_wait3A_91] : memref<40x128xi32, #tpu.memory_space<vmem>> -> memref<1x128xi32, #tpu.memory_space<vmem>>
      %dma_wait3A_93 = tpu.memref_squeeze %dma_wait3A_92 : memref<1x128xi32, #tpu.memory_space<vmem>> -> memref<128xi32, #tpu.memory_space<vmem>>
      %dma_wait3A_94 = arith.constant 0 : i32
      %dma_wait3A_95 = arith.constant 0 : i32
      %dma_wait3A_96 = tpu.memref_slice %arg11[%dma_wait3A_94, %dma_wait3A_95] : memref<10016x128xf32, #tpu.memory_space<vmem_shared>> -> memref<10016x128xf32, #tpu.memory_space<vmem_shared>>
      tpu.wait_indirect_dma semaphore(%arg15 : memref<!tpu.dma_semaphore, #tpu.memory_space<semaphore_mem>>) src(%arg10 : memref<128x128xf32, #tpu.memory_space<vmem>>) dst(%dma_wait3A_96 : memref<10016x128xf32, #tpu.memory_space<vmem_shared>>)
    } else {
    }
    %barrier3A_77 = arith.constant 0 : index
    tpu.barrier barrier_id(%barrier3A_77)
    %lt3A_78 = arith.constant 5 : i32
    %lt3A_79 = arith.cmpi slt, %arg1, %lt3A_78 : i32
    %convert_element_type3A_80 = arith.extui %lt3A_79 : i1 to i32
    %cond3A_81 = arith.constant 0 : i32
    %cond3A_82 = arith.cmpi ne, %convert_element_type3A_80, %cond3A_81 : i32
    scf.if %cond3A_82 {
      %mul3A_83 = arith.constant 2000 : i32
      %mul3A_84 = arith.muli %arg1, %mul3A_83 : i32
      %mul3A_85 = arith.constant 2000 : i32
      %mul3A_86 = arith.muli %arg1, %mul3A_85 : i32
      "tpu.region"() ({
        %run_scoped3A = tpu.sem_alloc : memref<!tpu.dma_semaphore, #tpu.memory_space<semaphore_mem>>
        %dma_start3A = arith.constant 0 : i32
        %dma_start3A_87 = tpu.memref_slice %arg6[%arg0, %mul3A_86, %dma_start3A] : memref<2x10000x128xf32, #tpu.memory_space<hbm>> -> memref<1x2000x128xf32, #tpu.memory_space<hbm>>
        %dma_start3A_88 = tpu.memref_squeeze %dma_start3A_87 : memref<1x2000x128xf32, #tpu.memory_space<hbm>> -> memref<2000x128xf32, #tpu.memory_space<hbm>>
        %dma_start3A_89 = arith.constant 0 : i32
        %dma_start3A_90 = tpu.memref_slice %arg11[%mul3A_84, %dma_start3A_89] : memref<10016x128xf32, #tpu.memory_space<vmem_shared>> -> memref<2000x128xf32, #tpu.memory_space<vmem_shared>>
        tpu.enqueue_dma source(%dma_start3A_90 : memref<2000x128xf32, #tpu.memory_space<vmem_shared>>) target(%dma_start3A_88 : memref<2000x128xf32, #tpu.memory_space<hbm>>) target_semaphore(%run_scoped3A : memref<!tpu.dma_semaphore, #tpu.memory_space<semaphore_mem>>)
        %dma_wait3A = arith.constant 0 : i32
        %dma_wait3A_91 = tpu.memref_slice %arg6[%arg0, %mul3A_86, %dma_wait3A] : memref<2x10000x128xf32, #tpu.memory_space<hbm>> -> memref<1x2000x128xf32, #tpu.memory_space<hbm>>
        %dma_wait3A_92 = tpu.memref_squeeze %dma_wait3A_91 : memref<1x2000x128xf32, #tpu.memory_space<hbm>> -> memref<2000x128xf32, #tpu.memory_space<hbm>>
        %dma_wait3A_93 = arith.constant 0 : i32
        %dma_wait3A_94 = tpu.memref_slice %arg11[%mul3A_84, %dma_wait3A_93] : memref<10016x128xf32, #tpu.memory_space<vmem_shared>> -> memref<2000x128xf32, #tpu.memory_space<vmem_shared>>
        tpu.wait_dma2 semaphore(%run_scoped3A : memref<!tpu.dma_semaphore, #tpu.memory_space<semaphore_mem>>) src(%dma_wait3A_94 : memref<2000x128xf32, #tpu.memory_space<vmem_shared>>) dst(%dma_wait3A_92 : memref<2000x128xf32, #tpu.memory_space<hbm>>)
        tpu.yield
      }) : () -> ()
    } else {
    }
    return
  }
}

module attributes {stable_mosaic.version = 14 : i64} {
  func.func @_tc_first_body(%arg0: i32, %arg1: memref<2000x128xf32, #tpu.memory_space<vmem>>, %arg2: memref<128x128xf32, #tpu.memory_space<vmem>>, %arg3: memref<2000x16xf32, #tpu.memory_space<vmem>>, %arg4: memref<2000x16xf32, #tpu.memory_space<vmem>>, %arg5: memref<2000x128xf32, #tpu.memory_space<vmem>>) attributes {dimension_semantics = [#tpu.dimension_semantics<arbitrary>], iteration_bounds = array<i64: 5>, scalar_prefetch = 0 : i64, scratch_operands = 0 : i64, tpu.core_type = #tpu.core_type<tc>, window_params = [{transform_indices = @transform_0, window_bounds = array<i64: 2000, 128>}, {pipeline_mode = #tpu.pipeline_mode<synchronous>, transform_indices = @transform_1, window_bounds = array<i64: 128, 128>}, {transform_indices = @transform_2, window_bounds = array<i64: 2000, 16>}, {transform_indices = @transform_3, window_bounds = array<i64: 2000, 16>}, {transform_indices = @transform_4, window_bounds = array<i64: 2000, 128>}]} {
    %get3A = arith.constant 0 : index
    %get3A_0 = arith.constant 0 : index
    %get3A_1 = vector.load %arg1[%get3A, %get3A_0] : memref<2000x128xf32, #tpu.memory_space<vmem>>, vector<2000x128xf32>
    %get3A_2 = arith.constant 0 : index
    %get3A_3 = arith.constant 0 : index
    %get3A_4 = vector.load %arg2[%get3A_2, %get3A_3] : memref<128x128xf32, #tpu.memory_space<vmem>>, vector<128x128xf32>
    %dot_general3A = arith.constant dense<0.000000e+00> : vector<2000x128xf32>
    %dot_general3A_5 = tpu.matmul %get3A_1, %get3A_4, %dot_general3A {dimension_numbers = #tpu.dot_dimension_numbers<[1], [0], [0], [1], [0, 0, 1, 1], [], []>, transpose_lhs_hint = false} : vector<2000x128xf32>, vector<128x128xf32>, vector<2000x128xf32> -> vector<2000x128xf32>
    %get3A_6 = arith.constant 0 : index
    %get3A_7 = arith.constant 0 : index
    %get3A_8 = vector.load %arg3[%get3A_6, %get3A_7] : memref<2000x16xf32, #tpu.memory_space<vmem>>, vector<2000x1xf32>
    %get3A_9 = arith.constant 0 : index
    %get3A_10 = arith.constant 0 : index
    %get3A_11 = vector.load %arg4[%get3A_9, %get3A_10] : memref<2000x16xf32, #tpu.memory_space<vmem>>, vector<2000x1xf32>
    %add3A = arith.addf %get3A_8, %get3A_11 : vector<2000x1xf32>
    %add3A_12 = arith.constant 1.000000e+00 : f32
    %add3A_13 = vector.broadcast %add3A_12 : f32 to vector<2000x1xf32>
    %add3A_14 = arith.addf %add3A, %add3A_13 : vector<2000x1xf32>
    %rsqrt3A = math.rsqrt %add3A_14 : vector<2000x1xf32>
    %mul3A = vector.broadcast %rsqrt3A : vector<2000x1xf32> to vector<2000x128xf32>
    %mul3A_15 = arith.mulf %dot_general3A_5, %mul3A : vector<2000x128xf32>
    %swap3A = arith.constant 0 : index
    %swap3A_16 = arith.constant 0 : index
    %swap3A_17 = vector.load %arg5[%swap3A, %swap3A_16] : memref<2000x128xf32, #tpu.memory_space<vmem>>, vector<2000x128xf32>
    tpu.vector_store %arg5[%swap3A, %swap3A_16], %mul3A_15 {strides = array<i32>} : memref<2000x128xf32, #tpu.memory_space<vmem>>, vector<2000x128xf32>,
    return
  }
  func.func @transform_0(%arg0: i32) -> (i32, i32) {
    %c0_i32 = arith.constant 0 : i32
    %c0_i32_0 = arith.constant 0 : i32
    return %arg0, %c0_i32 : i32, i32
  }
  func.func @transform_1(%arg0: i32) -> (i32, i32) {
    %c0_i32 = arith.constant 0 : i32
    %c0_i32_0 = arith.constant 0 : i32
    %c0_i32_1 = arith.constant 0 : i32
    return %c0_i32, %c0_i32_0 : i32, i32
  }
  func.func @transform_2(%arg0: i32) -> (i32, i32) {
    %c0_i32 = arith.constant 0 : i32
    %c0_i32_0 = arith.constant 0 : i32
    return %arg0, %c0_i32 : i32, i32
  }
  func.func @transform_3(%arg0: i32) -> (i32, i32) {
    %c0_i32 = arith.constant 0 : i32
    %c0_i32_0 = arith.constant 0 : i32
    return %arg0, %c0_i32 : i32, i32
  }
  func.func @transform_4(%arg0: i32) -> (i32, i32) {
    %c0_i32 = arith.constant 0 : i32
    %c0_i32_0 = arith.constant 0 : i32
    return %arg0, %c0_i32 : i32, i32
  }
}

module attributes {stable_mosaic.version = 14 : i64} {
  func.func @_tc_mid_body(%arg0: i32, %arg1: memref<2000x128xf32, #tpu.memory_space<vmem>>, %arg2: memref<2000x128xf32, #tpu.memory_space<vmem>>, %arg3: memref<2000x128xf32, #tpu.memory_space<vmem>>, %arg4: memref<2000x16xf32, #tpu.memory_space<vmem>>, %arg5: memref<2000x16xf32, #tpu.memory_space<vmem>>, %arg6: memref<1x128xf32, #tpu.memory_space<vmem>>, %arg7: memref<128x128xf32, #tpu.memory_space<vmem>>, %arg8: memref<2000x128xf32, #tpu.memory_space<vmem>>) attributes {dimension_semantics = [#tpu.dimension_semantics<arbitrary>], iteration_bounds = array<i64: 5>, scalar_prefetch = 0 : i64, scratch_operands = 0 : i64, tpu.core_type = #tpu.core_type<tc>, window_params = [{transform_indices = @transform_0, window_bounds = array<i64: 2000, 128>}, {transform_indices = @transform_1, window_bounds = array<i64: 2000, 128>}, {transform_indices = @transform_2, window_bounds = array<i64: 2000, 128>}, {transform_indices = @transform_3, window_bounds = array<i64: 2000, 16>}, {transform_indices = @transform_4, window_bounds = array<i64: 2000, 16>}, {pipeline_mode = #tpu.pipeline_mode<synchronous>, transform_indices = @transform_5, window_bounds = array<i64: 1, 128>}, {pipeline_mode = #tpu.pipeline_mode<synchronous>, transform_indices = @transform_6, window_bounds = array<i64: 128, 128>}, {transform_indices = @transform_7, window_bounds = array<i64: 2000, 128>}]} {
    %get3A = arith.constant 0 : index
    %get3A_0 = arith.constant 0 : index
    %get3A_1 = vector.load %arg4[%get3A, %get3A_0] : memref<2000x16xf32, #tpu.memory_space<vmem>>, vector<2000x1xf32>
    %get3A_2 = arith.constant 0 : index
    %get3A_3 = arith.constant 0 : index
    %get3A_4 = vector.load %arg5[%get3A_2, %get3A_3] : memref<2000x16xf32, #tpu.memory_space<vmem>>, vector<2000x1xf32>
    %add3A = arith.addf %get3A_1, %get3A_4 : vector<2000x1xf32>
    %add3A_5 = arith.constant 1.000000e+00 : f32
    %add3A_6 = vector.broadcast %add3A_5 : f32 to vector<2000x1xf32>
    %add3A_7 = arith.addf %add3A, %add3A_6 : vector<2000x1xf32>
    %rsqrt3A = math.rsqrt %add3A_7 : vector<2000x1xf32>
    %get3A_8 = arith.constant 0 : index
    %get3A_9 = arith.constant 0 : index
    %get3A_10 = vector.load %arg1[%get3A_8, %get3A_9] : memref<2000x128xf32, #tpu.memory_space<vmem>>, vector<2000x128xf32>
    %get3A_11 = arith.constant 0 : index
    %get3A_12 = arith.constant 0 : index
    %get3A_13 = vector.load %arg2[%get3A_11, %get3A_12] : memref<2000x128xf32, #tpu.memory_space<vmem>>, vector<2000x128xf32>
    %add3A_14 = arith.addf %get3A_10, %get3A_13 : vector<2000x128xf32>
    %get3A_15 = arith.constant 0 : index
    %get3A_16 = arith.constant 0 : index
    %get3A_17 = vector.load %arg3[%get3A_15, %get3A_16] : memref<2000x128xf32, #tpu.memory_space<vmem>>, vector<2000x128xf32>
    %add3A_18 = arith.addf %add3A_14, %get3A_17 : vector<2000x128xf32>
    %mul3A = vector.broadcast %rsqrt3A : vector<2000x1xf32> to vector<2000x128xf32>
    %mul3A_19 = arith.mulf %add3A_18, %mul3A : vector<2000x128xf32>
    %get3A_20 = arith.constant 0 : index
    %get3A_21 = arith.constant 0 : index
    %get3A_22 = vector.load %arg6[%get3A_20, %get3A_21] : memref<1x128xf32, #tpu.memory_space<vmem>>, vector<1x128xf32>
    %add3A_23 = vector.broadcast %get3A_22 : vector<1x128xf32> to vector<2000x128xf32>
    %add3A_24 = arith.addf %mul3A_19, %add3A_23 : vector<2000x128xf32>
    %max3A = arith.constant 0.000000e+00 : f32
    %max3A_25 = vector.broadcast %max3A : f32 to vector<2000x128xf32>
    %max3A_26 = arith.maximumf %add3A_24, %max3A_25 : vector<2000x128xf32>
    %get3A_27 = arith.constant 0 : index
    %get3A_28 = arith.constant 0 : index
    %get3A_29 = vector.load %arg7[%get3A_27, %get3A_28] : memref<128x128xf32, #tpu.memory_space<vmem>>, vector<128x128xf32>
    %dot_general3A = arith.constant dense<0.000000e+00> : vector<2000x128xf32>
    %dot_general3A_30 = tpu.matmul %max3A_26, %get3A_29, %dot_general3A {dimension_numbers = #tpu.dot_dimension_numbers<[1], [0], [0], [1], [0, 0, 1, 1], [], []>, transpose_lhs_hint = false} : vector<2000x128xf32>, vector<128x128xf32>, vector<2000x128xf32> -> vector<2000x128xf32>
    %mul3A_31 = vector.broadcast %rsqrt3A : vector<2000x1xf32> to vector<2000x128xf32>
    %mul3A_32 = arith.mulf %dot_general3A_30, %mul3A_31 : vector<2000x128xf32>
    %swap3A = arith.constant 0 : index
    %swap3A_33 = arith.constant 0 : index
    %swap3A_34 = vector.load %arg8[%swap3A, %swap3A_33] : memref<2000x128xf32, #tpu.memory_space<vmem>>, vector<2000x128xf32>
    tpu.vector_store %arg8[%swap3A, %swap3A_33], %mul3A_32 {strides = array<i32>} : memref<2000x128xf32, #tpu.memory_space<vmem>>, vector<2000x128xf32>,
    return
  }
  func.func @transform_0(%arg0: i32) -> (i32, i32) {
    %c0_i32 = arith.constant 0 : i32
    %c0_i32_0 = arith.constant 0 : i32
    return %arg0, %c0_i32 : i32, i32
  }
  func.func @transform_1(%arg0: i32) -> (i32, i32) {
    %c0_i32 = arith.constant 0 : i32
    %c0_i32_0 = arith.constant 0 : i32
    return %arg0, %c0_i32 : i32, i32
  }
  func.func @transform_2(%arg0: i32) -> (i32, i32) {
    %c0_i32 = arith.constant 0 : i32
    %c0_i32_0 = arith.constant 0 : i32
    return %arg0, %c0_i32 : i32, i32
  }
  func.func @transform_3(%arg0: i32) -> (i32, i32) {
    %c0_i32 = arith.constant 0 : i32
    %c0_i32_0 = arith.constant 0 : i32
    return %arg0, %c0_i32 : i32, i32
  }
  func.func @transform_4(%arg0: i32) -> (i32, i32) {
    %c0_i32 = arith.constant 0 : i32
    %c0_i32_0 = arith.constant 0 : i32
    return %arg0, %c0_i32 : i32, i32
  }
  func.func @transform_5(%arg0: i32) -> (i32, i32) {
    %c0_i32 = arith.constant 0 : i32
    %c0_i32_0 = arith.constant 0 : i32
    %c0_i32_1 = arith.constant 0 : i32
    return %c0_i32, %c0_i32_0 : i32, i32
  }
  func.func @transform_6(%arg0: i32) -> (i32, i32) {
    %c0_i32 = arith.constant 0 : i32
    %c0_i32_0 = arith.constant 0 : i32
    %c0_i32_1 = arith.constant 0 : i32
    return %c0_i32, %c0_i32_0 : i32, i32
  }
  func.func @transform_7(%arg0: i32) -> (i32, i32) {
    %c0_i32 = arith.constant 0 : i32
    %c0_i32_0 = arith.constant 0 : i32
    return %arg0, %c0_i32 : i32, i32
  }
}

module attributes {stable_mosaic.version = 14 : i64} {
  func.func @_tc_last_body(%arg0: i32, %arg1: memref<2000x128xf32, #tpu.memory_space<vmem>>, %arg2: memref<2000x128xf32, #tpu.memory_space<vmem>>, %arg3: memref<2000x128xf32, #tpu.memory_space<vmem>>, %arg4: memref<2000x16xf32, #tpu.memory_space<vmem>>, %arg5: memref<2000x16xf32, #tpu.memory_space<vmem>>, %arg6: memref<1x128xf32, #tpu.memory_space<vmem>>, %arg7: memref<2000x128xf32, #tpu.memory_space<vmem>>) attributes {dimension_semantics = [#tpu.dimension_semantics<arbitrary>], iteration_bounds = array<i64: 5>, scalar_prefetch = 0 : i64, scratch_operands = 0 : i64, tpu.core_type = #tpu.core_type<tc>, window_params = [{transform_indices = @transform_0, window_bounds = array<i64: 2000, 128>}, {transform_indices = @transform_1, window_bounds = array<i64: 2000, 128>}, {transform_indices = @transform_2, window_bounds = array<i64: 2000, 128>}, {transform_indices = @transform_3, window_bounds = array<i64: 2000, 16>}, {transform_indices = @transform_4, window_bounds = array<i64: 2000, 16>}, {pipeline_mode = #tpu.pipeline_mode<synchronous>, transform_indices = @transform_5, window_bounds = array<i64: 1, 128>}, {transform_indices = @transform_6, window_bounds = array<i64: 2000, 128>}]} {
    %get3A = arith.constant 0 : index
    %get3A_0 = arith.constant 0 : index
    %get3A_1 = vector.load %arg4[%get3A, %get3A_0] : memref<2000x16xf32, #tpu.memory_space<vmem>>, vector<2000x1xf32>
    %get3A_2 = arith.constant 0 : index
    %get3A_3 = arith.constant 0 : index
    %get3A_4 = vector.load %arg5[%get3A_2, %get3A_3] : memref<2000x16xf32, #tpu.memory_space<vmem>>, vector<2000x1xf32>
    %add3A = arith.addf %get3A_1, %get3A_4 : vector<2000x1xf32>
    %add3A_5 = arith.constant 1.000000e+00 : f32
    %add3A_6 = vector.broadcast %add3A_5 : f32 to vector<2000x1xf32>
    %add3A_7 = arith.addf %add3A, %add3A_6 : vector<2000x1xf32>
    %rsqrt3A = math.rsqrt %add3A_7 : vector<2000x1xf32>
    %get3A_8 = arith.constant 0 : index
    %get3A_9 = arith.constant 0 : index
    %get3A_10 = vector.load %arg1[%get3A_8, %get3A_9] : memref<2000x128xf32, #tpu.memory_space<vmem>>, vector<2000x128xf32>
    %get3A_11 = arith.constant 0 : index
    %get3A_12 = arith.constant 0 : index
    %get3A_13 = vector.load %arg2[%get3A_11, %get3A_12] : memref<2000x128xf32, #tpu.memory_space<vmem>>, vector<2000x128xf32>
    %add3A_14 = arith.addf %get3A_10, %get3A_13 : vector<2000x128xf32>
    %get3A_15 = arith.constant 0 : index
    %get3A_16 = arith.constant 0 : index
    %get3A_17 = vector.load %arg3[%get3A_15, %get3A_16] : memref<2000x128xf32, #tpu.memory_space<vmem>>, vector<2000x128xf32>
    %add3A_18 = arith.addf %add3A_14, %get3A_17 : vector<2000x128xf32>
    %mul3A = vector.broadcast %rsqrt3A : vector<2000x1xf32> to vector<2000x128xf32>
    %mul3A_19 = arith.mulf %add3A_18, %mul3A : vector<2000x128xf32>
    %get3A_20 = arith.constant 0 : index
    %get3A_21 = arith.constant 0 : index
    %get3A_22 = vector.load %arg6[%get3A_20, %get3A_21] : memref<1x128xf32, #tpu.memory_space<vmem>>, vector<1x128xf32>
    %add3A_23 = vector.broadcast %get3A_22 : vector<1x128xf32> to vector<2000x128xf32>
    %add3A_24 = arith.addf %mul3A_19, %add3A_23 : vector<2000x128xf32>
    %swap3A = arith.constant 0 : index
    %swap3A_25 = arith.constant 0 : index
    %swap3A_26 = vector.load %arg7[%swap3A, %swap3A_25] : memref<2000x128xf32, #tpu.memory_space<vmem>>, vector<2000x128xf32>
    tpu.vector_store %arg7[%swap3A, %swap3A_25], %add3A_24 {strides = array<i32>} : memref<2000x128xf32, #tpu.memory_space<vmem>>, vector<2000x128xf32>,
    return
  }
  func.func @transform_0(%arg0: i32) -> (i32, i32) {
    %c0_i32 = arith.constant 0 : i32
    %c0_i32_0 = arith.constant 0 : i32
    return %arg0, %c0_i32 : i32, i32
  }
  func.func @transform_1(%arg0: i32) -> (i32, i32) {
    %c0_i32 = arith.constant 0 : i32
    %c0_i32_0 = arith.constant 0 : i32
    return %arg0, %c0_i32 : i32, i32
  }
  func.func @transform_2(%arg0: i32) -> (i32, i32) {
    %c0_i32 = arith.constant 0 : i32
    %c0_i32_0 = arith.constant 0 : i32
    return %arg0, %c0_i32 : i32, i32
  }
  func.func @transform_3(%arg0: i32) -> (i32, i32) {
    %c0_i32 = arith.constant 0 : i32
    %c0_i32_0 = arith.constant 0 : i32
    return %arg0, %c0_i32 : i32, i32
  }
  func.func @transform_4(%arg0: i32) -> (i32, i32) {
    %c0_i32 = arith.constant 0 : i32
    %c0_i32_0 = arith.constant 0 : i32
    return %arg0, %c0_i32 : i32, i32
  }
  func.func @transform_5(%arg0: i32) -> (i32, i32) {
    %c0_i32 = arith.constant 0 : i32
    %c0_i32_0 = arith.constant 0 : i32
    %c0_i32_1 = arith.constant 0 : i32
    return %c0_i32, %c0_i32_0 : i32, i32
  }
  func.func @transform_6(%arg0: i32) -> (i32, i32) {
    %c0_i32 = arith.constant 0 : i32
    %c0_i32_0 = arith.constant 0 : i32
    return %arg0, %c0_i32 : i32, i32
  }
}

</mosaic_0001>

<sc_bundles>
// kernel: kernel.10.cloned.1.call-start
scs
__scs_entry_jumppad:
0x0: {  	(pc) =	sbr.rel $0x88, $3  }
0x1: {  	(tag) =	ssettag $0x0;
	lr =	simm.s32 $0x1  }
0x2: {  	[smem:$0x3F99] =	sst lr;
	_ =	strace $0xD0000000  }
0x3: {  	_ = 	snop  }
0x4: {  	_ = 	snop  }
0x5: {  	_ = 	snop  }
0x6: {  	_ = 	snop  }
0x7: {  	_ = 	snop  }
__scs_overlays_trampoline_lowered:
0x8: {  	[smem:$0x3FA8] =	sst s0  }
0x9: {  	[smem:$0x3FA9] =	sst s1  }
0xa: {  	[smem:$0x3FAA] =	sst s2  }
0xb: {  	[smem:$0x3FAB] =	sst s3  }
0xc: {  	[smem:$0x3FAC] =	sst s4  }
0xd: {  	[smem:$0x3FAD] =	sst s5  }
0xe: {  	[smem:$0x3FAE] =	sst s6  }
0xf: {  	[smem:$0x3FAF] =	sst s7  }
0x10: {  	[smem:$0x3FB0] =	sst s8  }
0x11: {  	[smem:$0x3FB1] =	sst s9;
	s0 =	simm.s32 @!p0 $0x0  }
0x12: {  	s1 =	sld [smem:$0x3F97];
	s0 =	simm.s32 @p0 $0x1  }
0x13: {  	[smem:$0x3FB2] =	sst s0;
	s0 =	simm.s32 @!p1 $0x0  }
0x14: {  	s2 =	sld [smem:$0x3F96];
	s0 =	simm.s32 @p1 $0x1  }
0x15: {  	[smem:$0x3FB3] =	sst s0;
	s0 =	simm.s32 @!p2 $0x0  }
0x16: {  	s3 =	sld [smem:$0x3FDB];
	s0 =	simm.s32 @p2 $0x1  }
0x17: {  	s4 =	simm.s32 $0x1BF5;
	[smem:$0x3FB5] =	sst s0  }
0x18: {  	s0 =	sld [smem:$0x3F98];
	_ =	swait.ge [sflag:s4], $0x0  }
0x19: {  	s7 =	sld [smem:$0x3F99]  }
0x1a: {  	s8 =	sadd.s32 $0xFFFFE003, lr  }
0x1b: {  	s9 =	sadd.s32 $0xFFFFFEF7, lr;
	s5 =	simm.s32 $0xFFFFFFFF;
	p2 =	slt.u32 s8, $0xFFFFF086  }
0x1c: {  	p1 =	slt.u32 s9, $0xF7A;
	s5 =	simm.s32 @!p2 $0x0  }
0x1d: {  	s5 =	simm.s32 @p1 $0x1;
	p0 =	seq.s32 s7, s2  }
0x1e: {  	s7 =	smul.u32 @!p0 $0xF7A, s2;
	p2 =	seq.s32 @!p0 s5, $0x0  }
0x1f: {  	s9 =	smul.u32 $0xF7A, s1;
	s8 =	simm.s32 @!p0 $0x1BF5;
	p2 =	por !p2, p0  }
0x20: {  	[sflag:s8] =	ssyncset.s32 @!p0 $0xFFFFF086;
	s6 =	sadd.s32 @!p0 s3, s7;
	s7 =	simm.s32 @!p0 $0x108  }
0x21: {  	s3 =	sadd.s32 s3, s9;
	s6 =	sadd.s32 @!p0 $0x88, s6;
	s7 =	simm.s32 @p2 $0x1082  }
0x22: {  	[simem:s7], [sflag:s8] =	dma.local @!p0 [hbm:s6], $0xF7A  }
0x23: {  	s9 =	sor.u32 $0xD0000000, s2;
	s6 =	simm.s32 $0x108;
	_ =	swait.ge @!p0 [sflag:s8], $0x0  }
0x24: {  	s3 =	sadd.s32 $0x88, s3;
	s6 =	simm.s32 @!p1 $0x1082;
	[sflag:s4] =	ssyncset.s32 $0xFFFFF086  }
0x25: {  	[simem:s6], [sflag:s4] =	dma.local [hbm:s3], $0xF7A  }
0x26: {  	[smem:$0x3F99] =	sst s1;
	(tag) =	ssettag s2;
	_ =	strace s9  }
0x27: {  	s1 =	sld [smem:$0x3FA9]  }
0x28: {  	s2 =	sld [smem:$0x3FAA]  }
0x29: {  	s4 =	sld [smem:$0x3FAC]  }
0x2a: {  	p0 =	seq.s32 s5, $0x0;
	s5 =	sld [smem:$0x3FAD]  }
0x2b: {  	s6 =	sld [smem:$0x3FAE]  }
0x2c: {  	s7 =	sld [smem:$0x3FAF]  }
0x2d: {  	s3 =	simm.s32 $0x108;
	s8 =	sld [smem:$0x3FB0]  }
0x2e: {  	s3 =	simm.s32 @!p0 $0x1082;
	s9 =	sld [smem:$0x3FB1]  }
0x2f: {  	lr =	sadd.s32 s0, s3;
	s0 =	sld [smem:$0x3FA8]  }
0x30: {  	s3 =	sld [smem:$0x3FAB]  }
0x31: {  	[smem:$0x3FB4] =	sst s10  }
0x32: {  	s10 =	sld [smem:$0x3FB2];
	_ =	sdelay $0x3  }
0x33: {  	p0 =	seq.s32 s10, $0x1;
	s10 =	sld [smem:$0x3FB4];
	_ =	sdelay $0x3  }
0x34: {  	[smem:$0x3FB4] =	sst s10  }
0x35: {  	s10 =	sld [smem:$0x3FB3];
	_ =	sdelay $0x3  }
0x36: {  	p1 =	seq.s32 s10, $0x1;
	s10 =	sld [smem:$0x3FB4];
	_ =	sdelay $0x3  }
0x37: {  	[smem:$0x3FB4] =	sst s10  }
0x38: {  	s10 =	sld [smem:$0x3FB5]  }
0x39: {  	_ = 	snop;
	(pc) =	sbr.ind lr, $3  }
0x3a: {  	_ = 	snop  }
0x3b: {  	_ = 	snop  }
0x3c: {  	p2 =	seq.s32 s10, $0x1;
	s10 =	sld [smem:$0x3FB4]  }
0x3d: {  	_ =	shalt  }
0x3e: {  	_ =	shalt  }
0x3f: {  	_ =	shalt  }
0x40: {  	_ =	shalt  }
0x41: {  	_ =	shalt  }
0x42: {  	_ =	shalt  }
0x43: {  	_ =	shalt  }
0x44: {  	_ =	shalt  }
0x45: {  	_ =	shalt  }
0x46: {  	_ =	shalt  }
0x47: {  	_ =	shalt  }
0x48: {  	_ =	shalt  }
0x49: {  	_ =	shalt  }
0x4a: {  	_ =	shalt  }
0x4b: {  	_ =	shalt  }
0x4c: {  	_ =	shalt  }
0x4d: {  	_ =	shalt  }
0x4e: {  	_ =	shalt  }
0x4f: {  	_ =	shalt  }
0x50: {  	_ =	shalt  }
0x51: {  	_ =	shalt  }
0x52: {  	_ =	shalt  }
0x53: {  	_ =	shalt  }
0x54: {  	_ =	shalt  }
0x55: {  	_ =	shalt  }
0x56: {  	_ =	shalt  }
0x57: {  	_ =	shalt  }
0x58: {  	_ =	shalt  }
0x59: {  	_ =	shalt  }
0x5a: {  	_ =	shalt  }
0x5b: {  	_ =	shalt  }
0x5c: {  	_ =	shalt  }
0x5d: {  	_ =	shalt  }
0x5e: {  	_ =	shalt  }
0x5f: {  	_ =	shalt  }
0x60: {  	_ =	shalt  }
0x61: {  	_ =	shalt  }
0x62: {  	_ =	shalt  }
0x63: {  	_ =	shalt  }
0x64: {  	_ =	shalt  }
0x65: {  	_ =	shalt  }
0x66: {  	_ =	shalt  }
0x67: {  	_ =	shalt  }
0x68: {  	_ =	shalt  }
0x69: {  	_ =	shalt  }
0x6a: {  	_ =	shalt  }
0x6b: {  	_ =	shalt  }
0x6c: {  	_ =	shalt  }
0x6d: {  	_ =	shalt  }
0x6e: {  	_ =	shalt  }
0x6f: {  	_ =	shalt  }
0x70: {  	_ =	shalt  }
0x71: {  	_ =	shalt  }
0x72: {  	_ =	shalt  }
0x73: {  	_ =	shalt  }
0x74: {  	_ =	shalt  }
0x75: {  	_ =	shalt  }
0x76: {  	_ =	shalt  }
0x77: {  	_ =	shalt  }
0x78: {  	_ =	shalt  }
0x79: {  	_ =	shalt  }
0x7a: {  	_ =	shalt  }
0x7b: {  	_ =	shalt  }
0x7c: {  	_ =	shalt  }
0x7d: {  	_ =	shalt  }
0x7e: {  	_ =	shalt  }
0x7f: {  	_ =	shalt  }
0x80: {  	_ =	shalt  }
0x81: {  	_ =	shalt  }
0x82: {  	_ =	shalt  }
0x83: {  	_ =	shalt  }
0x84: {  	_ =	shalt  }
0x85: {  	_ =	shalt  }
0x86: {  	_ =	shalt  }
0x87: {  	_ =	shalt  }
.Lfunc_end0:
.L_simem_size_0:
called_computation_lowered:
.L_overlay_start_0:
0x88: {  	s2 =	sld [smem:$0x3FD9]  }
0x89: {  	s3 =	sld [smem:$0x3FFE];
	_ =	sdelay $0x1  }
0x8a: {  	s1 =	srdreg.scid  }
0x8b: {  	s0 =	sand.u32 $0x1, s1  }
0x8c: {  	s17 =	sshll.u32 s0, $0xA;
	s2 =	sadd.s32 s3, s2  }
0x8d: {  	s2 =	sadd.s32 s2, s17  }
0x8e: {  	[smem:$0x3FC0] =	sst s2  }
0x8f: {  	_ = 	snop  }
0x90: {  	s2 =	sld [smem:$0x3FD0];
	(tm) =	ssettm $0x1  }
0x91: {  	s18 =	sld [smem:$0x3FFB];
	_ =	sdelay $0x3  }
0x92: {  	_ =	strace s18  }
0x93: {  	s3 =	sld [smem:$0x3FFC];
	_ =	sdelay $0x3  }
0x94: {  	_ =	strace s3  }
0x95: {  	s3 =	sld [smem:$0x3FFD];
	_ =	sdelay $0x3  }
0x96: {  	_ =	strace s3  }
0x97: {  	_ =	strace $0x8FFFFFFF  }
0x98: {  	s19 =	sld [smem:$0x3FDB];
	_ =	sdelay $0x1  }
0x99: {  	s4 =	simm.s32 $_scs_section_size  }
0x9a: {  	s5 =	simm.s32 $_size__tile_overlayer_lowered;
	s6 =	simm.s32 $_tile_overlayer_lowered  }
0x9b: {  	s22 =	simm.s32 $0x1BFF;
	s21 =	sshll.u32 s6, $0x1;
	s3 =	sadd.s32 s4, s19  }
0x9c: {  	s7 =	simm.s32 $0x0;
	s20 =	sshll.u32 s5, $0x1;
	s5 =	sadd.s32 s21, s3  }
0x9d: {  	[timem:s7], [sflag:s22] =	dma.local [hbm:s5], s20  }
0x9e: {  	_ =	swait.ge [sflag:s22], s20  }
0x9f: {  	s4 =	ssub.s32 $0x0, s20;
	[sflag:s22] =	ssyncset.done $0x0  }
0xa0: {  	[sflag:s22] =	ssyncadd.s32 s4;
	_ =	sdelay $0x1  }
0xa1: {  	s23 =	simm.s32 $0x1B8B  }
0xa2: {  	_ =	swait.ge [sflag:s23], $0x1  }
0xa3: {  	[sflag:s23] =	ssyncset.done $0x0  }
0xa4: {  	s25 =	simm.s32 $0x1B8E;
	s24 =	sld [smem:$0x3FFE];
	[sflag:s23] =	ssyncadd.s32 $0xFFFFFFFF  }
0xa5: {  	s26 =	simm.s32 $execute0_lowered;
	[smem:$0x3FD2] =	sst s25  }
0xa6: {  	s5 =	sshll.u32 s26, $0x1;
	_ =	strace $0x80000046;
	[dreg:$0x1] =	wrdreg $0xFFFFFFFF  }
0xa7: {  	s28 =	simm.s32 $_size_execute0_lowered;
	s3 =	sadd.s32 s3, s5;
	[dreg:$0x0] =	wrdreg $0x0  }
0xa8: {  	s5 =	sshll.u32 s28, $0x1;
	[dreg:$0x2] =	wrdreg s3  }
0xa9: {  	[dreg:$0x3] =	wrdreg s5  }
0xaa: {  	[dreg:$0x4] =	wrdreg $0xC0  }
0xab: {  	_ =	task [dreg:s7], $0x5FFFF  }
0xac: {  	[dreg:$0x1] =	wrdreg $0xFFFFFFFF  }
0xad: {  	[dreg:$0x0] =	wrdreg $0x60  }
0xae: {  	[dreg:$0x2] =	wrdreg s2  }
0xaf: {  	[dreg:$0x3] =	wrdreg s24  }
0xb0: {  	[dreg:$0x4] =	wrdreg $0x68000  }
0xb1: {  	[dreg:$0x5] =	wrdreg $0x9  }
0xb2: {  	_ =	task.clear_ibuf [dreg:s7], $0x6FFFF;
	_ =	strace $0x90000046  }
0xb3: {  	s29 =	simm.s32 $0x9;
	_ =	strace $0x80000048  }
0xb4: {  	_ =	swait.ge [sflag:s29], $0x1  }
0xb5: {  	[sflag:s29] =	ssyncadd.s32 $0xFFFFFFFF  }
0xb6: {  	_ =	strace $0x90000048  }
0xb7: {  	_ =	sfence  }
0xb8: {  	s30 =	sld [smem:$0x0];
	_ =	sdelay $0x2  }
0xb9: {  	s31 =	sshll.u32 s1, $0xD;
	s1 =	sshrl.u32 s1, $0x2  }
0xba: {  	s3 =	sand.u32 $0x4000, s31;
	s1 =	sadd.s32 s1, s30  }
0xbb: {  	s0 =	sor.u32 s3, s0;
	s1 =	sshll.u32 s1, $0x11  }
0xbc: {  	s0 =	sor.u32 s1, s0  }
0xbd: {  	s0 =	sadd.s32 $0x8F2B, s0  }
0xbe: {  	[sflag:s0] =	ssyncadd.remote.s32 $0x1  }
0xbf: {  	_ =	sfence.sel $0xFFFF  }
0xc0: {  	[dreg:$0x0] =	wrdreg $0xFFFFFFFF;
	(pc) =	sbr.abs _section_cstart, $3  }
0xc1: {  	[dreg:$0x1] =	wrdreg $0xFFFFFFFF  }
0xc2: {  	_ =	task.clear_ibuf [dreg:s7], $0x2FFFF;
	_ =	strace $0x9FFFFFFF  }
0xc3: {  	(tm) =	ssettm $0x7FFFFFFF  }
tec
execute0_lowered:
.L_overlay_start_1:
0x0: {  	(tag) =	ssettag $0x1  }
0x1: {  	s6 =	rddreg [dreg:$0x0]  }
0x2: {  	s7 =	rddreg [dreg:$0x1]  }
0x3: {  	s2 =	rddreg [dreg:$0x2]  }
0x4: {  	s0 =	rddreg [dreg:$0x3];
	s4 =	srdreg.scid  }
0x5: {  	s3 =	simm.s32 $0x0;
	s1 =	stileid.u32;
	s16 =	simm.s32 $0x0  }
0x6: {  	s8 =	sand.u32 $0x1, s4;
	[smem:$0x7FF] =	sst s3;
	s10 =	smul.u32 $0x3E800, s1  }
0x7: {  	s28 =	sshll.u32 s1, $0x1;
	s4 =	sadd.s32 $0x4800, s7;
	s29 =	smul.u32 $0x7D000, s1  }
0x8: {  	s5 =	sadd.s32 $0x5000, s7;
	s13 =	smul.u32 $0xFA000, s1;
	p0 =	sgt.u32 s1, $0x9  }
0x9: {  	p1 =	sgt.u32 s1, $0x4;
	s9 =	smul.u32 $0x138800, s8;
	_ =	strace $0x80000047  }
0xa: {  	s11 =	sor.u32 s8, s28;
	s8 =	ssub.s32 $0x2, s8;
	s14 =	sshll.u32 @!p1 s1, $0x6  }
0xb: {  	s11 =	smul.u32 $0x500, s11;
	s12 =	sshrl.u32 s8, $0x1;
	s30 =	sshrl.u32 s29, $0x2  }
0xc: {  	s31 =	sshrl.u32 s13, $0x2;
	s13 =	simm.s32 $0x80;
	s14 =	sor.u32 @!p1 $0x1C01, s14  }
0xd: {  	s9 =	sadd.s32 s10, s9;
	s8 =	ssub.s32 s8, s12;
	s12 =	sadd.s32 s30, s2  }
0xe: {  	s15 =	sadd.s32 s31, s2;
	s10 =	simm.s32 $0x2800;
	s9 =	sshrl.u32 s9, $0x3  }
0xf: {  	s6 =	sadd.s32 s6, s11;
	s8 =	smax.u32 s8, $0x1;
	s11 =	sshll.u32 @!p0 s1, $0x6  }
0x10: {  	s12 =	sshrl.u32 @!p0 s12, $0x3;
	s15 =	sshrl.u32 @!p1 s15, $0x3;
	s7 =	sadd.s32 s9, s7  }
0x11: {  	s9 =	simm.s32 $0x1;
	s11 =	sor.u32 @!p0 $0x1C01, s11;
	s7 =	sadd.s32 $0x9000, s7  }
.LBB2_1:
0x12: {  	[tilespmem:s3], [sflag:$0x1] =	stream.linear.gather [hbm4b:s6+s3], $0x2800, $0x38;
	[tilespmem:$0x1A100] =	vst v63  }
0x13: {  	_ =	swait.ge [sflag:s9], $0x2800  }
0x14: {  	[sflag:s9] =	ssyncset.done $0x0  }
0x15: {  	[sflag:s9] =	ssyncadd.s32 $0xFFFFD800  }
0x16: {  	[tilespmem:s10], [sflag:$0x1] =	stream.linear.gather [hbm4b:s4+s3], $0x4000, $0x38;
	[tilespmem:$0x1A100] =	vst v63  }
0x17: {  	_ =	swait.ge [sflag:s9], $0x4000  }
0x18: {  	[sflag:s9] =	ssyncset.done $0x0  }
0x19: {  	s17 =	simm.s32 @!p0 $0x1;
	[sflag:s9] =	ssyncadd.s32 $0xFFFFC000  }
0x1a: {  	[spmem:s12], [sflag:s11] =	dma.local @!p0 [hbm:s5], $0x3E80  }
0x1b: {  	_ =	swait.ge @!p0 [sflag:s17], $0x3E80  }
0x1c: {  	[sflag:s17] =	ssyncset.done @!p0 $0x0  }
0x1d: {  	[sflag:s17] =	ssyncadd.s32 @!p0 $0xFFFFC180  }
0x1e: {  	s31 =	simm.s32 $0x0;
	[bflag:$0x0] =	sbarrier.arrive $0xFFFF  }
0x1f: {  	[spmem:s2] =	stream.indirect.scatter.add.f32 [tilespmem:s10], [sflag:$0x1], $0x80, s31, s13, $0xb8;
	[tilespmem:$0x1A100] =	vst v63  }
0x20: {  	_ =	swait.ge [sflag:s9], $0x4000  }
0x21: {  	s17 =	simm.s32 $0x200;
	[sflag:s9] =	ssyncset.done $0x0  }
.LBB2_2:
0x22: {  	s18 =	sshra.s32 s17, $0x2;
	[sflag:s9] =	ssyncadd.s32 $0xFFFFC000;
	p2 =	sne.s32 s17, $0x9E00  }
0x23: {  	[spmem:s2] =	stream.indirect.scatter.add.f32 [tilespmem:s10], [sflag:$0x1], $0x80, s18, s13, $0xb8;
	[tilespmem:$0x1A100] =	vst v63  }
.Ltmp0:
0x24: {  	_ = 	snop;
	(pc) =	sbr.rel @p2 .LBB2_2-.Ltmp0, $4  }
0x25: {  	_ = 	snop  }
0x26: {  	s17 =	sadd.s32 $0x200, s17  }
0x27: {  	_ =	swait.ge [sflag:s9], $0x4000  }
0x28: {  	[sflag:s9] =	ssyncset.done $0x0  }
0x29: {  	s16 =	sadd.s32 $0x1, s16  }
0x2a: {  	[sflag:s9] =	ssyncadd.s32 $0xFFFFC000;
	p2 =	sne.s32 s16, s8  }
.Ltmp1:
0x2b: {  	s17 =	simm.s32 @!p1 $0x1;
	[bflag:$0x0] =	sbarrier.arrive $0xFFFF;
	(pc) =	sbr.rel @p2 .LBB2_1-.Ltmp1, $4  }
0x2c: {  	[hbm:s7], [sflag:s14] =	dma.local @!p1 [spmem:s15], $0x7D00  }
0x2d: {  	_ =	swait.ge @!p1 [sflag:s17], $0x7D00  }
0x2e: {  	[sflag:s17] =	ssyncset.done @!p1 $0x0  }
0x2f: {  	[sflag:s17] =	ssyncadd.s32 @!p1 $0xFFFF8300  }
0x30: {  	_ =	sfence.sel $0x180000  }
0x31: {  	[bflag:$0x0] =	sbarrier.arrive $0xFFFF  }
0x32: {  	p0 =	sne.s32 s1, $0x0;
	_ =	strace $0x90000047  }
0x33: {  	s0 =	sadd.s32 @!p0 $0x100000, s0;
	[bflag:$0x2] =	sbarrier.arrive $0xFFFF  }
0x34: {  	[sflag:s0] =	ssyncadd.tile.s32 @!p0 $0x1;
	_ =	shalt  }
.Lfunc_end2:
_tile_overlayer_lowered:
.L_overlay_start_2:
0x35: {  	(tag) =	ssettag $0x2  }
0x36: {  	s0 =	rddreg [dreg:$0x0];
	s2 =	stileid.u32  }
0x37: {  	s1 =	rddreg [dreg:$0x1];
	p0 =	sne.s32 s2, $0x0  }
0x38: {  	s3 =	rddreg [dreg:$0x2];
	[bflag:$0x3] =	sbarrier.arrive $0xFFFF;
	s2 =	simm.s32 @!p0 $0x1C01  }
0x39: {  	[timem:s3], [sflag:s2] =	dma.local @!p0 [hbm:s0], s1  }
0x3a: {  	s0 =	simm.s32 @!p0 $0x1  }
0x3b: {  	_ =	swait.ge @!p0 [sflag:s0], s1  }
0x3c: {  	s1 =	ssub.s32 @!p0 $0x0, s1;
	[sflag:s0] =	ssyncset.done @!p0 $0x0  }
0x3d: {  	[sflag:s0] =	ssyncadd.s32 @!p0 s1  }
0x3e: {  	[bflag:$0x3] =	sbarrier.arrive $0xFFFF  }
0x3f: {  	_ =	shalt  }

// kernel: kernel.13.cloned.1.call-start
scs
__scs_entry_jumppad:
0x0: {  	(pc) =	sbr.rel $0x88, $3  }
0x1: {  	(tag) =	ssettag $0x0;
	lr =	simm.s32 $0x1  }
0x2: {  	[smem:$0x3F99] =	sst lr;
	_ =	strace $0xD0000000  }
0x3: {  	_ = 	snop  }
0x4: {  	_ = 	snop  }
0x5: {  	_ = 	snop  }
0x6: {  	_ = 	snop  }
0x7: {  	_ = 	snop  }
__scs_overlays_trampoline_lowered:
0x8: {  	[smem:$0x3FA8] =	sst s0  }
0x9: {  	[smem:$0x3FA9] =	sst s1  }
0xa: {  	[smem:$0x3FAA] =	sst s2  }
0xb: {  	[smem:$0x3FAB] =	sst s3  }
0xc: {  	[smem:$0x3FAC] =	sst s4  }
0xd: {  	[smem:$0x3FAD] =	sst s5  }
0xe: {  	[smem:$0x3FAE] =	sst s6  }
0xf: {  	[smem:$0x3FAF] =	sst s7  }
0x10: {  	[smem:$0x3FB0] =	sst s8  }
0x11: {  	[smem:$0x3FB1] =	sst s9;
	s0 =	simm.s32 @!p0 $0x0  }
0x12: {  	s1 =	sld [smem:$0x3F97];
	s0 =	simm.s32 @p0 $0x1  }
0x13: {  	[smem:$0x3FB2] =	sst s0;
	s0 =	simm.s32 @!p1 $0x0  }
0x14: {  	s2 =	sld [smem:$0x3F96];
	s0 =	simm.s32 @p1 $0x1  }
0x15: {  	[smem:$0x3FB3] =	sst s0;
	s0 =	simm.s32 @!p2 $0x0  }
0x16: {  	s3 =	sld [smem:$0x3FDB];
	s0 =	simm.s32 @p2 $0x1  }
0x17: {  	s4 =	simm.s32 $0x1BF5;
	[smem:$0x3FB5] =	sst s0  }
0x18: {  	s0 =	sld [smem:$0x3F98];
	_ =	swait.ge [sflag:s4], $0x0  }
0x19: {  	s7 =	sld [smem:$0x3F99]  }
0x1a: {  	s8 =	sadd.s32 $0xFFFFE003, lr  }
0x1b: {  	s9 =	sadd.s32 $0xFFFFFEF7, lr;
	s5 =	simm.s32 $0xFFFFFFFF;
	p2 =	slt.u32 s8, $0xFFFFF086  }
0x1c: {  	p1 =	slt.u32 s9, $0xF7A;
	s5 =	simm.s32 @!p2 $0x0  }
0x1d: {  	s5 =	simm.s32 @p1 $0x1;
	p0 =	seq.s32 s7, s2  }
0x1e: {  	s7 =	smul.u32 @!p0 $0xF7A, s2;
	p2 =	seq.s32 @!p0 s5, $0x0  }
0x1f: {  	s9 =	smul.u32 $0xF7A, s1;
	s8 =	simm.s32 @!p0 $0x1BF5;
	p2 =	por !p2, p0  }
0x20: {  	[sflag:s8] =	ssyncset.s32 @!p0 $0xFFFFF086;
	s6 =	sadd.s32 @!p0 s3, s7;
	s7 =	simm.s32 @!p0 $0x108  }
0x21: {  	s3 =	sadd.s32 s3, s9;
	s6 =	sadd.s32 @!p0 $0x88, s6;
	s7 =	simm.s32 @p2 $0x1082  }
0x22: {  	[simem:s7], [sflag:s8] =	dma.local @!p0 [hbm:s6], $0xF7A  }
0x23: {  	s9 =	sor.u32 $0xD0000000, s2;
	s6 =	simm.s32 $0x108;
	_ =	swait.ge @!p0 [sflag:s8], $0x0  }
0x24: {  	s3 =	sadd.s32 $0x88, s3;
	s6 =	simm.s32 @!p1 $0x1082;
	[sflag:s4] =	ssyncset.s32 $0xFFFFF086  }
0x25: {  	[simem:s6], [sflag:s4] =	dma.local [hbm:s3], $0xF7A  }
0x26: {  	[smem:$0x3F99] =	sst s1;
	(tag) =	ssettag s2;
	_ =	strace s9  }
0x27: {  	s1 =	sld [smem:$0x3FA9]  }
0x28: {  	s2 =	sld [smem:$0x3FAA]  }
0x29: {  	s4 =	sld [smem:$0x3FAC]  }
0x2a: {  	p0 =	seq.s32 s5, $0x0;
	s5 =	sld [smem:$0x3FAD]  }
0x2b: {  	s6 =	sld [smem:$0x3FAE]  }
0x2c: {  	s7 =	sld [smem:$0x3FAF]  }
0x2d: {  	s3 =	simm.s32 $0x108;
	s8 =	sld [smem:$0x3FB0]  }
0x2e: {  	s3 =	simm.s32 @!p0 $0x1082;
	s9 =	sld [smem:$0x3FB1]  }
0x2f: {  	lr =	sadd.s32 s0, s3;
	s0 =	sld [smem:$0x3FA8]  }
0x30: {  	s3 =	sld [smem:$0x3FAB]  }
0x31: {  	[smem:$0x3FB4] =	sst s10  }
0x32: {  	s10 =	sld [smem:$0x3FB2];
	_ =	sdelay $0x3  }
0x33: {  	p0 =	seq.s32 s10, $0x1;
	s10 =	sld [smem:$0x3FB4];
	_ =	sdelay $0x3  }
0x34: {  	[smem:$0x3FB4] =	sst s10  }
0x35: {  	s10 =	sld [smem:$0x3FB3];
	_ =	sdelay $0x3  }
0x36: {  	p1 =	seq.s32 s10, $0x1;
	s10 =	sld [smem:$0x3FB4];
	_ =	sdelay $0x3  }
0x37: {  	[smem:$0x3FB4] =	sst s10  }
0x38: {  	s10 =	sld [smem:$0x3FB5]  }
0x39: {  	_ = 	snop;
	(pc) =	sbr.ind lr, $3  }
0x3a: {  	_ = 	snop  }
0x3b: {  	_ = 	snop  }
0x3c: {  	p2 =	seq.s32 s10, $0x1;
	s10 =	sld [smem:$0x3FB4]  }
0x3d: {  	_ =	shalt  }
0x3e: {  	_ =	shalt  }
0x3f: {  	_ =	shalt  }
0x40: {  	_ =	shalt  }
0x41: {  	_ =	shalt  }
0x42: {  	_ =	shalt  }
0x43: {  	_ =	shalt  }
0x44: {  	_ =	shalt  }
0x45: {  	_ =	shalt  }
0x46: {  	_ =	shalt  }
0x47: {  	_ =	shalt  }
0x48: {  	_ =	shalt  }
0x49: {  	_ =	shalt  }
0x4a: {  	_ =	shalt  }
0x4b: {  	_ =	shalt  }
0x4c: {  	_ =	shalt  }
0x4d: {  	_ =	shalt  }
0x4e: {  	_ =	shalt  }
0x4f: {  	_ =	shalt  }
0x50: {  	_ =	shalt  }
0x51: {  	_ =	shalt  }
0x52: {  	_ =	shalt  }
0x53: {  	_ =	shalt  }
0x54: {  	_ =	shalt  }
0x55: {  	_ =	shalt  }
0x56: {  	_ =	shalt  }
0x57: {  	_ =	shalt  }
0x58: {  	_ =	shalt  }
0x59: {  	_ =	shalt  }
0x5a: {  	_ =	shalt  }
0x5b: {  	_ =	shalt  }
0x5c: {  	_ =	shalt  }
0x5d: {  	_ =	shalt  }
0x5e: {  	_ =	shalt  }
0x5f: {  	_ =	shalt  }
0x60: {  	_ =	shalt  }
0x61: {  	_ =	shalt  }
0x62: {  	_ =	shalt  }
0x63: {  	_ =	shalt  }
0x64: {  	_ =	shalt  }
0x65: {  	_ =	shalt  }
0x66: {  	_ =	shalt  }
0x67: {  	_ =	shalt  }
0x68: {  	_ =	shalt  }
0x69: {  	_ =	shalt  }
0x6a: {  	_ =	shalt  }
0x6b: {  	_ =	shalt  }
0x6c: {  	_ =	shalt  }
0x6d: {  	_ =	shalt  }
0x6e: {  	_ =	shalt  }
0x6f: {  	_ =	shalt  }
0x70: {  	_ =	shalt  }
0x71: {  	_ =	shalt  }
0x72: {  	_ =	shalt  }
0x73: {  	_ =	shalt  }
0x74: {  	_ =	shalt  }
0x75: {  	_ =	shalt  }
0x76: {  	_ =	shalt  }
0x77: {  	_ =	shalt  }
0x78: {  	_ =	shalt  }
0x79: {  	_ =	shalt  }
0x7a: {  	_ =	shalt  }
0x7b: {  	_ =	shalt  }
0x7c: {  	_ =	shalt  }
0x7d: {  	_ =	shalt  }
0x7e: {  	_ =	shalt  }
0x7f: {  	_ =	shalt  }
0x80: {  	_ =	shalt  }
0x81: {  	_ =	shalt  }
0x82: {  	_ =	shalt  }
0x83: {  	_ =	shalt  }
0x84: {  	_ =	shalt  }
0x85: {  	_ =	shalt  }
0x86: {  	_ =	shalt  }
0x87: {  	_ =	shalt  }
.Lfunc_end0:
.L_simem_size_0:
called_computation.1_lowered:
.L_overlay_start_0:
0x88: {  	s2 =	sld [smem:$0x3FD9]  }
0x89: {  	s3 =	sld [smem:$0x3FFE];
	_ =	sdelay $0x1  }
0x8a: {  	s1 =	srdreg.scid  }
0x8b: {  	s0 =	sand.u32 $0x1, s1  }
0x8c: {  	s17 =	sshll.u32 s0, $0xA;
	s2 =	sadd.s32 s3, s2  }
0x8d: {  	s2 =	sadd.s32 s2, s17  }
0x8e: {  	[smem:$0x3FC0] =	sst s2  }
0x8f: {  	_ = 	snop  }
0x90: {  	s2 =	sld [smem:$0x3FD0];
	(tm) =	ssettm $0x1  }
0x91: {  	s18 =	sld [smem:$0x3FFB];
	_ =	sdelay $0x3  }
0x92: {  	_ =	strace s18  }
0x93: {  	s3 =	sld [smem:$0x3FFC];
	_ =	sdelay $0x3  }
0x94: {  	_ =	strace s3  }
0x95: {  	s3 =	sld [smem:$0x3FFD];
	_ =	sdelay $0x3  }
0x96: {  	_ =	strace s3  }
0x97: {  	_ =	strace $0x8FFFFFFF  }
0x98: {  	s19 =	sld [smem:$0x3FDB];
	_ =	sdelay $0x1  }
0x99: {  	s4 =	simm.s32 $_scs_section_size  }
0x9a: {  	s5 =	simm.s32 $_size__tile_overlayer_lowered;
	s6 =	simm.s32 $_tile_overlayer_lowered  }
0x9b: {  	s22 =	simm.s32 $0x1BFF;
	s21 =	sshll.u32 s6, $0x1;
	s3 =	sadd.s32 s4, s19  }
0x9c: {  	s7 =	simm.s32 $0x0;
	s20 =	sshll.u32 s5, $0x1;
	s5 =	sadd.s32 s21, s3  }
0x9d: {  	[timem:s7], [sflag:s22] =	dma.local [hbm:s5], s20  }
0x9e: {  	_ =	swait.ge [sflag:s22], s20  }
0x9f: {  	s4 =	ssub.s32 $0x0, s20;
	[sflag:s22] =	ssyncset.done $0x0  }
0xa0: {  	[sflag:s22] =	ssyncadd.s32 s4;
	_ =	sdelay $0x1  }
0xa1: {  	s23 =	simm.s32 $0x1B8B  }
0xa2: {  	_ =	swait.ge [sflag:s23], $0x1  }
0xa3: {  	[sflag:s23] =	ssyncset.done $0x0  }
0xa4: {  	s25 =	simm.s32 $0x1B8E;
	s24 =	sld [smem:$0x3FFE];
	[sflag:s23] =	ssyncadd.s32 $0xFFFFFFFF  }
0xa5: {  	s26 =	simm.s32 $execute0_lowered;
	[smem:$0x3FD2] =	sst s25  }
0xa6: {  	s5 =	sshll.u32 s26, $0x1;
	_ =	strace $0x80000049;
	[dreg:$0x1] =	wrdreg $0xFFFFFFFF  }
0xa7: {  	s28 =	simm.s32 $_size_execute0_lowered;
	s3 =	sadd.s32 s3, s5;
	[dreg:$0x0] =	wrdreg $0x0  }
0xa8: {  	s5 =	sshll.u32 s28, $0x1;
	[dreg:$0x2] =	wrdreg s3  }
0xa9: {  	[dreg:$0x3] =	wrdreg s5  }
0xaa: {  	[dreg:$0x4] =	wrdreg $0xC0  }
0xab: {  	_ =	task [dreg:s7], $0x5FFFF  }
0xac: {  	[dreg:$0x1] =	wrdreg $0xFFFFFFFF  }
0xad: {  	[dreg:$0x0] =	wrdreg $0x60  }
0xae: {  	[dreg:$0x2] =	wrdreg s2  }
0xaf: {  	[dreg:$0x3] =	wrdreg s24  }
0xb0: {  	[dreg:$0x4] =	wrdreg $0xA8000  }
0xb1: {  	[dreg:$0x5] =	wrdreg $0x9  }
0xb2: {  	_ =	task.clear_ibuf [dreg:s7], $0x6FFFF;
	_ =	strace $0x90000049  }
0xb3: {  	s29 =	simm.s32 $0x9;
	_ =	strace $0x8000004B  }
0xb4: {  	_ =	swait.ge [sflag:s29], $0x1  }
0xb5: {  	[sflag:s29] =	ssyncadd.s32 $0xFFFFFFFF  }
0xb6: {  	_ =	strace $0x9000004B  }
0xb7: {  	_ =	sfence  }
0xb8: {  	s30 =	sld [smem:$0x0];
	_ =	sdelay $0x2  }
0xb9: {  	s31 =	sshll.u32 s1, $0xD;
	s1 =	sshrl.u32 s1, $0x2  }
0xba: {  	s3 =	sand.u32 $0x4000, s31;
	s1 =	sadd.s32 s1, s30  }
0xbb: {  	s0 =	sor.u32 s3, s0;
	s1 =	sshll.u32 s1, $0x11  }
0xbc: {  	s0 =	sor.u32 s1, s0  }
0xbd: {  	s0 =	sadd.s32 $0x8F2B, s0  }
0xbe: {  	[sflag:s0] =	ssyncadd.remote.s32 $0x1  }
0xbf: {  	_ =	sfence.sel $0xFFFF  }
0xc0: {  	[dreg:$0x0] =	wrdreg $0xFFFFFFFF;
	(pc) =	sbr.abs _section_cstart, $3  }
0xc1: {  	[dreg:$0x1] =	wrdreg $0xFFFFFFFF  }
0xc2: {  	_ =	task.clear_ibuf [dreg:s7], $0x2FFFF;
	_ =	strace $0x9FFFFFFF  }
0xc3: {  	(tm) =	ssettm $0x7FFFFFFF  }
tec
execute0_lowered:
.L_overlay_start_1:
0x0: {  	(tag) =	ssettag $0x1  }
0x1: {  	s0 =	rddreg [dreg:$0x0]  }
0x2: {  	s6 =	rddreg [dreg:$0x1];
	s1 =	srdreg.scid  }
0x3: {  	s3 =	rddreg [dreg:$0x2];
	s2 =	stileid.u32  }
0x4: {  	s4 =	simm.s32 $0x0;
	s16 =	simm.s32 $0x80;
	s17 =	simm.s32 $0x2800  }
0x5: {  	s18 =	simm.s32 $0x6800;
	s19 =	simm.s32 $0x1;
	s20 =	simm.s32 $0x2  }
0x6: {  	s21 =	simm.s32 $0x3;
	s22 =	simm.s32 $0x4;
	s8 =	smul.u32 $0x3E800, s2  }
0x7: {  	s23 =	simm.s32 $0x2700;
	s24 =	simm.s32 $0x2780;
	s11 =	smul.u32 $0x500, s2  }
0x8: {  	s7 =	sand.u32 $0x1, s1;
	s1 =	rddreg [dreg:$0x3];
	s26 =	smul.u32 $0x7D000, s2  }
0x9: {  	[smem:$0x7FF] =	sst s4;
	s9 =	sadd.s32 $0x61200, s6;
	s15 =	smul.u32 $0xFA000, s2  }
0xa: {  	s10 =	sadd.s32 $0x57200, s6;
	p1 =	sgt.u32 s2, $0x4;
	s5 =	smul.u32 $0x138800, s7  }
0xb: {  	_ =	strace $0x8000004A;
	s28 =	ssub.s32 $0x2, s7;
	p0 =	seq.s32 s7, $0x0  }
0xc: {  	s13 =	sadd.s32 $0x5000, s11;
	s29 =	sshrl.u32 s28, $0x1;
	s31 =	sshrl.u32 s15, $0x2  }
0xd: {  	s15 =	simm.s32 $0x1400;
	s5 =	sadd.s32 s8, s5;
	s13 =	smov.u32 @p0 s11  }
0xe: {  	s30 =	ssub.s32 s28, s29;
	p0 =	sgt.u32 s2, $0x9;
	s25 =	sadd.s32 s31, s3  }
0xf: {  	s8 =	sshrl.u32 s5, $0x3;
	s5 =	sadd.s32 $0x5000, s6;
	s7 =	sadd.s32 s10, s13  }
0x10: {  	s11 =	smax.u32 s30, $0x1;
	s12 =	sadd.s32 s8, s6;
	s6 =	sshrl.u32 s26, $0x2  }
0x11: {  	s14 =	sadd.s32 s6, s3;
	s6 =	sadd.s32 s9, s13;
	s13 =	sadd.s32 $0x280, s13  }
0x12: {  	s25 =	sshrl.u32 @!p1 s25, $0x3;
	s26 =	simm.s32 $0x0;
	s8 =	sadd.s32 s9, s13  }
0x13: {  	s9 =	sadd.s32 s10, s13;
	s10 =	sadd.s32 $0x92400, s12;
	s13 =	sshll.u32 @!p0 s2, $0x6  }
0x14: {  	s12 =	sor.u32 @!p0 $0x1C05, s13;
	s13 =	sshrl.u32 @!p0 s14, $0x3;
	s14 =	simm.s32 $0x5  }
.LBB2_1:
0x15: {  	[spmem:s13], [sflag:s12] =	dma.local @!p0 [hbm:s5], $0x3E80  }
0x16: {  	s28 =	simm.s32 @!p0 $0x5  }
0x17: {  	_ =	swait.ge @!p0 [sflag:s28], $0x3E80  }
0x18: {  	[sflag:s28] =	ssyncset.done @!p0 $0x0  }
0x19: {  	[sflag:s28] =	ssyncadd.s32 @!p0 $0xFFFFC180  }
0x1a: {  	[bflag:$0x0] =	sbarrier.arrive $0xFFFF  }
0x1b: {  	[tilespmem:s4], [sflag:$0x5] =	stream.linear.gather [hbm4b:s6+s4], $0x1400, $0x38;
	[tilespmem:$0x1E100] =	vst v63  }
0x1c: {  	_ =	swait.ge [sflag:s14], $0x1400  }
0x1d: {  	[sflag:s14] =	ssyncset.done $0x0  }
0x1e: {  	[sflag:s14] =	ssyncadd.s32 $0xFFFFEC00  }
0x1f: {  	[tilespmem:s15], [sflag:$0x5] =	stream.linear.gather [hbm4b:s7+s4], $0x1400, $0x38;
	[tilespmem:$0x1E100] =	vst v63  }
0x20: {  	_ =	swait.ge [sflag:s14], $0x1400  }
0x21: {  	[sflag:s14] =	ssyncset.done $0x0  }
0x22: {  	[sflag:s14] =	ssyncadd.s32 $0xFFFFEC00  }
0x23: {  	[tilespmem:s17], [sflag:$0x1] =	stream.indirect.gather [hbm4b:s0+s16], $0x80, s4, s16, $0xb8;
	[tilespmem:$0x1E100] =	vst v63  }
0x24: {  	_ = 	snop  }
0x25: {  	[tilespmem:s18], [sflag:$0x2] =	stream.indirect.gather [hbm4b:s0+s16], $0x80, s16, s16, $0xb8;
	[tilespmem:$0x1E100] =	vst v63  }
0x26: {  	_ =	swait.ge [sflag:s19], $0x4000  }
0x27: {  	[sflag:s19] =	ssyncset.done $0x0  }
0x28: {  	s28 =	simm.s32 $0x1400;
	[sflag:s19] =	ssyncadd.s32 $0xFFFFC000  }
0x29: {  	[spmem:s3] =	stream.indirect.scatter.add.f32 [tilespmem:s17], [sflag:$0x3], $0x80, s28, s16, $0xb8;
	[tilespmem:$0x1E100] =	vst v63  }
0x2a: {  	_ =	swait.ge [sflag:s20], $0x4000  }
0x2b: {  	[sflag:s20] =	ssyncset.done $0x0  }
0x2c: {  	s28 =	simm.s32 $0x1480;
	[sflag:s20] =	ssyncadd.s32 $0xFFFFC000  }
0x2d: {  	[spmem:s3] =	stream.indirect.scatter.add.f32 [tilespmem:s18], [sflag:$0x4], $0x80, s28, s16, $0xb8;
	[tilespmem:$0x1E100] =	vst v63  }
0x2e: {  	_ =	swait.ge [sflag:s21], $0x4000  }
0x2f: {  	[sflag:s21] =	ssyncset.done $0x0  }
0x30: {  	s28 =	simm.s32 $0x100;
	[sflag:s21] =	ssyncadd.s32 $0xFFFFC000  }
0x31: {  	[tilespmem:s17], [sflag:$0x1] =	stream.indirect.gather [hbm4b:s0+s16], $0x80, s28, s16, $0xb8;
	[tilespmem:$0x1E100] =	vst v63  }
0x32: {  	_ =	swait.ge [sflag:s22], $0x4000  }
0x33: {  	[sflag:s22] =	ssyncset.done $0x0  }
0x34: {  	s29 =	simm.s32 $0x180;
	s28 =	simm.s32 $0x400;
	[sflag:s22] =	ssyncadd.s32 $0xFFFFC000  }
.LBB2_2:
0x35: {  	[tilespmem:s18], [sflag:$0x2] =	stream.indirect.gather [hbm4b:s0+s16], $0x80, s29, s16, $0xb8;
	[tilespmem:$0x1E100] =	vst v63  }
0x36: {  	s29 =	smov.u32 s28  }
0x37: {  	p2 =	sne.s32 s28, $0x4800;
	s28 =	sadd.s32 $0x400, s28;
	_ =	swait.ge [sflag:s19], $0x4000  }
0x38: {  	s29 =	sshra.s32 s29, $0x2;
	[sflag:s19] =	ssyncset.done $0x0  }
0x39: {  	s30 =	sadd.s32 $0x1400, s29;
	[sflag:s19] =	ssyncadd.s32 $0xFFFFC000  }
0x3a: {  	[spmem:s3] =	stream.indirect.scatter.add.f32 [tilespmem:s17], [sflag:$0x3], $0x80, s30, s16, $0xb8;
	[tilespmem:$0x1E100] =	vst v63  }
0x3b: {  	_ =	swait.ge [sflag:s20], $0x4000  }
0x3c: {  	[sflag:s20] =	ssyncset.done $0x0  }
0x3d: {  	s30 =	sadd.s32 $0x1480, s29;
	[sflag:s20] =	ssyncadd.s32 $0xFFFFC000  }
0x3e: {  	[spmem:s3] =	stream.indirect.scatter.add.f32 [tilespmem:s18], [sflag:$0x4], $0x80, s30, s16, $0xb8;
	[tilespmem:$0x1E100] =	vst v63  }
0x3f: {  	_ =	swait.ge [sflag:s21], $0x4000  }
0x40: {  	[sflag:s21] =	ssyncset.done $0x0  }
.Ltmp0:
0x41: {  	s30 =	sadd.s32 $0x100, s29;
	[sflag:s21] =	ssyncadd.s32 $0xFFFFC000;
	(pc) =	sbr.rel @p2 .LBB2_2-.Ltmp0, $4  }
0x42: {  	[tilespmem:s17], [sflag:$0x1] =	stream.indirect.gather [hbm4b:s0+s16], $0x80, s30, s16, $0xb8;
	[tilespmem:$0x1E100] =	vst v63  }
0x43: {  	_ =	swait.ge [sflag:s22], $0x4000  }
0x44: {  	[sflag:s22] =	ssyncset.done $0x0  }
0x45: {  	s29 =	sadd.s32 $0x180, s29;
	[sflag:s22] =	ssyncadd.s32 $0xFFFFC000  }
0x46: {  	[tilespmem:s18], [sflag:$0x2] =	stream.indirect.gather [hbm4b:s0+s16], $0x80, s29, s16, $0xb8;
	[tilespmem:$0x1E100] =	vst v63  }
0x47: {  	_ =	swait.ge [sflag:s19], $0x4000  }
0x48: {  	[sflag:s19] =	ssyncset.done $0x0  }
0x49: {  	[sflag:s19] =	ssyncadd.s32 $0xFFFFC000  }
0x4a: {  	[spmem:s3] =	stream.indirect.scatter.add.f32 [tilespmem:s17], [sflag:$0x3], $0x80, s23, s16, $0xb8;
	[tilespmem:$0x1E100] =	vst v63  }
0x4b: {  	_ =	swait.ge [sflag:s20], $0x4000  }
0x4c: {  	[sflag:s20] =	ssyncset.done $0x0  }
0x4d: {  	[sflag:s20] =	ssyncadd.s32 $0xFFFFC000  }
0x4e: {  	[spmem:s3] =	stream.indirect.scatter.add.f32 [tilespmem:s18], [sflag:$0x4], $0x80, s24, s16, $0xb8;
	[tilespmem:$0x1E100] =	vst v63  }
0x4f: {  	_ =	swait.ge [sflag:s21], $0x4000  }
0x50: {  	[sflag:s21] =	ssyncset.done $0x0  }
0x51: {  	[sflag:s21] =	ssyncadd.s32 $0xFFFFC000  }
0x52: {  	_ =	swait.ge [sflag:s22], $0x4000  }
0x53: {  	[sflag:s22] =	ssyncset.done $0x0  }
0x54: {  	s28 =	simm.s32 $0x0;
	[sflag:s22] =	ssyncadd.s32 $0xFFFFC000  }
0x55: {  	[tilespmem:s28], [sflag:$0x5] =	stream.linear.gather [hbm4b:s8+s28], $0x1400, $0x38;
	[tilespmem:$0x1E100] =	vst v63  }
0x56: {  	_ =	swait.ge [sflag:s14], $0x1400  }
0x57: {  	[sflag:s14] =	ssyncset.done $0x0  }
0x58: {  	[sflag:s14] =	ssyncadd.s32 $0xFFFFEC00  }
0x59: {  	[tilespmem:s15], [sflag:$0x5] =	stream.linear.gather [hbm4b:s9+s28], $0x1400, $0x38;
	[tilespmem:$0x1E100] =	vst v63  }
0x5a: {  	_ =	swait.ge [sflag:s14], $0x1400  }
0x5b: {  	[sflag:s14] =	ssyncset.done $0x0  }
0x5c: {  	[sflag:s14] =	ssyncadd.s32 $0xFFFFEC00  }
0x5d: {  	[tilespmem:s17], [sflag:$0x1] =	stream.indirect.gather [hbm4b:s0+s16], $0x80, s28, s16, $0xb8;
	[tilespmem:$0x1E100] =	vst v63  }
0x5e: {  	_ = 	snop  }
0x5f: {  	[tilespmem:s18], [sflag:$0x2] =	stream.indirect.gather [hbm4b:s0+s16], $0x80, s16, s16, $0xb8;
	[tilespmem:$0x1E100] =	vst v63  }
0x60: {  	_ =	swait.ge [sflag:s19], $0x4000  }
0x61: {  	[sflag:s19] =	ssyncset.done $0x0  }
0x62: {  	s28 =	simm.s32 $0x1400;
	[sflag:s19] =	ssyncadd.s32 $0xFFFFC000  }
0x63: {  	[spmem:s3] =	stream.indirect.scatter.add.f32 [tilespmem:s17], [sflag:$0x3], $0x80, s28, s16, $0xb8;
	[tilespmem:$0x1E100] =	vst v63  }
0x64: {  	_ =	swait.ge [sflag:s20], $0x4000  }
0x65: {  	[sflag:s20] =	ssyncset.done $0x0  }
0x66: {  	s28 =	simm.s32 $0x1480;
	[sflag:s20] =	ssyncadd.s32 $0xFFFFC000  }
0x67: {  	[spmem:s3] =	stream.indirect.scatter.add.f32 [tilespmem:s18], [sflag:$0x4], $0x80, s28, s16, $0xb8;
	[tilespmem:$0x1E100] =	vst v63  }
0x68: {  	_ =	swait.ge [sflag:s21], $0x4000  }
0x69: {  	[sflag:s21] =	ssyncset.done $0x0  }
0x6a: {  	s28 =	simm.s32 $0x100;
	[sflag:s21] =	ssyncadd.s32 $0xFFFFC000  }
0x6b: {  	[tilespmem:s17], [sflag:$0x1] =	stream.indirect.gather [hbm4b:s0+s16], $0x80, s28, s16, $0xb8;
	[tilespmem:$0x1E100] =	vst v63  }
0x6c: {  	_ =	swait.ge [sflag:s22], $0x4000  }
0x6d: {  	[sflag:s22] =	ssyncset.done $0x0  }
0x6e: {  	s29 =	simm.s32 $0x180;
	s28 =	simm.s32 $0x400;
	[sflag:s22] =	ssyncadd.s32 $0xFFFFC000  }
.LBB2_4:
0x6f: {  	[tilespmem:s18], [sflag:$0x2] =	stream.indirect.gather [hbm4b:s0+s16], $0x80, s29, s16, $0xb8;
	[tilespmem:$0x1E100] =	vst v63  }
0x70: {  	s29 =	smov.u32 s28  }
0x71: {  	p2 =	sne.s32 s28, $0x4800;
	s28 =	sadd.s32 $0x400, s28;
	_ =	swait.ge [sflag:s19], $0x4000  }
0x72: {  	s29 =	sshra.s32 s29, $0x2;
	[sflag:s19] =	ssyncset.done $0x0  }
0x73: {  	s30 =	sadd.s32 $0x1400, s29;
	[sflag:s19] =	ssyncadd.s32 $0xFFFFC000  }
0x74: {  	[spmem:s3] =	stream.indirect.scatter.add.f32 [tilespmem:s17], [sflag:$0x3], $0x80, s30, s16, $0xb8;
	[tilespmem:$0x1E100] =	vst v63  }
0x75: {  	_ =	swait.ge [sflag:s20], $0x4000  }
0x76: {  	[sflag:s20] =	ssyncset.done $0x0  }
0x77: {  	s30 =	sadd.s32 $0x1480, s29;
	[sflag:s20] =	ssyncadd.s32 $0xFFFFC000  }
0x78: {  	[spmem:s3] =	stream.indirect.scatter.add.f32 [tilespmem:s18], [sflag:$0x4], $0x80, s30, s16, $0xb8;
	[tilespmem:$0x1E100] =	vst v63  }
0x79: {  	_ =	swait.ge [sflag:s21], $0x4000  }
0x7a: {  	[sflag:s21] =	ssyncset.done $0x0  }
.Ltmp1:
0x7b: {  	s30 =	sadd.s32 $0x100, s29;
	[sflag:s21] =	ssyncadd.s32 $0xFFFFC000;
	(pc) =	sbr.rel @p2 .LBB2_4-.Ltmp1, $4  }
0x7c: {  	[tilespmem:s17], [sflag:$0x1] =	stream.indirect.gather [hbm4b:s0+s16], $0x80, s30, s16, $0xb8;
	[tilespmem:$0x1E100] =	vst v63  }
0x7d: {  	_ =	swait.ge [sflag:s22], $0x4000  }
0x7e: {  	[sflag:s22] =	ssyncset.done $0x0  }
0x7f: {  	s29 =	sadd.s32 $0x180, s29;
	[sflag:s22] =	ssyncadd.s32 $0xFFFFC000  }
0x80: {  	[tilespmem:s18], [sflag:$0x2] =	stream.indirect.gather [hbm4b:s0+s16], $0x80, s29, s16, $0xb8;
	[tilespmem:$0x1E100] =	vst v63  }
0x81: {  	_ =	swait.ge [sflag:s19], $0x4000  }
0x82: {  	[sflag:s19] =	ssyncset.done $0x0  }
0x83: {  	[sflag:s19] =	ssyncadd.s32 $0xFFFFC000  }
0x84: {  	[spmem:s3] =	stream.indirect.scatter.add.f32 [tilespmem:s17], [sflag:$0x3], $0x80, s23, s16, $0xb8;
	[tilespmem:$0x1E100] =	vst v63  }
0x85: {  	_ =	swait.ge [sflag:s20], $0x4000  }
0x86: {  	[sflag:s20] =	ssyncset.done $0x0  }
0x87: {  	[sflag:s20] =	ssyncadd.s32 $0xFFFFC000  }
0x88: {  	[spmem:s3] =	stream.indirect.scatter.add.f32 [tilespmem:s18], [sflag:$0x4], $0x80, s24, s16, $0xb8;
	[tilespmem:$0x1E100] =	vst v63  }
0x89: {  	_ =	swait.ge [sflag:s21], $0x4000  }
0x8a: {  	[sflag:s21] =	ssyncset.done $0x0  }
0x8b: {  	[sflag:s21] =	ssyncadd.s32 $0xFFFFC000  }
0x8c: {  	_ =	swait.ge [sflag:s22], $0x4000  }
0x8d: {  	[sflag:s22] =	ssyncset.done $0x0  }
0x8e: {  	s28 =	sshll.u32 @!p1 s2, $0x6;
	s26 =	sadd.s32 $0x1, s26;
	[sflag:s22] =	ssyncadd.s32 $0xFFFFC000  }
0x8f: {  	s28 =	sor.u32 @!p1 $0x1C05, s28;
	p2 =	sne.s32 s26, s11;
	[bflag:$0x0] =	sbarrier.arrive $0xFFFF  }
0x90: {  	[hbm:s10], [sflag:s28] =	dma.local @!p1 [spmem:s25], $0x7D00  }
.Ltmp2:
0x91: {  	_ = 	snop;
	(pc) =	sbr.rel @p2 .LBB2_1-.Ltmp2, $4  }
0x92: {  	s28 =	simm.s32 @!p1 $0x5  }
0x93: {  	_ =	swait.ge @!p1 [sflag:s28], $0x7D00  }
0x94: {  	[sflag:s28] =	ssyncset.done @!p1 $0x0  }
0x95: {  	[sflag:s28] =	ssyncadd.s32 @!p1 $0xFFFF8300  }
0x96: {  	_ =	sfence.sel $0x180000  }
0x97: {  	[bflag:$0x0] =	sbarrier.arrive $0xFFFF  }
0x98: {  	p0 =	sne.s32 s2, $0x0;
	_ =	strace $0x9000004A  }
0x99: {  	s0 =	sadd.s32 @!p0 $0x100000, s1;
	[bflag:$0x2] =	sbarrier.arrive $0xFFFF  }
0x9a: {  	[sflag:s0] =	ssyncadd.tile.s32 @!p0 $0x1;
	_ =	shalt  }
.Lfunc_end2:
_tile_overlayer_lowered:
.L_overlay_start_2:
0x9b: {  	(tag) =	ssettag $0x2  }
0x9c: {  	s0 =	rddreg [dreg:$0x0];
	s2 =	stileid.u32  }
0x9d: {  	s1 =	rddreg [dreg:$0x1];
	p0 =	sne.s32 s2, $0x0  }
0x9e: {  	s3 =	rddreg [dreg:$0x2];
	[bflag:$0x3] =	sbarrier.arrive $0xFFFF;
	s2 =	simm.s32 @!p0 $0x1C05  }
0x9f: {  	[timem:s3], [sflag:s2] =	dma.local @!p0 [hbm:s0], s1  }
0xa0: {  	s0 =	simm.s32 @!p0 $0x5  }
0xa1: {  	_ =	swait.ge @!p0 [sflag:s0], s1  }
0xa2: {  	s1 =	ssub.s32 @!p0 $0x0, s1;
	[sflag:s0] =	ssyncset.done @!p0 $0x0  }
0xa3: {  	[sflag:s0] =	ssyncadd.s32 @!p0 s1  }
0xa4: {  	[bflag:$0x3] =	sbarrier.arrive $0xFFFF  }
0xa5: {  	_ =	shalt  }

// kernel: kernel.16.cloned.1.call-start
scs
__scs_entry_jumppad:
0x0: {  	(pc) =	sbr.rel $0x88, $3  }
0x1: {  	(tag) =	ssettag $0x0;
	lr =	simm.s32 $0x1  }
0x2: {  	[smem:$0x3F99] =	sst lr;
	_ =	strace $0xD0000000  }
0x3: {  	_ = 	snop  }
0x4: {  	_ = 	snop  }
0x5: {  	_ = 	snop  }
0x6: {  	_ = 	snop  }
0x7: {  	_ = 	snop  }
__scs_overlays_trampoline_lowered:
0x8: {  	[smem:$0x3FA8] =	sst s0  }
0x9: {  	[smem:$0x3FA9] =	sst s1  }
0xa: {  	[smem:$0x3FAA] =	sst s2  }
0xb: {  	[smem:$0x3FAB] =	sst s3  }
0xc: {  	[smem:$0x3FAC] =	sst s4  }
0xd: {  	[smem:$0x3FAD] =	sst s5  }
0xe: {  	[smem:$0x3FAE] =	sst s6  }
0xf: {  	[smem:$0x3FAF] =	sst s7  }
0x10: {  	[smem:$0x3FB0] =	sst s8  }
0x11: {  	[smem:$0x3FB1] =	sst s9;
	s0 =	simm.s32 @!p0 $0x0  }
0x12: {  	s1 =	sld [smem:$0x3F97];
	s0 =	simm.s32 @p0 $0x1  }
0x13: {  	[smem:$0x3FB2] =	sst s0;
	s0 =	simm.s32 @!p1 $0x0  }
0x14: {  	s2 =	sld [smem:$0x3F96];
	s0 =	simm.s32 @p1 $0x1  }
0x15: {  	[smem:$0x3FB3] =	sst s0;
	s0 =	simm.s32 @!p2 $0x0  }
0x16: {  	s3 =	sld [smem:$0x3FDB];
	s0 =	simm.s32 @p2 $0x1  }
0x17: {  	s4 =	simm.s32 $0x1BF5;
	[smem:$0x3FB5] =	sst s0  }
0x18: {  	s0 =	sld [smem:$0x3F98];
	_ =	swait.ge [sflag:s4], $0x0  }
0x19: {  	s7 =	sld [smem:$0x3F99]  }
0x1a: {  	s8 =	sadd.s32 $0xFFFFE003, lr  }
0x1b: {  	s9 =	sadd.s32 $0xFFFFFEF7, lr;
	s5 =	simm.s32 $0xFFFFFFFF;
	p2 =	slt.u32 s8, $0xFFFFF086  }
0x1c: {  	p1 =	slt.u32 s9, $0xF7A;
	s5 =	simm.s32 @!p2 $0x0  }
0x1d: {  	s5 =	simm.s32 @p1 $0x1;
	p0 =	seq.s32 s7, s2  }
0x1e: {  	s7 =	smul.u32 @!p0 $0xF7A, s2;
	p2 =	seq.s32 @!p0 s5, $0x0  }
0x1f: {  	s9 =	smul.u32 $0xF7A, s1;
	s8 =	simm.s32 @!p0 $0x1BF5;
	p2 =	por !p2, p0  }
0x20: {  	[sflag:s8] =	ssyncset.s32 @!p0 $0xFFFFF086;
	s6 =	sadd.s32 @!p0 s3, s7;
	s7 =	simm.s32 @!p0 $0x108  }
0x21: {  	s3 =	sadd.s32 s3, s9;
	s6 =	sadd.s32 @!p0 $0x88, s6;
	s7 =	simm.s32 @p2 $0x1082  }
0x22: {  	[simem:s7], [sflag:s8] =	dma.local @!p0 [hbm:s6], $0xF7A  }
0x23: {  	s9 =	sor.u32 $0xD0000000, s2;
	s6 =	simm.s32 $0x108;
	_ =	swait.ge @!p0 [sflag:s8], $0x0  }
0x24: {  	s3 =	sadd.s32 $0x88, s3;
	s6 =	simm.s32 @!p1 $0x1082;
	[sflag:s4] =	ssyncset.s32 $0xFFFFF086  }
0x25: {  	[simem:s6], [sflag:s4] =	dma.local [hbm:s3], $0xF7A  }
0x26: {  	[smem:$0x3F99] =	sst s1;
	(tag) =	ssettag s2;
	_ =	strace s9  }
0x27: {  	s1 =	sld [smem:$0x3FA9]  }
0x28: {  	s2 =	sld [smem:$0x3FAA]  }
0x29: {  	s4 =	sld [smem:$0x3FAC]  }
0x2a: {  	p0 =	seq.s32 s5, $0x0;
	s5 =	sld [smem:$0x3FAD]  }
0x2b: {  	s6 =	sld [smem:$0x3FAE]  }
0x2c: {  	s7 =	sld [smem:$0x3FAF]  }
0x2d: {  	s3 =	simm.s32 $0x108;
	s8 =	sld [smem:$0x3FB0]  }
0x2e: {  	s3 =	simm.s32 @!p0 $0x1082;
	s9 =	sld [smem:$0x3FB1]  }
0x2f: {  	lr =	sadd.s32 s0, s3;
	s0 =	sld [smem:$0x3FA8]  }
0x30: {  	s3 =	sld [smem:$0x3FAB]  }
0x31: {  	[smem:$0x3FB4] =	sst s10  }
0x32: {  	s10 =	sld [smem:$0x3FB2];
	_ =	sdelay $0x3  }
0x33: {  	p0 =	seq.s32 s10, $0x1;
	s10 =	sld [smem:$0x3FB4];
	_ =	sdelay $0x3  }
0x34: {  	[smem:$0x3FB4] =	sst s10  }
0x35: {  	s10 =	sld [smem:$0x3FB3];
	_ =	sdelay $0x3  }
0x36: {  	p1 =	seq.s32 s10, $0x1;
	s10 =	sld [smem:$0x3FB4];
	_ =	sdelay $0x3  }
0x37: {  	[smem:$0x3FB4] =	sst s10  }
0x38: {  	s10 =	sld [smem:$0x3FB5]  }
0x39: {  	_ = 	snop;
	(pc) =	sbr.ind lr, $3  }
0x3a: {  	_ = 	snop  }
0x3b: {  	_ = 	snop  }
0x3c: {  	p2 =	seq.s32 s10, $0x1;
	s10 =	sld [smem:$0x3FB4]  }
0x3d: {  	_ =	shalt  }
0x3e: {  	_ =	shalt  }
0x3f: {  	_ =	shalt  }
0x40: {  	_ =	shalt  }
0x41: {  	_ =	shalt  }
0x42: {  	_ =	shalt  }
0x43: {  	_ =	shalt  }
0x44: {  	_ =	shalt  }
0x45: {  	_ =	shalt  }
0x46: {  	_ =	shalt  }
0x47: {  	_ =	shalt  }
0x48: {  	_ =	shalt  }
0x49: {  	_ =	shalt  }
0x4a: {  	_ =	shalt  }
0x4b: {  	_ =	shalt  }
0x4c: {  	_ =	shalt  }
0x4d: {  	_ =	shalt  }
0x4e: {  	_ =	shalt  }
0x4f: {  	_ =	shalt  }
0x50: {  	_ =	shalt  }
0x51: {  	_ =	shalt  }
0x52: {  	_ =	shalt  }
0x53: {  	_ =	shalt  }
0x54: {  	_ =	shalt  }
0x55: {  	_ =	shalt  }
0x56: {  	_ =	shalt  }
0x57: {  	_ =	shalt  }
0x58: {  	_ =	shalt  }
0x59: {  	_ =	shalt  }
0x5a: {  	_ =	shalt  }
0x5b: {  	_ =	shalt  }
0x5c: {  	_ =	shalt  }
0x5d: {  	_ =	shalt  }
0x5e: {  	_ =	shalt  }
0x5f: {  	_ =	shalt  }
0x60: {  	_ =	shalt  }
0x61: {  	_ =	shalt  }
0x62: {  	_ =	shalt  }
0x63: {  	_ =	shalt  }
0x64: {  	_ =	shalt  }
0x65: {  	_ =	shalt  }
0x66: {  	_ =	shalt  }
0x67: {  	_ =	shalt  }
0x68: {  	_ =	shalt  }
0x69: {  	_ =	shalt  }
0x6a: {  	_ =	shalt  }
0x6b: {  	_ =	shalt  }
0x6c: {  	_ =	shalt  }
0x6d: {  	_ =	shalt  }
0x6e: {  	_ =	shalt  }
0x6f: {  	_ =	shalt  }
0x70: {  	_ =	shalt  }
0x71: {  	_ =	shalt  }
0x72: {  	_ =	shalt  }
0x73: {  	_ =	shalt  }
0x74: {  	_ =	shalt  }
0x75: {  	_ =	shalt  }
0x76: {  	_ =	shalt  }
0x77: {  	_ =	shalt  }
0x78: {  	_ =	shalt  }
0x79: {  	_ =	shalt  }
0x7a: {  	_ =	shalt  }
0x7b: {  	_ =	shalt  }
0x7c: {  	_ =	shalt  }
0x7d: {  	_ =	shalt  }
0x7e: {  	_ =	shalt  }
0x7f: {  	_ =	shalt  }
0x80: {  	_ =	shalt  }
0x81: {  	_ =	shalt  }
0x82: {  	_ =	shalt  }
0x83: {  	_ =	shalt  }
0x84: {  	_ =	shalt  }
0x85: {  	_ =	shalt  }
0x86: {  	_ =	shalt  }
0x87: {  	_ =	shalt  }
.Lfunc_end0:
.L_simem_size_0:
called_computation.2_lowered:
.L_overlay_start_0:
0x88: {  	s2 =	sld [smem:$0x3FD9]  }
0x89: {  	s3 =	sld [smem:$0x3FFE];
	_ =	sdelay $0x1  }
0x8a: {  	s1 =	srdreg.scid  }
0x8b: {  	s0 =	sand.u32 $0x1, s1  }
0x8c: {  	s17 =	sshll.u32 s0, $0xA;
	s2 =	sadd.s32 s3, s2  }
0x8d: {  	s2 =	sadd.s32 s2, s17  }
0x8e: {  	[smem:$0x3FC0] =	sst s2  }
0x8f: {  	_ = 	snop  }
0x90: {  	s2 =	sld [smem:$0x3FD0];
	(tm) =	ssettm $0x1  }
0x91: {  	s18 =	sld [smem:$0x3FFB];
	_ =	sdelay $0x3  }
0x92: {  	_ =	strace s18  }
0x93: {  	s3 =	sld [smem:$0x3FFC];
	_ =	sdelay $0x3  }
0x94: {  	_ =	strace s3  }
0x95: {  	s3 =	sld [smem:$0x3FFD];
	_ =	sdelay $0x3  }
0x96: {  	_ =	strace s3  }
0x97: {  	_ =	strace $0x8FFFFFFF  }
0x98: {  	s19 =	sld [smem:$0x3FDB];
	_ =	sdelay $0x1  }
0x99: {  	s4 =	simm.s32 $_scs_section_size  }
0x9a: {  	s5 =	simm.s32 $_size__tile_overlayer_lowered;
	s6 =	simm.s32 $_tile_overlayer_lowered  }
0x9b: {  	s22 =	simm.s32 $0x1BFF;
	s21 =	sshll.u32 s6, $0x1;
	s3 =	sadd.s32 s4, s19  }
0x9c: {  	s7 =	simm.s32 $0x0;
	s20 =	sshll.u32 s5, $0x1;
	s5 =	sadd.s32 s21, s3  }
0x9d: {  	[timem:s7], [sflag:s22] =	dma.local [hbm:s5], s20  }
0x9e: {  	_ =	swait.ge [sflag:s22], s20  }
0x9f: {  	s4 =	ssub.s32 $0x0, s20;
	[sflag:s22] =	ssyncset.done $0x0  }
0xa0: {  	[sflag:s22] =	ssyncadd.s32 s4;
	_ =	sdelay $0x1  }
0xa1: {  	s23 =	simm.s32 $0x1B8B  }
0xa2: {  	_ =	swait.ge [sflag:s23], $0x1  }
0xa3: {  	[sflag:s23] =	ssyncset.done $0x0  }
0xa4: {  	s25 =	simm.s32 $0x1B8E;
	s24 =	sld [smem:$0x3FFE];
	[sflag:s23] =	ssyncadd.s32 $0xFFFFFFFF  }
0xa5: {  	s26 =	simm.s32 $execute0_lowered;
	[smem:$0x3FD2] =	sst s25  }
0xa6: {  	s5 =	sshll.u32 s26, $0x1;
	_ =	strace $0x8000004C;
	[dreg:$0x1] =	wrdreg $0xFFFFFFFF  }
0xa7: {  	s28 =	simm.s32 $_size_execute0_lowered;
	s3 =	sadd.s32 s3, s5;
	[dreg:$0x0] =	wrdreg $0x0  }
0xa8: {  	s5 =	sshll.u32 s28, $0x1;
	[dreg:$0x2] =	wrdreg s3  }
0xa9: {  	[dreg:$0x3] =	wrdreg s5  }
0xaa: {  	[dreg:$0x4] =	wrdreg $0xC0  }
0xab: {  	_ =	task [dreg:s7], $0x5FFFF  }
0xac: {  	[dreg:$0x1] =	wrdreg $0xFFFFFFFF  }
0xad: {  	[dreg:$0x0] =	wrdreg $0x60  }
0xae: {  	[dreg:$0x2] =	wrdreg s2  }
0xaf: {  	[dreg:$0x3] =	wrdreg s24  }
0xb0: {  	[dreg:$0x4] =	wrdreg $0xA8000  }
0xb1: {  	[dreg:$0x5] =	wrdreg $0x9  }
0xb2: {  	_ =	task.clear_ibuf [dreg:s7], $0x6FFFF;
	_ =	strace $0x9000004C  }
0xb3: {  	s29 =	simm.s32 $0x9;
	_ =	strace $0x8000004E  }
0xb4: {  	_ =	swait.ge [sflag:s29], $0x1  }
0xb5: {  	[sflag:s29] =	ssyncadd.s32 $0xFFFFFFFF  }
0xb6: {  	_ =	strace $0x9000004E  }
0xb7: {  	_ =	sfence  }
0xb8: {  	s30 =	sld [smem:$0x0];
	_ =	sdelay $0x2  }
0xb9: {  	s31 =	sshll.u32 s1, $0xD;
	s1 =	sshrl.u32 s1, $0x2  }
0xba: {  	s3 =	sand.u32 $0x4000, s31;
	s1 =	sadd.s32 s1, s30  }
0xbb: {  	s0 =	sor.u32 s3, s0;
	s1 =	sshll.u32 s1, $0x11  }
0xbc: {  	s0 =	sor.u32 s1, s0  }
0xbd: {  	s0 =	sadd.s32 $0x8F2B, s0  }
0xbe: {  	[sflag:s0] =	ssyncadd.remote.s32 $0x1  }
0xbf: {  	_ =	sfence.sel $0xFFFF  }
0xc0: {  	[dreg:$0x0] =	wrdreg $0xFFFFFFFF;
	(pc) =	sbr.abs _section_cstart, $3  }
0xc1: {  	[dreg:$0x1] =	wrdreg $0xFFFFFFFF  }
0xc2: {  	_ =	task.clear_ibuf [dreg:s7], $0x2FFFF;
	_ =	strace $0x9FFFFFFF  }
0xc3: {  	(tm) =	ssettm $0x7FFFFFFF  }
tec
execute0_lowered:
.L_overlay_start_1:
0x0: {  	(tag) =	ssettag $0x1  }
0x1: {  	s0 =	rddreg [dreg:$0x0]  }
0x2: {  	s6 =	rddreg [dreg:$0x1];
	s1 =	srdreg.scid  }
0x3: {  	s3 =	rddreg [dreg:$0x2];
	s2 =	stileid.u32  }
0x4: {  	s4 =	simm.s32 $0x0;
	s16 =	simm.s32 $0x80;
	s17 =	simm.s32 $0x2800  }
0x5: {  	s18 =	simm.s32 $0x6800;
	s19 =	simm.s32 $0x1;
	s20 =	simm.s32 $0x2  }
0x6: {  	s21 =	simm.s32 $0x3;
	s22 =	simm.s32 $0x4;
	s8 =	smul.u32 $0x3E800, s2  }
0x7: {  	s23 =	simm.s32 $0x2700;
	s24 =	simm.s32 $0x2780;
	s11 =	smul.u32 $0x500, s2  }
0x8: {  	s7 =	sand.u32 $0x1, s1;
	s1 =	rddreg [dreg:$0x3];
	s26 =	smul.u32 $0x7D000, s2  }
0x9: {  	[smem:$0x7FF] =	sst s4;
	s9 =	sadd.s32 $0x61200, s6;
	s15 =	smul.u32 $0xFA000, s2  }
0xa: {  	s10 =	sadd.s32 $0x57200, s6;
	p1 =	sgt.u32 s2, $0x4;
	s5 =	smul.u32 $0x138800, s7  }
0xb: {  	_ =	strace $0x8000004D;
	s28 =	ssub.s32 $0x2, s7;
	p0 =	seq.s32 s7, $0x0  }
0xc: {  	s13 =	sadd.s32 $0x5000, s11;
	s29 =	sshrl.u32 s28, $0x1;
	s31 =	sshrl.u32 s15, $0x2  }
0xd: {  	s15 =	simm.s32 $0x1400;
	s5 =	sadd.s32 s8, s5;
	s13 =	smov.u32 @p0 s11  }
0xe: {  	s30 =	ssub.s32 s28, s29;
	p0 =	sgt.u32 s2, $0x9;
	s25 =	sadd.s32 s31, s3  }
0xf: {  	s8 =	sshrl.u32 s5, $0x3;
	s5 =	sadd.s32 $0x5000, s6;
	s7 =	sadd.s32 s10, s13  }
0x10: {  	s11 =	smax.u32 s30, $0x1;
	s12 =	sadd.s32 s8, s6;
	s6 =	sshrl.u32 s26, $0x2  }
0x11: {  	s14 =	sadd.s32 s6, s3;
	s6 =	sadd.s32 s9, s13;
	s13 =	sadd.s32 $0x280, s13  }
0x12: {  	s25 =	sshrl.u32 @!p1 s25, $0x3;
	s26 =	simm.s32 $0x0;
	s8 =	sadd.s32 s9, s13  }
0x13: {  	s9 =	sadd.s32 s10, s13;
	s10 =	sadd.s32 $0x92400, s12;
	s13 =	sshll.u32 @!p0 s2, $0x6  }
0x14: {  	s12 =	sor.u32 @!p0 $0x1C05, s13;
	s13 =	sshrl.u32 @!p0 s14, $0x3;
	s14 =	simm.s32 $0x5  }
.LBB2_1:
0x15: {  	[spmem:s13], [sflag:s12] =	dma.local @!p0 [hbm:s5], $0x3E80  }
0x16: {  	s28 =	simm.s32 @!p0 $0x5  }
0x17: {  	_ =	swait.ge @!p0 [sflag:s28], $0x3E80  }
0x18: {  	[sflag:s28] =	ssyncset.done @!p0 $0x0  }
0x19: {  	[sflag:s28] =	ssyncadd.s32 @!p0 $0xFFFFC180  }
0x1a: {  	[bflag:$0x0] =	sbarrier.arrive $0xFFFF  }
0x1b: {  	[tilespmem:s4], [sflag:$0x5] =	stream.linear.gather [hbm4b:s6+s4], $0x1400, $0x38;
	[tilespmem:$0x1E100] =	vst v63  }
0x1c: {  	_ =	swait.ge [sflag:s14], $0x1400  }
0x1d: {  	[sflag:s14] =	ssyncset.done $0x0  }
0x1e: {  	[sflag:s14] =	ssyncadd.s32 $0xFFFFEC00  }
0x1f: {  	[tilespmem:s15], [sflag:$0x5] =	stream.linear.gather [hbm4b:s7+s4], $0x1400, $0x38;
	[tilespmem:$0x1E100] =	vst v63  }
0x20: {  	_ =	swait.ge [sflag:s14], $0x1400  }
0x21: {  	[sflag:s14] =	ssyncset.done $0x0  }
0x22: {  	[sflag:s14] =	ssyncadd.s32 $0xFFFFEC00  }
0x23: {  	[tilespmem:s17], [sflag:$0x1] =	stream.indirect.gather [hbm4b:s0+s16], $0x80, s4, s16, $0xb8;
	[tilespmem:$0x1E100] =	vst v63  }
0x24: {  	_ = 	snop  }
0x25: {  	[tilespmem:s18], [sflag:$0x2] =	stream.indirect.gather [hbm4b:s0+s16], $0x80, s16, s16, $0xb8;
	[tilespmem:$0x1E100] =	vst v63  }
0x26: {  	_ =	swait.ge [sflag:s19], $0x4000  }
0x27: {  	[sflag:s19] =	ssyncset.done $0x0  }
0x28: {  	s28 =	simm.s32 $0x1400;
	[sflag:s19] =	ssyncadd.s32 $0xFFFFC000  }
0x29: {  	[spmem:s3] =	stream.indirect.scatter.add.f32 [tilespmem:s17], [sflag:$0x3], $0x80, s28, s16, $0xb8;
	[tilespmem:$0x1E100] =	vst v63  }
0x2a: {  	_ =	swait.ge [sflag:s20], $0x4000  }
0x2b: {  	[sflag:s20] =	ssyncset.done $0x0  }
0x2c: {  	s28 =	simm.s32 $0x1480;
	[sflag:s20] =	ssyncadd.s32 $0xFFFFC000  }
0x2d: {  	[spmem:s3] =	stream.indirect.scatter.add.f32 [tilespmem:s18], [sflag:$0x4], $0x80, s28, s16, $0xb8;
	[tilespmem:$0x1E100] =	vst v63  }
0x2e: {  	_ =	swait.ge [sflag:s21], $0x4000  }
0x2f: {  	[sflag:s21] =	ssyncset.done $0x0  }
0x30: {  	s28 =	simm.s32 $0x100;
	[sflag:s21] =	ssyncadd.s32 $0xFFFFC000  }
0x31: {  	[tilespmem:s17], [sflag:$0x1] =	stream.indirect.gather [hbm4b:s0+s16], $0x80, s28, s16, $0xb8;
	[tilespmem:$0x1E100] =	vst v63  }
0x32: {  	_ =	swait.ge [sflag:s22], $0x4000  }
0x33: {  	[sflag:s22] =	ssyncset.done $0x0  }
0x34: {  	s29 =	simm.s32 $0x180;
	s28 =	simm.s32 $0x400;
	[sflag:s22] =	ssyncadd.s32 $0xFFFFC000  }
.LBB2_2:
0x35: {  	[tilespmem:s18], [sflag:$0x2] =	stream.indirect.gather [hbm4b:s0+s16], $0x80, s29, s16, $0xb8;
	[tilespmem:$0x1E100] =	vst v63  }
0x36: {  	s29 =	smov.u32 s28  }
0x37: {  	p2 =	sne.s32 s28, $0x4800;
	s28 =	sadd.s32 $0x400, s28;
	_ =	swait.ge [sflag:s19], $0x4000  }
0x38: {  	s29 =	sshra.s32 s29, $0x2;
	[sflag:s19] =	ssyncset.done $0x0  }
0x39: {  	s30 =	sadd.s32 $0x1400, s29;
	[sflag:s19] =	ssyncadd.s32 $0xFFFFC000  }
0x3a: {  	[spmem:s3] =	stream.indirect.scatter.add.f32 [tilespmem:s17], [sflag:$0x3], $0x80, s30, s16, $0xb8;
	[tilespmem:$0x1E100] =	vst v63  }
0x3b: {  	_ =	swait.ge [sflag:s20], $0x4000  }
0x3c: {  	[sflag:s20] =	ssyncset.done $0x0  }
0x3d: {  	s30 =	sadd.s32 $0x1480, s29;
	[sflag:s20] =	ssyncadd.s32 $0xFFFFC000  }
0x3e: {  	[spmem:s3] =	stream.indirect.scatter.add.f32 [tilespmem:s18], [sflag:$0x4], $0x80, s30, s16, $0xb8;
	[tilespmem:$0x1E100] =	vst v63  }
0x3f: {  	_ =	swait.ge [sflag:s21], $0x4000  }
0x40: {  	[sflag:s21] =	ssyncset.done $0x0  }
.Ltmp0:
0x41: {  	s30 =	sadd.s32 $0x100, s29;
	[sflag:s21] =	ssyncadd.s32 $0xFFFFC000;
	(pc) =	sbr.rel @p2 .LBB2_2-.Ltmp0, $4  }
0x42: {  	[tilespmem:s17], [sflag:$0x1] =	stream.indirect.gather [hbm4b:s0+s16], $0x80, s30, s16, $0xb8;
	[tilespmem:$0x1E100] =	vst v63  }
0x43: {  	_ =	swait.ge [sflag:s22], $0x4000  }
0x44: {  	[sflag:s22] =	ssyncset.done $0x0  }
0x45: {  	s29 =	sadd.s32 $0x180, s29;
	[sflag:s22] =	ssyncadd.s32 $0xFFFFC000  }
0x46: {  	[tilespmem:s18], [sflag:$0x2] =	stream.indirect.gather [hbm4b:s0+s16], $0x80, s29, s16, $0xb8;
	[tilespmem:$0x1E100] =	vst v63  }
0x47: {  	_ =	swait.ge [sflag:s19], $0x4000  }
0x48: {  	[sflag:s19] =	ssyncset.done $0x0  }
0x49: {  	[sflag:s19] =	ssyncadd.s32 $0xFFFFC000  }
0x4a: {  	[spmem:s3] =	stream.indirect.scatter.add.f32 [tilespmem:s17], [sflag:$0x3], $0x80, s23, s16, $0xb8;
	[tilespmem:$0x1E100] =	vst v63  }
0x4b: {  	_ =	swait.ge [sflag:s20], $0x4000  }
0x4c: {  	[sflag:s20] =	ssyncset.done $0x0  }
0x4d: {  	[sflag:s20] =	ssyncadd.s32 $0xFFFFC000  }
0x4e: {  	[spmem:s3] =	stream.indirect.scatter.add.f32 [tilespmem:s18], [sflag:$0x4], $0x80, s24, s16, $0xb8;
	[tilespmem:$0x1E100] =	vst v63  }
0x4f: {  	_ =	swait.ge [sflag:s21], $0x4000  }
0x50: {  	[sflag:s21] =	ssyncset.done $0x0  }
0x51: {  	[sflag:s21] =	ssyncadd.s32 $0xFFFFC000  }
0x52: {  	_ =	swait.ge [sflag:s22], $0x4000  }
0x53: {  	[sflag:s22] =	ssyncset.done $0x0  }
0x54: {  	s28 =	simm.s32 $0x0;
	[sflag:s22] =	ssyncadd.s32 $0xFFFFC000  }
0x55: {  	[tilespmem:s28], [sflag:$0x5] =	stream.linear.gather [hbm4b:s8+s28], $0x1400, $0x38;
	[tilespmem:$0x1E100] =	vst v63  }
0x56: {  	_ =	swait.ge [sflag:s14], $0x1400  }
0x57: {  	[sflag:s14] =	ssyncset.done $0x0  }
0x58: {  	[sflag:s14] =	ssyncadd.s32 $0xFFFFEC00  }
0x59: {  	[tilespmem:s15], [sflag:$0x5] =	stream.linear.gather [hbm4b:s9+s28], $0x1400, $0x38;
	[tilespmem:$0x1E100] =	vst v63  }
0x5a: {  	_ =	swait.ge [sflag:s14], $0x1400  }
0x5b: {  	[sflag:s14] =	ssyncset.done $0x0  }
0x5c: {  	[sflag:s14] =	ssyncadd.s32 $0xFFFFEC00  }
0x5d: {  	[tilespmem:s17], [sflag:$0x1] =	stream.indirect.gather [hbm4b:s0+s16], $0x80, s28, s16, $0xb8;
	[tilespmem:$0x1E100] =	vst v63  }
0x5e: {  	_ = 	snop  }
0x5f: {  	[tilespmem:s18], [sflag:$0x2] =	stream.indirect.gather [hbm4b:s0+s16], $0x80, s16, s16, $0xb8;
	[tilespmem:$0x1E100] =	vst v63  }
0x60: {  	_ =	swait.ge [sflag:s19], $0x4000  }
0x61: {  	[sflag:s19] =	ssyncset.done $0x0  }
0x62: {  	s28 =	simm.s32 $0x1400;
	[sflag:s19] =	ssyncadd.s32 $0xFFFFC000  }
0x63: {  	[spmem:s3] =	stream.indirect.scatter.add.f32 [tilespmem:s17], [sflag:$0x3], $0x80, s28, s16, $0xb8;
	[tilespmem:$0x1E100] =	vst v63  }
0x64: {  	_ =	swait.ge [sflag:s20], $0x4000  }
0x65: {  	[sflag:s20] =	ssyncset.done $0x0  }
0x66: {  	s28 =	simm.s32 $0x1480;
	[sflag:s20] =	ssyncadd.s32 $0xFFFFC000  }
0x67: {  	[spmem:s3] =	stream.indirect.scatter.add.f32 [tilespmem:s18], [sflag:$0x4], $0x80, s28, s16, $0xb8;
	[tilespmem:$0x1E100] =	vst v63  }
0x68: {  	_ =	swait.ge [sflag:s21], $0x4000  }
0x69: {  	[sflag:s21] =	ssyncset.done $0x0  }
0x6a: {  	s28 =	simm.s32 $0x100;
	[sflag:s21] =	ssyncadd.s32 $0xFFFFC000  }
0x6b: {  	[tilespmem:s17], [sflag:$0x1] =	stream.indirect.gather [hbm4b:s0+s16], $0x80, s28, s16, $0xb8;
	[tilespmem:$0x1E100] =	vst v63  }
0x6c: {  	_ =	swait.ge [sflag:s22], $0x4000  }
0x6d: {  	[sflag:s22] =	ssyncset.done $0x0  }
0x6e: {  	s29 =	simm.s32 $0x180;
	s28 =	simm.s32 $0x400;
	[sflag:s22] =	ssyncadd.s32 $0xFFFFC000  }
.LBB2_4:
0x6f: {  	[tilespmem:s18], [sflag:$0x2] =	stream.indirect.gather [hbm4b:s0+s16], $0x80, s29, s16, $0xb8;
	[tilespmem:$0x1E100] =	vst v63  }
0x70: {  	s29 =	smov.u32 s28  }
0x71: {  	p2 =	sne.s32 s28, $0x4800;
	s28 =	sadd.s32 $0x400, s28;
	_ =	swait.ge [sflag:s19], $0x4000  }
0x72: {  	s29 =	sshra.s32 s29, $0x2;
	[sflag:s19] =	ssyncset.done $0x0  }
0x73: {  	s30 =	sadd.s32 $0x1400, s29;
	[sflag:s19] =	ssyncadd.s32 $0xFFFFC000  }
0x74: {  	[spmem:s3] =	stream.indirect.scatter.add.f32 [tilespmem:s17], [sflag:$0x3], $0x80, s30, s16, $0xb8;
	[tilespmem:$0x1E100] =	vst v63  }
0x75: {  	_ =	swait.ge [sflag:s20], $0x4000  }
0x76: {  	[sflag:s20] =	ssyncset.done $0x0  }
0x77: {  	s30 =	sadd.s32 $0x1480, s29;
	[sflag:s20] =	ssyncadd.s32 $0xFFFFC000  }
0x78: {  	[spmem:s3] =	stream.indirect.scatter.add.f32 [tilespmem:s18], [sflag:$0x4], $0x80, s30, s16, $0xb8;
	[tilespmem:$0x1E100] =	vst v63  }
0x79: {  	_ =	swait.ge [sflag:s21], $0x4000  }
0x7a: {  	[sflag:s21] =	ssyncset.done $0x0  }
.Ltmp1:
0x7b: {  	s30 =	sadd.s32 $0x100, s29;
	[sflag:s21] =	ssyncadd.s32 $0xFFFFC000;
	(pc) =	sbr.rel @p2 .LBB2_4-.Ltmp1, $4  }
0x7c: {  	[tilespmem:s17], [sflag:$0x1] =	stream.indirect.gather [hbm4b:s0+s16], $0x80, s30, s16, $0xb8;
	[tilespmem:$0x1E100] =	vst v63  }
0x7d: {  	_ =	swait.ge [sflag:s22], $0x4000  }
0x7e: {  	[sflag:s22] =	ssyncset.done $0x0  }
0x7f: {  	s29 =	sadd.s32 $0x180, s29;
	[sflag:s22] =	ssyncadd.s32 $0xFFFFC000  }
0x80: {  	[tilespmem:s18], [sflag:$0x2] =	stream.indirect.gather [hbm4b:s0+s16], $0x80, s29, s16, $0xb8;
	[tilespmem:$0x1E100] =	vst v63  }
0x81: {  	_ =	swait.ge [sflag:s19], $0x4000  }
0x82: {  	[sflag:s19] =	ssyncset.done $0x0  }
0x83: {  	[sflag:s19] =	ssyncadd.s32 $0xFFFFC000  }
0x84: {  	[spmem:s3] =	stream.indirect.scatter.add.f32 [tilespmem:s17], [sflag:$0x3], $0x80, s23, s16, $0xb8;
	[tilespmem:$0x1E100] =	vst v63  }
0x85: {  	_ =	swait.ge [sflag:s20], $0x4000  }
0x86: {  	[sflag:s20] =	ssyncset.done $0x0  }
0x87: {  	[sflag:s20] =	ssyncadd.s32 $0xFFFFC000  }
0x88: {  	[spmem:s3] =	stream.indirect.scatter.add.f32 [tilespmem:s18], [sflag:$0x4], $0x80, s24, s16, $0xb8;
	[tilespmem:$0x1E100] =	vst v63  }
0x89: {  	_ =	swait.ge [sflag:s21], $0x4000  }
0x8a: {  	[sflag:s21] =	ssyncset.done $0x0  }
0x8b: {  	[sflag:s21] =	ssyncadd.s32 $0xFFFFC000  }
0x8c: {  	_ =	swait.ge [sflag:s22], $0x4000  }
0x8d: {  	[sflag:s22] =	ssyncset.done $0x0  }
0x8e: {  	s28 =	sshll.u32 @!p1 s2, $0x6;
	s26 =	sadd.s32 $0x1, s26;
	[sflag:s22] =	ssyncadd.s32 $0xFFFFC000  }
0x8f: {  	s28 =	sor.u32 @!p1 $0x1C05, s28;
	p2 =	sne.s32 s26, s11;
	[bflag:$0x0] =	sbarrier.arrive $0xFFFF  }
0x90: {  	[hbm:s10], [sflag:s28] =	dma.local @!p1 [spmem:s25], $0x7D00  }
.Ltmp2:
0x91: {  	_ = 	snop;
	(pc) =	sbr.rel @p2 .LBB2_1-.Ltmp2, $4  }
0x92: {  	s28 =	simm.s32 @!p1 $0x5  }
0x93: {  	_ =	swait.ge @!p1 [sflag:s28], $0x7D00  }
0x94: {  	[sflag:s28] =	ssyncset.done @!p1 $0x0  }
0x95: {  	[sflag:s28] =	ssyncadd.s32 @!p1 $0xFFFF8300  }
0x96: {  	_ =	sfence.sel $0x180000  }
0x97: {  	[bflag:$0x0] =	sbarrier.arrive $0xFFFF  }
0x98: {  	p0 =	sne.s32 s2, $0x0;
	_ =	strace $0x9000004D  }
0x99: {  	s0 =	sadd.s32 @!p0 $0x100000, s1;
	[bflag:$0x2] =	sbarrier.arrive $0xFFFF  }
0x9a: {  	[sflag:s0] =	ssyncadd.tile.s32 @!p0 $0x1;
	_ =	shalt  }
.Lfunc_end2:
_tile_overlayer_lowered:
.L_overlay_start_2:
0x9b: {  	(tag) =	ssettag $0x2  }
0x9c: {  	s0 =	rddreg [dreg:$0x0];
	s2 =	stileid.u32  }
0x9d: {  	s1 =	rddreg [dreg:$0x1];
	p0 =	sne.s32 s2, $0x0  }
0x9e: {  	s3 =	rddreg [dreg:$0x2];
	[bflag:$0x3] =	sbarrier.arrive $0xFFFF;
	s2 =	simm.s32 @!p0 $0x1C05  }
0x9f: {  	[timem:s3], [sflag:s2] =	dma.local @!p0 [hbm:s0], s1  }
0xa0: {  	s0 =	simm.s32 @!p0 $0x5  }
0xa1: {  	_ =	swait.ge @!p0 [sflag:s0], s1  }
0xa2: {  	s1 =	ssub.s32 @!p0 $0x0, s1;
	[sflag:s0] =	ssyncset.done @!p0 $0x0  }
0xa3: {  	[sflag:s0] =	ssyncadd.s32 @!p0 s1  }
0xa4: {  	[bflag:$0x3] =	sbarrier.arrive $0xFFFF  }
0xa5: {  	_ =	shalt  }

// kernel: kernel.19.cloned.1.call-start
scs
__scs_entry_jumppad:
0x0: {  	(pc) =	sbr.rel $0x88, $3  }
0x1: {  	(tag) =	ssettag $0x0;
	lr =	simm.s32 $0x1  }
0x2: {  	[smem:$0x3F99] =	sst lr;
	_ =	strace $0xD0000000  }
0x3: {  	_ = 	snop  }
0x4: {  	_ = 	snop  }
0x5: {  	_ = 	snop  }
0x6: {  	_ = 	snop  }
0x7: {  	_ = 	snop  }
__scs_overlays_trampoline_lowered:
0x8: {  	[smem:$0x3FA8] =	sst s0  }
0x9: {  	[smem:$0x3FA9] =	sst s1  }
0xa: {  	[smem:$0x3FAA] =	sst s2  }
0xb: {  	[smem:$0x3FAB] =	sst s3  }
0xc: {  	[smem:$0x3FAC] =	sst s4  }
0xd: {  	[smem:$0x3FAD] =	sst s5  }
0xe: {  	[smem:$0x3FAE] =	sst s6  }
0xf: {  	[smem:$0x3FAF] =	sst s7  }
0x10: {  	[smem:$0x3FB0] =	sst s8  }
0x11: {  	[smem:$0x3FB1] =	sst s9;
	s0 =	simm.s32 @!p0 $0x0  }
0x12: {  	s1 =	sld [smem:$0x3F97];
	s0 =	simm.s32 @p0 $0x1  }
0x13: {  	[smem:$0x3FB2] =	sst s0;
	s0 =	simm.s32 @!p1 $0x0  }
0x14: {  	s2 =	sld [smem:$0x3F96];
	s0 =	simm.s32 @p1 $0x1  }
0x15: {  	[smem:$0x3FB3] =	sst s0;
	s0 =	simm.s32 @!p2 $0x0  }
0x16: {  	s3 =	sld [smem:$0x3FDB];
	s0 =	simm.s32 @p2 $0x1  }
0x17: {  	s4 =	simm.s32 $0x1BF5;
	[smem:$0x3FB5] =	sst s0  }
0x18: {  	s0 =	sld [smem:$0x3F98];
	_ =	swait.ge [sflag:s4], $0x0  }
0x19: {  	s7 =	sld [smem:$0x3F99]  }
0x1a: {  	s8 =	sadd.s32 $0xFFFFE003, lr  }
0x1b: {  	s9 =	sadd.s32 $0xFFFFFEF7, lr;
	s5 =	simm.s32 $0xFFFFFFFF;
	p2 =	slt.u32 s8, $0xFFFFF086  }
0x1c: {  	p1 =	slt.u32 s9, $0xF7A;
	s5 =	simm.s32 @!p2 $0x0  }
0x1d: {  	s5 =	simm.s32 @p1 $0x1;
	p0 =	seq.s32 s7, s2  }
0x1e: {  	s7 =	smul.u32 @!p0 $0xF7A, s2;
	p2 =	seq.s32 @!p0 s5, $0x0  }
0x1f: {  	s9 =	smul.u32 $0xF7A, s1;
	s8 =	simm.s32 @!p0 $0x1BF5;
	p2 =	por !p2, p0  }
0x20: {  	[sflag:s8] =	ssyncset.s32 @!p0 $0xFFFFF086;
	s6 =	sadd.s32 @!p0 s3, s7;
	s7 =	simm.s32 @!p0 $0x108  }
0x21: {  	s3 =	sadd.s32 s3, s9;
	s6 =	sadd.s32 @!p0 $0x88, s6;
	s7 =	simm.s32 @p2 $0x1082  }
0x22: {  	[simem:s7], [sflag:s8] =	dma.local @!p0 [hbm:s6], $0xF7A  }
0x23: {  	s9 =	sor.u32 $0xD0000000, s2;
	s6 =	simm.s32 $0x108;
	_ =	swait.ge @!p0 [sflag:s8], $0x0  }
0x24: {  	s3 =	sadd.s32 $0x88, s3;
	s6 =	simm.s32 @!p1 $0x1082;
	[sflag:s4] =	ssyncset.s32 $0xFFFFF086  }
0x25: {  	[simem:s6], [sflag:s4] =	dma.local [hbm:s3], $0xF7A  }
0x26: {  	[smem:$0x3F99] =	sst s1;
	(tag) =	ssettag s2;
	_ =	strace s9  }
0x27: {  	s1 =	sld [smem:$0x3FA9]  }
0x28: {  	s2 =	sld [smem:$0x3FAA]  }
0x29: {  	s4 =	sld [smem:$0x3FAC]  }
0x2a: {  	p0 =	seq.s32 s5, $0x0;
	s5 =	sld [smem:$0x3FAD]  }
0x2b: {  	s6 =	sld [smem:$0x3FAE]  }
0x2c: {  	s7 =	sld [smem:$0x3FAF]  }
0x2d: {  	s3 =	simm.s32 $0x108;
	s8 =	sld [smem:$0x3FB0]  }
0x2e: {  	s3 =	simm.s32 @!p0 $0x1082;
	s9 =	sld [smem:$0x3FB1]  }
0x2f: {  	lr =	sadd.s32 s0, s3;
	s0 =	sld [smem:$0x3FA8]  }
0x30: {  	s3 =	sld [smem:$0x3FAB]  }
0x31: {  	[smem:$0x3FB4] =	sst s10  }
0x32: {  	s10 =	sld [smem:$0x3FB2];
	_ =	sdelay $0x3  }
0x33: {  	p0 =	seq.s32 s10, $0x1;
	s10 =	sld [smem:$0x3FB4];
	_ =	sdelay $0x3  }
0x34: {  	[smem:$0x3FB4] =	sst s10  }
0x35: {  	s10 =	sld [smem:$0x3FB3];
	_ =	sdelay $0x3  }
0x36: {  	p1 =	seq.s32 s10, $0x1;
	s10 =	sld [smem:$0x3FB4];
	_ =	sdelay $0x3  }
0x37: {  	[smem:$0x3FB4] =	sst s10  }
0x38: {  	s10 =	sld [smem:$0x3FB5]  }
0x39: {  	_ = 	snop;
	(pc) =	sbr.ind lr, $3  }
0x3a: {  	_ = 	snop  }
0x3b: {  	_ = 	snop  }
0x3c: {  	p2 =	seq.s32 s10, $0x1;
	s10 =	sld [smem:$0x3FB4]  }
0x3d: {  	_ =	shalt  }
0x3e: {  	_ =	shalt  }
0x3f: {  	_ =	shalt  }
0x40: {  	_ =	shalt  }
0x41: {  	_ =	shalt  }
0x42: {  	_ =	shalt  }
0x43: {  	_ =	shalt  }
0x44: {  	_ =	shalt  }
0x45: {  	_ =	shalt  }
0x46: {  	_ =	shalt  }
0x47: {  	_ =	shalt  }
0x48: {  	_ =	shalt  }
0x49: {  	_ =	shalt  }
0x4a: {  	_ =	shalt  }
0x4b: {  	_ =	shalt  }
0x4c: {  	_ =	shalt  }
0x4d: {  	_ =	shalt  }
0x4e: {  	_ =	shalt  }
0x4f: {  	_ =	shalt  }
0x50: {  	_ =	shalt  }
0x51: {  	_ =	shalt  }
0x52: {  	_ =	shalt  }
0x53: {  	_ =	shalt  }
0x54: {  	_ =	shalt  }
0x55: {  	_ =	shalt  }
0x56: {  	_ =	shalt  }
0x57: {  	_ =	shalt  }
0x58: {  	_ =	shalt  }
0x59: {  	_ =	shalt  }
0x5a: {  	_ =	shalt  }
0x5b: {  	_ =	shalt  }
0x5c: {  	_ =	shalt  }
0x5d: {  	_ =	shalt  }
0x5e: {  	_ =	shalt  }
0x5f: {  	_ =	shalt  }
0x60: {  	_ =	shalt  }
0x61: {  	_ =	shalt  }
0x62: {  	_ =	shalt  }
0x63: {  	_ =	shalt  }
0x64: {  	_ =	shalt  }
0x65: {  	_ =	shalt  }
0x66: {  	_ =	shalt  }
0x67: {  	_ =	shalt  }
0x68: {  	_ =	shalt  }
0x69: {  	_ =	shalt  }
0x6a: {  	_ =	shalt  }
0x6b: {  	_ =	shalt  }
0x6c: {  	_ =	shalt  }
0x6d: {  	_ =	shalt  }
0x6e: {  	_ =	shalt  }
0x6f: {  	_ =	shalt  }
0x70: {  	_ =	shalt  }
0x71: {  	_ =	shalt  }
0x72: {  	_ =	shalt  }
0x73: {  	_ =	shalt  }
0x74: {  	_ =	shalt  }
0x75: {  	_ =	shalt  }
0x76: {  	_ =	shalt  }
0x77: {  	_ =	shalt  }
0x78: {  	_ =	shalt  }
0x79: {  	_ =	shalt  }
0x7a: {  	_ =	shalt  }
0x7b: {  	_ =	shalt  }
0x7c: {  	_ =	shalt  }
0x7d: {  	_ =	shalt  }
0x7e: {  	_ =	shalt  }
0x7f: {  	_ =	shalt  }
0x80: {  	_ =	shalt  }
0x81: {  	_ =	shalt  }
0x82: {  	_ =	shalt  }
0x83: {  	_ =	shalt  }
0x84: {  	_ =	shalt  }
0x85: {  	_ =	shalt  }
0x86: {  	_ =	shalt  }
0x87: {  	_ =	shalt  }
.Lfunc_end0:
.L_simem_size_0:
called_computation.3_lowered:
.L_overlay_start_0:
0x88: {  	s2 =	sld [smem:$0x3FD9]  }
0x89: {  	s3 =	sld [smem:$0x3FFE];
	_ =	sdelay $0x1  }
0x8a: {  	s1 =	srdreg.scid  }
0x8b: {  	s0 =	sand.u32 $0x1, s1  }
0x8c: {  	s17 =	sshll.u32 s0, $0xA;
	s2 =	sadd.s32 s3, s2  }
0x8d: {  	s2 =	sadd.s32 s2, s17  }
0x8e: {  	[smem:$0x3FC0] =	sst s2  }
0x8f: {  	_ = 	snop  }
0x90: {  	s2 =	sld [smem:$0x3FD0];
	(tm) =	ssettm $0x1  }
0x91: {  	s18 =	sld [smem:$0x3FFB];
	_ =	sdelay $0x3  }
0x92: {  	_ =	strace s18  }
0x93: {  	s3 =	sld [smem:$0x3FFC];
	_ =	sdelay $0x3  }
0x94: {  	_ =	strace s3  }
0x95: {  	s3 =	sld [smem:$0x3FFD];
	_ =	sdelay $0x3  }
0x96: {  	_ =	strace s3  }
0x97: {  	_ =	strace $0x8FFFFFFF  }
0x98: {  	s19 =	sld [smem:$0x3FDB];
	_ =	sdelay $0x1  }
0x99: {  	s4 =	simm.s32 $_scs_section_size  }
0x9a: {  	s5 =	simm.s32 $_size__tile_overlayer_lowered;
	s6 =	simm.s32 $_tile_overlayer_lowered  }
0x9b: {  	s22 =	simm.s32 $0x1BFF;
	s21 =	sshll.u32 s6, $0x1;
	s3 =	sadd.s32 s4, s19  }
0x9c: {  	s7 =	simm.s32 $0x0;
	s20 =	sshll.u32 s5, $0x1;
	s5 =	sadd.s32 s21, s3  }
0x9d: {  	[timem:s7], [sflag:s22] =	dma.local [hbm:s5], s20  }
0x9e: {  	_ =	swait.ge [sflag:s22], s20  }
0x9f: {  	s4 =	ssub.s32 $0x0, s20;
	[sflag:s22] =	ssyncset.done $0x0  }
0xa0: {  	[sflag:s22] =	ssyncadd.s32 s4;
	_ =	sdelay $0x1  }
0xa1: {  	s23 =	simm.s32 $0x1B8B  }
0xa2: {  	_ =	swait.ge [sflag:s23], $0x1  }
0xa3: {  	[sflag:s23] =	ssyncset.done $0x0  }
0xa4: {  	s25 =	simm.s32 $0x1B8E;
	s24 =	sld [smem:$0x3FFE];
	[sflag:s23] =	ssyncadd.s32 $0xFFFFFFFF  }
0xa5: {  	s26 =	simm.s32 $execute0_lowered;
	[smem:$0x3FD2] =	sst s25  }
0xa6: {  	s5 =	sshll.u32 s26, $0x1;
	_ =	strace $0x8000004F;
	[dreg:$0x1] =	wrdreg $0xFFFFFFFF  }
0xa7: {  	s28 =	simm.s32 $_size_execute0_lowered;
	s3 =	sadd.s32 s3, s5;
	[dreg:$0x0] =	wrdreg $0x0  }
0xa8: {  	s5 =	sshll.u32 s28, $0x1;
	[dreg:$0x2] =	wrdreg s3  }
0xa9: {  	[dreg:$0x3] =	wrdreg s5  }
0xaa: {  	[dreg:$0x4] =	wrdreg $0xC0  }
0xab: {  	_ =	task [dreg:s7], $0x5FFFF  }
0xac: {  	[dreg:$0x1] =	wrdreg $0xFFFFFFFF  }
0xad: {  	[dreg:$0x0] =	wrdreg $0x60  }
0xae: {  	[dreg:$0x2] =	wrdreg s2  }
0xaf: {  	[dreg:$0x3] =	wrdreg s24  }
0xb0: {  	[dreg:$0x4] =	wrdreg $0xA8000  }
0xb1: {  	[dreg:$0x5] =	wrdreg $0x9  }
0xb2: {  	_ =	task.clear_ibuf [dreg:s7], $0x6FFFF;
	_ =	strace $0x9000004F  }
0xb3: {  	s29 =	simm.s32 $0x9;
	_ =	strace $0x80000051  }
0xb4: {  	_ =	swait.ge [sflag:s29], $0x1  }
0xb5: {  	[sflag:s29] =	ssyncadd.s32 $0xFFFFFFFF  }
0xb6: {  	_ =	strace $0x90000051  }
0xb7: {  	_ =	sfence  }
0xb8: {  	s30 =	sld [smem:$0x0];
	_ =	sdelay $0x2  }
0xb9: {  	s31 =	sshll.u32 s1, $0xD;
	s1 =	sshrl.u32 s1, $0x2  }
0xba: {  	s3 =	sand.u32 $0x4000, s31;
	s1 =	sadd.s32 s1, s30  }
0xbb: {  	s0 =	sor.u32 s3, s0;
	s1 =	sshll.u32 s1, $0x11  }
0xbc: {  	s0 =	sor.u32 s1, s0  }
0xbd: {  	s0 =	sadd.s32 $0x8F2B, s0  }
0xbe: {  	[sflag:s0] =	ssyncadd.remote.s32 $0x1  }
0xbf: {  	_ =	sfence.sel $0xFFFF  }
0xc0: {  	[dreg:$0x0] =	wrdreg $0xFFFFFFFF;
	(pc) =	sbr.abs _section_cstart, $3  }
0xc1: {  	[dreg:$0x1] =	wrdreg $0xFFFFFFFF  }
0xc2: {  	_ =	task.clear_ibuf [dreg:s7], $0x2FFFF;
	_ =	strace $0x9FFFFFFF  }
0xc3: {  	(tm) =	ssettm $0x7FFFFFFF  }
tec
execute0_lowered:
.L_overlay_start_1:
0x0: {  	(tag) =	ssettag $0x1  }
0x1: {  	s0 =	rddreg [dreg:$0x0]  }
0x2: {  	s6 =	rddreg [dreg:$0x1];
	s1 =	srdreg.scid  }
0x3: {  	s3 =	rddreg [dreg:$0x2];
	s2 =	stileid.u32  }
0x4: {  	s4 =	simm.s32 $0x0;
	s16 =	simm.s32 $0x80;
	s17 =	simm.s32 $0x2800  }
0x5: {  	s18 =	simm.s32 $0x6800;
	s19 =	simm.s32 $0x1;
	s20 =	simm.s32 $0x2  }
0x6: {  	s21 =	simm.s32 $0x3;
	s22 =	simm.s32 $0x4;
	s8 =	smul.u32 $0x3E800, s2  }
0x7: {  	s23 =	simm.s32 $0x2700;
	s24 =	simm.s32 $0x2780;
	s11 =	smul.u32 $0x500, s2  }
0x8: {  	s7 =	sand.u32 $0x1, s1;
	s1 =	rddreg [dreg:$0x3];
	s26 =	smul.u32 $0x7D000, s2  }
0x9: {  	[smem:$0x7FF] =	sst s4;
	s9 =	sadd.s32 $0x61200, s6;
	s15 =	smul.u32 $0xFA000, s2  }
0xa: {  	s10 =	sadd.s32 $0x57200, s6;
	p1 =	sgt.u32 s2, $0x4;
	s5 =	smul.u32 $0x138800, s7  }
0xb: {  	_ =	strace $0x80000050;
	s28 =	ssub.s32 $0x2, s7;
	p0 =	seq.s32 s7, $0x0  }
0xc: {  	s13 =	sadd.s32 $0x5000, s11;
	s29 =	sshrl.u32 s28, $0x1;
	s31 =	sshrl.u32 s15, $0x2  }
0xd: {  	s15 =	simm.s32 $0x1400;
	s5 =	sadd.s32 s8, s5;
	s13 =	smov.u32 @p0 s11  }
0xe: {  	s30 =	ssub.s32 s28, s29;
	p0 =	sgt.u32 s2, $0x9;
	s25 =	sadd.s32 s31, s3  }
0xf: {  	s8 =	sshrl.u32 s5, $0x3;
	s5 =	sadd.s32 $0x5000, s6;
	s7 =	sadd.s32 s10, s13  }
0x10: {  	s11 =	smax.u32 s30, $0x1;
	s12 =	sadd.s32 s8, s6;
	s6 =	sshrl.u32 s26, $0x2  }
0x11: {  	s14 =	sadd.s32 s6, s3;
	s6 =	sadd.s32 s9, s13;
	s13 =	sadd.s32 $0x280, s13  }
0x12: {  	s25 =	sshrl.u32 @!p1 s25, $0x3;
	s26 =	simm.s32 $0x0;
	s8 =	sadd.s32 s9, s13  }
0x13: {  	s9 =	sadd.s32 s10, s13;
	s10 =	sadd.s32 $0x92400, s12;
	s13 =	sshll.u32 @!p0 s2, $0x6  }
0x14: {  	s12 =	sor.u32 @!p0 $0x1C05, s13;
	s13 =	sshrl.u32 @!p0 s14, $0x3;
	s14 =	simm.s32 $0x5  }
.LBB2_1:
0x15: {  	[spmem:s13], [sflag:s12] =	dma.local @!p0 [hbm:s5], $0x3E80  }
0x16: {  	s28 =	simm.s32 @!p0 $0x5  }
0x17: {  	_ =	swait.ge @!p0 [sflag:s28], $0x3E80  }
0x18: {  	[sflag:s28] =	ssyncset.done @!p0 $0x0  }
0x19: {  	[sflag:s28] =	ssyncadd.s32 @!p0 $0xFFFFC180  }
0x1a: {  	[bflag:$0x0] =	sbarrier.arrive $0xFFFF  }
0x1b: {  	[tilespmem:s4], [sflag:$0x5] =	stream.linear.gather [hbm4b:s6+s4], $0x1400, $0x38;
	[tilespmem:$0x1E100] =	vst v63  }
0x1c: {  	_ =	swait.ge [sflag:s14], $0x1400  }
0x1d: {  	[sflag:s14] =	ssyncset.done $0x0  }
0x1e: {  	[sflag:s14] =	ssyncadd.s32 $0xFFFFEC00  }
0x1f: {  	[tilespmem:s15], [sflag:$0x5] =	stream.linear.gather [hbm4b:s7+s4], $0x1400, $0x38;
	[tilespmem:$0x1E100] =	vst v63  }
0x20: {  	_ =	swait.ge [sflag:s14], $0x1400  }
0x21: {  	[sflag:s14] =	ssyncset.done $0x0  }
0x22: {  	[sflag:s14] =	ssyncadd.s32 $0xFFFFEC00  }
0x23: {  	[tilespmem:s17], [sflag:$0x1] =	stream.indirect.gather [hbm4b:s0+s16], $0x80, s4, s16, $0xb8;
	[tilespmem:$0x1E100] =	vst v63  }
0x24: {  	_ = 	snop  }
0x25: {  	[tilespmem:s18], [sflag:$0x2] =	stream.indirect.gather [hbm4b:s0+s16], $0x80, s16, s16, $0xb8;
	[tilespmem:$0x1E100] =	vst v63  }
0x26: {  	_ =	swait.ge [sflag:s19], $0x4000  }
0x27: {  	[sflag:s19] =	ssyncset.done $0x0  }
0x28: {  	s28 =	simm.s32 $0x1400;
	[sflag:s19] =	ssyncadd.s32 $0xFFFFC000  }
0x29: {  	[spmem:s3] =	stream.indirect.scatter.add.f32 [tilespmem:s17], [sflag:$0x3], $0x80, s28, s16, $0xb8;
	[tilespmem:$0x1E100] =	vst v63  }
0x2a: {  	_ =	swait.ge [sflag:s20], $0x4000  }
0x2b: {  	[sflag:s20] =	ssyncset.done $0x0  }
0x2c: {  	s28 =	simm.s32 $0x1480;
	[sflag:s20] =	ssyncadd.s32 $0xFFFFC000  }
0x2d: {  	[spmem:s3] =	stream.indirect.scatter.add.f32 [tilespmem:s18], [sflag:$0x4], $0x80, s28, s16, $0xb8;
	[tilespmem:$0x1E100] =	vst v63  }
0x2e: {  	_ =	swait.ge [sflag:s21], $0x4000  }
0x2f: {  	[sflag:s21] =	ssyncset.done $0x0  }
0x30: {  	s28 =	simm.s32 $0x100;
	[sflag:s21] =	ssyncadd.s32 $0xFFFFC000  }
0x31: {  	[tilespmem:s17], [sflag:$0x1] =	stream.indirect.gather [hbm4b:s0+s16], $0x80, s28, s16, $0xb8;
	[tilespmem:$0x1E100] =	vst v63  }
0x32: {  	_ =	swait.ge [sflag:s22], $0x4000  }
0x33: {  	[sflag:s22] =	ssyncset.done $0x0  }
0x34: {  	s29 =	simm.s32 $0x180;
	s28 =	simm.s32 $0x400;
	[sflag:s22] =	ssyncadd.s32 $0xFFFFC000  }
.LBB2_2:
0x35: {  	[tilespmem:s18], [sflag:$0x2] =	stream.indirect.gather [hbm4b:s0+s16], $0x80, s29, s16, $0xb8;
	[tilespmem:$0x1E100] =	vst v63  }
0x36: {  	s29 =	smov.u32 s28  }
0x37: {  	p2 =	sne.s32 s28, $0x4800;
	s28 =	sadd.s32 $0x400, s28;
	_ =	swait.ge [sflag:s19], $0x4000  }
0x38: {  	s29 =	sshra.s32 s29, $0x2;
	[sflag:s19] =	ssyncset.done $0x0  }
0x39: {  	s30 =	sadd.s32 $0x1400, s29;
	[sflag:s19] =	ssyncadd.s32 $0xFFFFC000  }
0x3a: {  	[spmem:s3] =	stream.indirect.scatter.add.f32 [tilespmem:s17], [sflag:$0x3], $0x80, s30, s16, $0xb8;
	[tilespmem:$0x1E100] =	vst v63  }
0x3b: {  	_ =	swait.ge [sflag:s20], $0x4000  }
0x3c: {  	[sflag:s20] =	ssyncset.done $0x0  }
0x3d: {  	s30 =	sadd.s32 $0x1480, s29;
	[sflag:s20] =	ssyncadd.s32 $0xFFFFC000  }
0x3e: {  	[spmem:s3] =	stream.indirect.scatter.add.f32 [tilespmem:s18], [sflag:$0x4], $0x80, s30, s16, $0xb8;
	[tilespmem:$0x1E100] =	vst v63  }
0x3f: {  	_ =	swait.ge [sflag:s21], $0x4000  }
0x40: {  	[sflag:s21] =	ssyncset.done $0x0  }
.Ltmp0:
0x41: {  	s30 =	sadd.s32 $0x100, s29;
	[sflag:s21] =	ssyncadd.s32 $0xFFFFC000;
	(pc) =	sbr.rel @p2 .LBB2_2-.Ltmp0, $4  }
0x42: {  	[tilespmem:s17], [sflag:$0x1] =	stream.indirect.gather [hbm4b:s0+s16], $0x80, s30, s16, $0xb8;
	[tilespmem:$0x1E100] =	vst v63  }
0x43: {  	_ =	swait.ge [sflag:s22], $0x4000  }
0x44: {  	[sflag:s22] =	ssyncset.done $0x0  }
0x45: {  	s29 =	sadd.s32 $0x180, s29;
	[sflag:s22] =	ssyncadd.s32 $0xFFFFC000  }
0x46: {  	[tilespmem:s18], [sflag:$0x2] =	stream.indirect.gather [hbm4b:s0+s16], $0x80, s29, s16, $0xb8;
	[tilespmem:$0x1E100] =	vst v63  }
0x47: {  	_ =	swait.ge [sflag:s19], $0x4000  }
0x48: {  	[sflag:s19] =	ssyncset.done $0x0  }
0x49: {  	[sflag:s19] =	ssyncadd.s32 $0xFFFFC000  }
0x4a: {  	[spmem:s3] =	stream.indirect.scatter.add.f32 [tilespmem:s17], [sflag:$0x3], $0x80, s23, s16, $0xb8;
	[tilespmem:$0x1E100] =	vst v63  }
0x4b: {  	_ =	swait.ge [sflag:s20], $0x4000  }
0x4c: {  	[sflag:s20] =	ssyncset.done $0x0  }
0x4d: {  	[sflag:s20] =	ssyncadd.s32 $0xFFFFC000  }
0x4e: {  	[spmem:s3] =	stream.indirect.scatter.add.f32 [tilespmem:s18], [sflag:$0x4], $0x80, s24, s16, $0xb8;
	[tilespmem:$0x1E100] =	vst v63  }
0x4f: {  	_ =	swait.ge [sflag:s21], $0x4000  }
0x50: {  	[sflag:s21] =	ssyncset.done $0x0  }
0x51: {  	[sflag:s21] =	ssyncadd.s32 $0xFFFFC000  }
0x52: {  	_ =	swait.ge [sflag:s22], $0x4000  }
0x53: {  	[sflag:s22] =	ssyncset.done $0x0  }
0x54: {  	s28 =	simm.s32 $0x0;
	[sflag:s22] =	ssyncadd.s32 $0xFFFFC000  }
0x55: {  	[tilespmem:s28], [sflag:$0x5] =	stream.linear.gather [hbm4b:s8+s28], $0x1400, $0x38;
	[tilespmem:$0x1E100] =	vst v63  }
0x56: {  	_ =	swait.ge [sflag:s14], $0x1400  }
0x57: {  	[sflag:s14] =	ssyncset.done $0x0  }
0x58: {  	[sflag:s14] =	ssyncadd.s32 $0xFFFFEC00  }
0x59: {  	[tilespmem:s15], [sflag:$0x5] =	stream.linear.gather [hbm4b:s9+s28], $0x1400, $0x38;
	[tilespmem:$0x1E100] =	vst v63  }
0x5a: {  	_ =	swait.ge [sflag:s14], $0x1400  }
0x5b: {  	[sflag:s14] =	ssyncset.done $0x0  }
0x5c: {  	[sflag:s14] =	ssyncadd.s32 $0xFFFFEC00  }
0x5d: {  	[tilespmem:s17], [sflag:$0x1] =	stream.indirect.gather [hbm4b:s0+s16], $0x80, s28, s16, $0xb8;
	[tilespmem:$0x1E100] =	vst v63  }
0x5e: {  	_ = 	snop  }
0x5f: {  	[tilespmem:s18], [sflag:$0x2] =	stream.indirect.gather [hbm4b:s0+s16], $0x80, s16, s16, $0xb8;
	[tilespmem:$0x1E100] =	vst v63  }
0x60: {  	_ =	swait.ge [sflag:s19], $0x4000  }
0x61: {  	[sflag:s19] =	ssyncset.done $0x0  }
0x62: {  	s28 =	simm.s32 $0x1400;
	[sflag:s19] =	ssyncadd.s32 $0xFFFFC000  }
0x63: {  	[spmem:s3] =	stream.indirect.scatter.add.f32 [tilespmem:s17], [sflag:$0x3], $0x80, s28, s16, $0xb8;
	[tilespmem:$0x1E100] =	vst v63  }
0x64: {  	_ =	swait.ge [sflag:s20], $0x4000  }
0x65: {  	[sflag:s20] =	ssyncset.done $0x0  }
0x66: {  	s28 =	simm.s32 $0x1480;
	[sflag:s20] =	ssyncadd.s32 $0xFFFFC000  }
0x67: {  	[spmem:s3] =	stream.indirect.scatter.add.f32 [tilespmem:s18], [sflag:$0x4], $0x80, s28, s16, $0xb8;
	[tilespmem:$0x1E100] =	vst v63  }
0x68: {  	_ =	swait.ge [sflag:s21], $0x4000  }
0x69: {  	[sflag:s21] =	ssyncset.done $0x0  }
0x6a: {  	s28 =	simm.s32 $0x100;
	[sflag:s21] =	ssyncadd.s32 $0xFFFFC000  }
0x6b: {  	[tilespmem:s17], [sflag:$0x1] =	stream.indirect.gather [hbm4b:s0+s16], $0x80, s28, s16, $0xb8;
	[tilespmem:$0x1E100] =	vst v63  }
0x6c: {  	_ =	swait.ge [sflag:s22], $0x4000  }
0x6d: {  	[sflag:s22] =	ssyncset.done $0x0  }
0x6e: {  	s29 =	simm.s32 $0x180;
	s28 =	simm.s32 $0x400;
	[sflag:s22] =	ssyncadd.s32 $0xFFFFC000  }
.LBB2_4:
0x6f: {  	[tilespmem:s18], [sflag:$0x2] =	stream.indirect.gather [hbm4b:s0+s16], $0x80, s29, s16, $0xb8;
	[tilespmem:$0x1E100] =	vst v63  }
0x70: {  	s29 =	smov.u32 s28  }
0x71: {  	p2 =	sne.s32 s28, $0x4800;
	s28 =	sadd.s32 $0x400, s28;
	_ =	swait.ge [sflag:s19], $0x4000  }
0x72: {  	s29 =	sshra.s32 s29, $0x2;
	[sflag:s19] =	ssyncset.done $0x0  }
0x73: {  	s30 =	sadd.s32 $0x1400, s29;
	[sflag:s19] =	ssyncadd.s32 $0xFFFFC000  }
0x74: {  	[spmem:s3] =	stream.indirect.scatter.add.f32 [tilespmem:s17], [sflag:$0x3], $0x80, s30, s16, $0xb8;
	[tilespmem:$0x1E100] =	vst v63  }
0x75: {  	_ =	swait.ge [sflag:s20], $0x4000  }
0x76: {  	[sflag:s20] =	ssyncset.done $0x0  }
0x77: {  	s30 =	sadd.s32 $0x1480, s29;
	[sflag:s20] =	ssyncadd.s32 $0xFFFFC000  }
0x78: {  	[spmem:s3] =	stream.indirect.scatter.add.f32 [tilespmem:s18], [sflag:$0x4], $0x80, s30, s16, $0xb8;
	[tilespmem:$0x1E100] =	vst v63  }
0x79: {  	_ =	swait.ge [sflag:s21], $0x4000  }
0x7a: {  	[sflag:s21] =	ssyncset.done $0x0  }
.Ltmp1:
0x7b: {  	s30 =	sadd.s32 $0x100, s29;
	[sflag:s21] =	ssyncadd.s32 $0xFFFFC000;
	(pc) =	sbr.rel @p2 .LBB2_4-.Ltmp1, $4  }
0x7c: {  	[tilespmem:s17], [sflag:$0x1] =	stream.indirect.gather [hbm4b:s0+s16], $0x80, s30, s16, $0xb8;
	[tilespmem:$0x1E100] =	vst v63  }
0x7d: {  	_ =	swait.ge [sflag:s22], $0x4000  }
0x7e: {  	[sflag:s22] =	ssyncset.done $0x0  }
0x7f: {  	s29 =	sadd.s32 $0x180, s29;
	[sflag:s22] =	ssyncadd.s32 $0xFFFFC000  }
0x80: {  	[tilespmem:s18], [sflag:$0x2] =	stream.indirect.gather [hbm4b:s0+s16], $0x80, s29, s16, $0xb8;
	[tilespmem:$0x1E100] =	vst v63  }
0x81: {  	_ =	swait.ge [sflag:s19], $0x4000  }
0x82: {  	[sflag:s19] =	ssyncset.done $0x0  }
0x83: {  	[sflag:s19] =	ssyncadd.s32 $0xFFFFC000  }
0x84: {  	[spmem:s3] =	stream.indirect.scatter.add.f32 [tilespmem:s17], [sflag:$0x3], $0x80, s23, s16, $0xb8;
	[tilespmem:$0x1E100] =	vst v63  }
0x85: {  	_ =	swait.ge [sflag:s20], $0x4000  }
0x86: {  	[sflag:s20] =	ssyncset.done $0x0  }
0x87: {  	[sflag:s20] =	ssyncadd.s32 $0xFFFFC000  }
0x88: {  	[spmem:s3] =	stream.indirect.scatter.add.f32 [tilespmem:s18], [sflag:$0x4], $0x80, s24, s16, $0xb8;
	[tilespmem:$0x1E100] =	vst v63  }
0x89: {  	_ =	swait.ge [sflag:s21], $0x4000  }
0x8a: {  	[sflag:s21] =	ssyncset.done $0x0  }
0x8b: {  	[sflag:s21] =	ssyncadd.s32 $0xFFFFC000  }
0x8c: {  	_ =	swait.ge [sflag:s22], $0x4000  }
0x8d: {  	[sflag:s22] =	ssyncset.done $0x0  }
0x8e: {  	s28 =	sshll.u32 @!p1 s2, $0x6;
	s26 =	sadd.s32 $0x1, s26;
	[sflag:s22] =	ssyncadd.s32 $0xFFFFC000  }
0x8f: {  	s28 =	sor.u32 @!p1 $0x1C05, s28;
	p2 =	sne.s32 s26, s11;
	[bflag:$0x0] =	sbarrier.arrive $0xFFFF  }
0x90: {  	[hbm:s10], [sflag:s28] =	dma.local @!p1 [spmem:s25], $0x7D00  }
.Ltmp2:
0x91: {  	_ = 	snop;
	(pc) =	sbr.rel @p2 .LBB2_1-.Ltmp2, $4  }
0x92: {  	s28 =	simm.s32 @!p1 $0x5  }
0x93: {  	_ =	swait.ge @!p1 [sflag:s28], $0x7D00  }
0x94: {  	[sflag:s28] =	ssyncset.done @!p1 $0x0  }
0x95: {  	[sflag:s28] =	ssyncadd.s32 @!p1 $0xFFFF8300  }
0x96: {  	_ =	sfence.sel $0x180000  }
0x97: {  	[bflag:$0x0] =	sbarrier.arrive $0xFFFF  }
0x98: {  	p0 =	sne.s32 s2, $0x0;
	_ =	strace $0x90000050  }
0x99: {  	s0 =	sadd.s32 @!p0 $0x100000, s1;
	[bflag:$0x2] =	sbarrier.arrive $0xFFFF  }
0x9a: {  	[sflag:s0] =	ssyncadd.tile.s32 @!p0 $0x1;
	_ =	shalt  }
.Lfunc_end2:
_tile_overlayer_lowered:
.L_overlay_start_2:
0x9b: {  	(tag) =	ssettag $0x2  }
0x9c: {  	s0 =	rddreg [dreg:$0x0];
	s2 =	stileid.u32  }
0x9d: {  	s1 =	rddreg [dreg:$0x1];
	p0 =	sne.s32 s2, $0x0  }
0x9e: {  	s3 =	rddreg [dreg:$0x2];
	[bflag:$0x3] =	sbarrier.arrive $0xFFFF;
	s2 =	simm.s32 @!p0 $0x1C05  }
0x9f: {  	[timem:s3], [sflag:s2] =	dma.local @!p0 [hbm:s0], s1  }
0xa0: {  	s0 =	simm.s32 @!p0 $0x5  }
0xa1: {  	_ =	swait.ge @!p0 [sflag:s0], s1  }
0xa2: {  	s1 =	ssub.s32 @!p0 $0x0, s1;
	[sflag:s0] =	ssyncset.done @!p0 $0x0  }
0xa3: {  	[sflag:s0] =	ssyncadd.s32 @!p0 s1  }
0xa4: {  	[bflag:$0x3] =	sbarrier.arrive $0xFFFF  }
0xa5: {  	_ =	shalt  }

</sc_bundles>
